<compile_context>
chip_gen: v7x
topology: tpu7x:2x2x1
jax: 0.10.2.dev20260603
libtpu: 0.0.44.dev20260713+nightly
codegen_flags: <defaults>
</compile_context>

<pallas_src>
import functools
import jax
import jax.numpy as jnp
from jax import lax
from jax.experimental import pallas as pl
from jax.experimental.pallas import tpu as pltpu
from jax.experimental.pallas import tpu_sc as plsc

N = 10000
E = 320000
NC, NS = 2, 16
NT = NC * NS
CH = 80
NCHUNK = 125
EPT = NCHUNK * CH
EP = NT * EPT
NP = 10240
RPT = NP // NS
RING = 4

@functools.cache
def _get_mesh():
  return plsc.VectorSubcoreMesh(
      core_axis_name="c", subcore_axis_name="s", num_cores=NC, num_subcores=NS)


@functools.cache
def _make_agg(F):

  @functools.partial(
      pl.kernel,
      out_type=jax.ShapeDtypeStruct((NC, NP, F), jnp.float32),
      mesh=_get_mesh(),
      compiler_params=pltpu.CompilerParams(use_tc_tiling_on_sc=False),
      scratch_types=[
          pltpu.VMEM((NCHUNK, CH), jnp.int32),
          pltpu.VMEM((NCHUNK, CH), jnp.int32),
          pltpu.VMEM((RING, CH, F), jnp.float32),
          pltpu.VMEM_SHARED((NP, F), jnp.float32),
          pltpu.VMEM_SHARED((NP, F), jnp.float32),
          [pltpu.SemaphoreType.DMA] * RING,
          [pltpu.SemaphoreType.DMA] * RING,
      ],
  )
  def agg(t_hbm, src_hbm, dst_hbm, zeros_hbm, out_hbm,
          src_v, dst_v, rows4, t_sh, acc_sh, gsems, ssems):
    cid = lax.axis_index("c")
    sid = lax.axis_index("s")
    g = cid * NS + sid
    r0 = sid * RPT
    pltpu.sync_copy(src_hbm.at[g], src_v)
    pltpu.sync_copy(dst_hbm.at[g], dst_v)
    pltpu.sync_copy(t_hbm.at[pl.ds(r0, RPT)], t_sh.at[pl.ds(r0, RPT)])
    pltpu.sync_copy(zeros_hbm, acc_sh.at[pl.ds(r0, RPT)])
    plsc.subcore_barrier()

    def g_issue(j, b):
      pltpu.async_copy(t_sh.at[src_v.at[j]], rows4.at[b], gsems[b])

    def g_wait(j, b):
      pltpu.make_async_copy(t_sh.at[src_v.at[j]], rows4.at[b], gsems[b]).wait()

    def s_issue(j, b):
      pltpu.async_copy(rows4.at[b], acc_sh.at[dst_v.at[j]], ssems[b], add=True)

    def s_wait(j, b):
      pltpu.make_async_copy(rows4.at[b], acc_sh.at[dst_v.at[j]], ssems[b]).wait()

    H = RING // 2
    for j in range(H):
      g_issue(j, j)

    def maybe_when(cond, fn):
      if isinstance(cond, bool):
        if cond:
          fn()
      else:
        pl.when(cond)(fn)

    def step(j, b):
      g_wait(j, b)
      s_issue(j, b)
      bn = (b + H) % RING
      maybe_when(j >= H, lambda: s_wait(j - H, bn))
      maybe_when(j + H < NCHUNK, lambda: g_issue(j + H, bn))

    def turn(k, carry):
      for i in range(RING):
        step(RING * k + i, i)
      return carry

    lax.fori_loop(0, NCHUNK // RING, turn, 0)
    for j in range(NCHUNK - NCHUNK % RING, NCHUNK):
      step(j, j % RING)
    for j in range(NCHUNK - H, NCHUNK):
      s_wait(j, j % RING)
    plsc.subcore_barrier()
    pltpu.sync_copy(acc_sh.at[pl.ds(r0, RPT)], out_hbm.at[cid, pl.ds(r0, RPT)])

  return agg


@functools.cache
def _make_deg():
  @functools.partial(
      pl.kernel,
      out_type=jax.ShapeDtypeStruct((NC, NP), jnp.float32),
      mesh=_get_mesh(),
      compiler_params=pltpu.CompilerParams(use_tc_tiling_on_sc=False),
      scratch_types=[
          pltpu.VMEM((NCHUNK, CH), jnp.int32),
          pltpu.VMEM((CH,), jnp.float32),
          pltpu.VMEM_SHARED((NP,), jnp.float32),
      ],
  )
  def deg(dst_hbm, zeros_hbm, out_hbm, dst_v, ones_v, deg_sh):
    cid = lax.axis_index("c")
    sid = lax.axis_index("s")
    g = cid * NS + sid
    r0 = sid * RPT
    pltpu.sync_copy(dst_hbm.at[g], dst_v)
    for i in range(CH // 16):
      ones_v[pl.ds(i * 16, 16)] = jnp.ones((16,), jnp.float32)
    pltpu.sync_copy(zeros_hbm, deg_sh.at[pl.ds(r0, RPT)])
    plsc.subcore_barrier()

    def chunk(j, carry):
      pltpu.sync_copy(ones_v, deg_sh.at[dst_v.at[j]], add=True)
      return carry

    lax.fori_loop(0, NCHUNK, chunk, 0)
    plsc.subcore_barrier()
    pltpu.sync_copy(deg_sh.at[pl.ds(r0, RPT)], out_hbm.at[cid, pl.ds(r0, RPT)])

  return deg



def _tc_a_body(x_ref, w_ref, degt_ref, t_ref, dinv_ref):
  d = degt_ref[:N, 0:1] + degt_ref[:N, 1:2] + 1.0
  dinv = lax.rsqrt(d)
  dinv_ref[...] = dinv
  xw = jnp.dot(x_ref[...], w_ref[...], preferred_element_type=jnp.float32)
  t_ref[:N, :] = xw * dinv
  t_ref[N:, :] = jnp.zeros((NP - N, t_ref.shape[1]), jnp.float32)


def _make_tc_mid(F_in, F_out, relu):
  def body(agg_ref, t_ref, dinv_ref, b_ref, w_ref, t2_ref):
    dinv = dinv_ref[...]
    h = dinv * (agg_ref[0, :N, :] + agg_ref[1, :N, :] + t_ref[:N, :]) + b_ref[...]
    if relu:
      h = jnp.maximum(h, 0.0)
    hw = jnp.dot(h, w_ref[...], preferred_element_type=jnp.float32)
    t2_ref[:N, :hw.shape[1]] = hw * dinv
    if F_out > hw.shape[1]:
      t2_ref[:N, hw.shape[1]:] = jnp.zeros((N, F_out - hw.shape[1]), jnp.float32)
    t2_ref[N:, :] = jnp.zeros((NP - N, F_out), jnp.float32)
  return body


def _tc_final_body(agg_ref, t_ref, dinv_ref, b_ref, out_ref):
  out_ref[...] = (
      dinv_ref[...] * (agg_ref[0, :N, :4] + agg_ref[1, :N, :4] + t_ref[:N, :4])
      + b_ref[...])


_tc_a = pl.pallas_call(
    _tc_a_body,
    out_shape=[jax.ShapeDtypeStruct((NP, 64), jnp.float32),
               jax.ShapeDtypeStruct((N, 1), jnp.float32)],
)
_tc_b = pl.pallas_call(
    _make_tc_mid(64, 64, relu=True),
    out_shape=jax.ShapeDtypeStruct((NP, 64), jnp.float32),
)
_tc_c = pl.pallas_call(
    _make_tc_mid(64, 16, relu=False),
    out_shape=jax.ShapeDtypeStruct((NP, 16), jnp.float32),
)
_tc_d = pl.pallas_call(
    _tc_final_body,
    out_shape=jax.ShapeDtypeStruct((N, 4), jnp.float32),
)


@jax.jit
def kernel(x, edge_index, W1, b1, W2, b2, W3, b3):
  ei3 = edge_index.astype(jnp.int32).reshape(2, NT, NCHUNK, CH)
  src = ei3[0]
  dst = ei3[1]
  zeros64 = jnp.zeros((RPT, 64), jnp.float32)
  zeros16 = jnp.zeros((RPT, 16), jnp.float32)
  zeros1 = jnp.zeros((RPT,), jnp.float32)

  agg64 = _make_agg(64)
  agg16 = _make_agg(16)
  degp = _make_deg()(dst, zeros1)
  degt = degp.T
  t1, dinv = _tc_a(x, W1, degt)
  agg1 = agg64(t1, src, dst, zeros64)
  t2 = _tc_b(agg1, t1, dinv, b1.reshape(1, 64), W2)
  agg2 = agg64(t2, src, dst, zeros64)
  t3 = _tc_c(agg2, t2, dinv, b2.reshape(1, 64), W3)
  agg3 = agg16(t3, src, dst, zeros16)
  return _tc_d(agg3, t3, dinv, b3.reshape(1, 4))

# --- scband reference (transcript-rebuilt; emitter-appended) ---
"""Pipeline reference for scband-gcn-54906861912516 (READ-ONLY COPY).

The authoritative reference and input builder live on the scoring server;
editing this copy changes nothing except your own understanding.
"""

import jax, jax.numpy as jnp
import numpy as np

N_NODES = 10000

def _glorot(key, shape):
    fan_in, fan_out = shape[0], shape[1]
    limit = float(np.sqrt(6.0 / (fan_in + fan_out)))
    return jax.random.uniform(key, shape, dtype=jnp.float32, minval=-limit, maxval=limit)

def setup_inputs(seed: int = 0) -> dict:
    key = jax.random.key(seed)
    ks = jax.random.split(key, 8)
    x = jax.random.normal(ks[0], (N_NODES, 128), dtype=jnp.float32)
    edge_index = jax.random.randint(ks[1], (2, 320000), 0, N_NODES, dtype=jnp.int64)
    W1 = _glorot(ks[2], (128, 64)); b1 = jnp.zeros((64,), dtype=jnp.float32)
    W2 = _glorot(ks[3], (64, 64)); b2 = jnp.zeros((64,), dtype=jnp.float32)
    W3 = _glorot(ks[4], (64, 4)); b3 = jnp.zeros((4,), dtype=jnp.float32)
    return {"x": x, "edge_index": edge_index, "W1": W1, "b1": b1, "W2": W2, "b2": b2, "W3": W3, "b3": b3}

def gcn_conv(x, edge_index, W, b, num_nodes):
    # GCNConv with self-loops and symmetric normalization (PyG default)
    src = edge_index[0]
    dst = edge_index[1]
    loop = jnp.arange(num_nodes, dtype=src.dtype)
    src = jnp.concatenate([src, loop])
    dst = jnp.concatenate([dst, loop])
    deg = jnp.zeros((num_nodes,), dtype=jnp.float32).at[dst].add(1.0)
    deg_inv_sqrt = jnp.where(deg > 0, deg ** -0.5, 0.0)
    norm = deg_inv_sqrt[src] * deg_inv_sqrt[dst]
    xw = x @ W
    msgs = xw[src] * norm[:, None]
    out = jnp.zeros((num_nodes, W.shape[1]), dtype=jnp.float32).at[dst].add(msgs)
    return out + b

def reference(x, edge_index, W1, b1, W2, b2, W3, b3):
    n = x.shape[0]
    h = gcn_conv(x, edge_index, W1, b1, n)
    h = jax.nn.relu(h)
    # dropout is identity in eval mode (training=False)
    h = gcn_conv(h, edge_index, W2, b2, n)
    h = gcn_conv(h, edge_index, W3, b3, n)
    return h

if __name__ == "__main__":
    import jax
    _d = setup_inputs()
    print(jax.jit(kernel)(*tuple(_d.values())))

</pallas_src>

<mosaic_0001>
#map = affine_map<(d0, d1) -> (0, 0)>
#map1 = affine_map<(d0, d1) -> (0, 0, 0)>
module attributes {stable_mosaic.version = 14 : i64} {
  func.func @agg(%arg0: i32, %arg1: i32, %arg2: memref<10240x64xf32, #tpu.memory_space<hbm>>, %arg3: memref<32x125x80xi32, #tpu.memory_space<hbm>>, %arg4: memref<32x125x80xi32, #tpu.memory_space<hbm>>, %arg5: memref<640x64xf32, #tpu.memory_space<hbm>>, %arg6: memref<2x10240x64xf32, #tpu.memory_space<hbm>>, %arg7: memref<125x80xi32, #tpu.memory_space<vmem>>, %arg8: memref<125x80xi32, #tpu.memory_space<vmem>>, %arg9: memref<4x80x64xf32, #tpu.memory_space<vmem>>, %arg10: memref<10240x64xf32, #tpu.memory_space<vmem_shared>>, %arg11: memref<10240x64xf32, #tpu.memory_space<vmem_shared>>, %arg12: memref<!tpu.dma_semaphore, #tpu.memory_space<semaphore_mem>>, %arg13: memref<!tpu.dma_semaphore, #tpu.memory_space<semaphore_mem>>, %arg14: memref<!tpu.dma_semaphore, #tpu.memory_space<semaphore_mem>>, %arg15: memref<!tpu.dma_semaphore, #tpu.memory_space<semaphore_mem>>, %arg16: memref<!tpu.dma_semaphore, #tpu.memory_space<semaphore_mem>>, %arg17: memref<!tpu.dma_semaphore, #tpu.memory_space<semaphore_mem>>, %arg18: memref<!tpu.dma_semaphore, #tpu.memory_space<semaphore_mem>>, %arg19: memref<!tpu.dma_semaphore, #tpu.memory_space<semaphore_mem>>) attributes {dimension_semantics = [#tpu.dimension_semantics<core_parallel>, #tpu.dimension_semantics<subcore_parallel>], iteration_bounds = array<i64: 2, 16>, scalar_prefetch = 0 : i64, scratch_operands = 13 : i64, tpu.core_type = #tpu.core_type<sc_vector_subcore>, window_params = [{transform_indices = #map}, {transform_indices = #map1}, {transform_indices = #map1}, {transform_indices = #map}, {transform_indices = #map1}]} {
    %mul3A = arith.constant 16 : i32
    %mul3A_0 = arith.muli %arg0, %mul3A : i32
    %add3A = arith.addi %mul3A_0, %arg1 : i32
    %mul3A_1 = arith.constant 640 : i32
    %mul3A_2 = arith.muli %arg1, %mul3A_1 : i32
    "tpu.region"() ({
      %run_scoped3A = tpu.sem_alloc : memref<!tpu.dma_semaphore, #tpu.memory_space<semaphore_mem>>
      %dma_start3A_91 = arith.constant 0 : i32
      %dma_start3A_92 = arith.constant 0 : i32
      %dma_start3A_93 = tpu.memref_slice %arg3[%add3A, %dma_start3A_91, %dma_start3A_92] : memref<32x125x80xi32, #tpu.memory_space<hbm>> -> memref<1x125x80xi32, #tpu.memory_space<hbm>>
      %dma_start3A_94 = tpu.memref_squeeze %dma_start3A_93 : memref<1x125x80xi32, #tpu.memory_space<hbm>> -> memref<125x80xi32, #tpu.memory_space<hbm>>
      %dma_start3A_95 = arith.constant 0 : i32
      %dma_start3A_96 = arith.constant 0 : i32
      %dma_start3A_97 = tpu.memref_slice %arg3[%add3A, %dma_start3A_95, %dma_start3A_96] : memref<32x125x80xi32, #tpu.memory_space<hbm>> -> memref<1x125x80xi32, #tpu.memory_space<hbm>>
      %dma_start3A_98 = tpu.memref_squeeze %dma_start3A_97 : memref<1x125x80xi32, #tpu.memory_space<hbm>> -> memref<125x80xi32, #tpu.memory_space<hbm>>
      tpu.enqueue_dma source(%dma_start3A_98 : memref<125x80xi32, #tpu.memory_space<hbm>>) target(%arg7 : memref<125x80xi32, #tpu.memory_space<vmem>>) target_semaphore(%run_scoped3A : memref<!tpu.dma_semaphore, #tpu.memory_space<semaphore_mem>>)
      %dma_wait3A_99 = arith.constant 0 : i32
      %dma_wait3A_100 = arith.constant 0 : i32
      %dma_wait3A_101 = tpu.memref_slice %arg3[%add3A, %dma_wait3A_99, %dma_wait3A_100] : memref<32x125x80xi32, #tpu.memory_space<hbm>> -> memref<1x125x80xi32, #tpu.memory_space<hbm>>
      %dma_wait3A_102 = tpu.memref_squeeze %dma_wait3A_101 : memref<1x125x80xi32, #tpu.memory_space<hbm>> -> memref<125x80xi32, #tpu.memory_space<hbm>>
      %dma_wait3A_103 = arith.constant 0 : i32
      %dma_wait3A_104 = arith.constant 0 : i32
      %dma_wait3A_105 = tpu.memref_slice %arg3[%add3A, %dma_wait3A_103, %dma_wait3A_104] : memref<32x125x80xi32, #tpu.memory_space<hbm>> -> memref<1x125x80xi32, #tpu.memory_space<hbm>>
      %dma_wait3A_106 = tpu.memref_squeeze %dma_wait3A_105 : memref<1x125x80xi32, #tpu.memory_space<hbm>> -> memref<125x80xi32, #tpu.memory_space<hbm>>
      tpu.wait_dma2 semaphore(%run_scoped3A : memref<!tpu.dma_semaphore, #tpu.memory_space<semaphore_mem>>) src(%dma_wait3A_106 : memref<125x80xi32, #tpu.memory_space<hbm>>) dst(%arg7 : memref<125x80xi32, #tpu.memory_space<vmem>>)
      tpu.yield
    }) : () -> ()
    "tpu.region"() ({
      %run_scoped3A = tpu.sem_alloc : memref<!tpu.dma_semaphore, #tpu.memory_space<semaphore_mem>>
      %dma_start3A_91 = arith.constant 0 : i32
      %dma_start3A_92 = arith.constant 0 : i32
      %dma_start3A_93 = tpu.memref_slice %arg4[%add3A, %dma_start3A_91, %dma_start3A_92] : memref<32x125x80xi32, #tpu.memory_space<hbm>> -> memref<1x125x80xi32, #tpu.memory_space<hbm>>
      %dma_start3A_94 = tpu.memref_squeeze %dma_start3A_93 : memref<1x125x80xi32, #tpu.memory_space<hbm>> -> memref<125x80xi32, #tpu.memory_space<hbm>>
      %dma_start3A_95 = arith.constant 0 : i32
      %dma_start3A_96 = arith.constant 0 : i32
      %dma_start3A_97 = tpu.memref_slice %arg4[%add3A, %dma_start3A_95, %dma_start3A_96] : memref<32x125x80xi32, #tpu.memory_space<hbm>> -> memref<1x125x80xi32, #tpu.memory_space<hbm>>
      %dma_start3A_98 = tpu.memref_squeeze %dma_start3A_97 : memref<1x125x80xi32, #tpu.memory_space<hbm>> -> memref<125x80xi32, #tpu.memory_space<hbm>>
      tpu.enqueue_dma source(%dma_start3A_98 : memref<125x80xi32, #tpu.memory_space<hbm>>) target(%arg8 : memref<125x80xi32, #tpu.memory_space<vmem>>) target_semaphore(%run_scoped3A : memref<!tpu.dma_semaphore, #tpu.memory_space<semaphore_mem>>)
      %dma_wait3A_99 = arith.constant 0 : i32
      %dma_wait3A_100 = arith.constant 0 : i32
      %dma_wait3A_101 = tpu.memref_slice %arg4[%add3A, %dma_wait3A_99, %dma_wait3A_100] : memref<32x125x80xi32, #tpu.memory_space<hbm>> -> memref<1x125x80xi32, #tpu.memory_space<hbm>>
      %dma_wait3A_102 = tpu.memref_squeeze %dma_wait3A_101 : memref<1x125x80xi32, #tpu.memory_space<hbm>> -> memref<125x80xi32, #tpu.memory_space<hbm>>
      %dma_wait3A_103 = arith.constant 0 : i32
      %dma_wait3A_104 = arith.constant 0 : i32
      %dma_wait3A_105 = tpu.memref_slice %arg4[%add3A, %dma_wait3A_103, %dma_wait3A_104] : memref<32x125x80xi32, #tpu.memory_space<hbm>> -> memref<1x125x80xi32, #tpu.memory_space<hbm>>
      %dma_wait3A_106 = tpu.memref_squeeze %dma_wait3A_105 : memref<1x125x80xi32, #tpu.memory_space<hbm>> -> memref<125x80xi32, #tpu.memory_space<hbm>>
      tpu.wait_dma2 semaphore(%run_scoped3A : memref<!tpu.dma_semaphore, #tpu.memory_space<semaphore_mem>>) src(%dma_wait3A_106 : memref<125x80xi32, #tpu.memory_space<hbm>>) dst(%arg8 : memref<125x80xi32, #tpu.memory_space<vmem>>)
      tpu.yield
    }) : () -> ()
    "tpu.region"() ({
      %run_scoped3A = tpu.sem_alloc : memref<!tpu.dma_semaphore, #tpu.memory_space<semaphore_mem>>
      %dma_start3A_91 = arith.constant 0 : i32
      %dma_start3A_92 = tpu.memref_slice %arg10[%mul3A_2, %dma_start3A_91] : memref<10240x64xf32, #tpu.memory_space<vmem_shared>> -> memref<640x64xf32, #tpu.memory_space<vmem_shared>>
      %dma_start3A_93 = arith.constant 0 : i32
      %dma_start3A_94 = tpu.memref_slice %arg2[%mul3A_2, %dma_start3A_93] : memref<10240x64xf32, #tpu.memory_space<hbm>> -> memref<640x64xf32, #tpu.memory_space<hbm>>
      tpu.enqueue_dma source(%dma_start3A_94 : memref<640x64xf32, #tpu.memory_space<hbm>>) target(%dma_start3A_92 : memref<640x64xf32, #tpu.memory_space<vmem_shared>>) target_semaphore(%run_scoped3A : memref<!tpu.dma_semaphore, #tpu.memory_space<semaphore_mem>>)
      %dma_wait3A_95 = arith.constant 0 : i32
      %dma_wait3A_96 = tpu.memref_slice %arg10[%mul3A_2, %dma_wait3A_95] : memref<10240x64xf32, #tpu.memory_space<vmem_shared>> -> memref<640x64xf32, #tpu.memory_space<vmem_shared>>
      %dma_wait3A_97 = arith.constant 0 : i32
      %dma_wait3A_98 = tpu.memref_slice %arg2[%mul3A_2, %dma_wait3A_97] : memref<10240x64xf32, #tpu.memory_space<hbm>> -> memref<640x64xf32, #tpu.memory_space<hbm>>
      tpu.wait_dma2 semaphore(%run_scoped3A : memref<!tpu.dma_semaphore, #tpu.memory_space<semaphore_mem>>) src(%dma_wait3A_98 : memref<640x64xf32, #tpu.memory_space<hbm>>) dst(%dma_wait3A_96 : memref<640x64xf32, #tpu.memory_space<vmem_shared>>)
      tpu.yield
    }) : () -> ()
    "tpu.region"() ({
      %run_scoped3A = tpu.sem_alloc : memref<!tpu.dma_semaphore, #tpu.memory_space<semaphore_mem>>
      %dma_start3A_91 = arith.constant 0 : i32
      %dma_start3A_92 = tpu.memref_slice %arg11[%mul3A_2, %dma_start3A_91] : memref<10240x64xf32, #tpu.memory_space<vmem_shared>> -> memref<640x64xf32, #tpu.memory_space<vmem_shared>>
      tpu.enqueue_dma source(%arg5 : memref<640x64xf32, #tpu.memory_space<hbm>>) target(%dma_start3A_92 : memref<640x64xf32, #tpu.memory_space<vmem_shared>>) target_semaphore(%run_scoped3A : memref<!tpu.dma_semaphore, #tpu.memory_space<semaphore_mem>>)
      %dma_wait3A_93 = arith.constant 0 : i32
      %dma_wait3A_94 = tpu.memref_slice %arg11[%mul3A_2, %dma_wait3A_93] : memref<10240x64xf32, #tpu.memory_space<vmem_shared>> -> memref<640x64xf32, #tpu.memory_space<vmem_shared>>
      tpu.wait_dma2 semaphore(%run_scoped3A : memref<!tpu.dma_semaphore, #tpu.memory_space<semaphore_mem>>) src(%arg5 : memref<640x64xf32, #tpu.memory_space<hbm>>) dst(%dma_wait3A_94 : memref<640x64xf32, #tpu.memory_space<vmem_shared>>)
      tpu.yield
    }) : () -> ()
    %barrier3A = arith.constant 0 : index
    tpu.barrier barrier_id(%barrier3A)
    %dma_start3A = arith.constant 0 : i32
    %dma_start3A_3 = arith.constant 0 : i32
    %dma_start3A_4 = arith.constant 0 : i32
    %dma_start3A_5 = arith.constant 0 : i32
    %dma_start3A_6 = tpu.memref_slice %arg9[%dma_start3A_3, %dma_start3A_4, %dma_start3A_5] : memref<4x80x64xf32, #tpu.memory_space<vmem>> -> memref<1x80x64xf32, #tpu.memory_space<vmem>>
    %dma_start3A_7 = tpu.memref_squeeze %dma_start3A_6 : memref<1x80x64xf32, #tpu.memory_space<vmem>> -> memref<80x64xf32, #tpu.memory_space<vmem>>
    %dma_start3A_8 = arith.constant 0 : i32
    %dma_start3A_9 = tpu.memref_slice %arg7[%dma_start3A, %dma_start3A_8] : memref<125x80xi32, #tpu.memory_space<vmem>> -> memref<1x80xi32, #tpu.memory_space<vmem>>
    %dma_start3A_10 = tpu.memref_squeeze %dma_start3A_9 : memref<1x80xi32, #tpu.memory_space<vmem>> -> memref<80xi32, #tpu.memory_space<vmem>>
    %dma_start3A_11 = arith.constant 0 : i32
    %dma_start3A_12 = arith.constant 0 : i32
    %dma_start3A_13 = tpu.memref_slice %arg10[%dma_start3A_11, %dma_start3A_12] : memref<10240x64xf32, #tpu.memory_space<vmem_shared>> -> memref<10240x64xf32, #tpu.memory_space<vmem_shared>>
    tpu.enqueue_indirect_dma source(%dma_start3A_13 : memref<10240x64xf32, #tpu.memory_space<vmem_shared>>) target(%dma_start3A_7 : memref<80x64xf32, #tpu.memory_space<vmem>>) offsets(%dma_start3A_10 : memref<80xi32, #tpu.memory_space<vmem>>) semaphore(%arg12 : memref<!tpu.dma_semaphore, #tpu.memory_space<semaphore_mem>>)
    %dma_start3A_14 = arith.constant 1 : i32
    %dma_start3A_15 = arith.constant 1 : i32
    %dma_start3A_16 = arith.constant 0 : i32
    %dma_start3A_17 = arith.constant 0 : i32
    %dma_start3A_18 = tpu.memref_slice %arg9[%dma_start3A_15, %dma_start3A_16, %dma_start3A_17] : memref<4x80x64xf32, #tpu.memory_space<vmem>> -> memref<1x80x64xf32, #tpu.memory_space<vmem>>
    %dma_start3A_19 = tpu.memref_squeeze %dma_start3A_18 : memref<1x80x64xf32, #tpu.memory_space<vmem>> -> memref<80x64xf32, #tpu.memory_space<vmem>>
    %dma_start3A_20 = arith.constant 0 : i32
    %dma_start3A_21 = tpu.memref_slice %arg7[%dma_start3A_14, %dma_start3A_20] : memref<125x80xi32, #tpu.memory_space<vmem>> -> memref<1x80xi32, #tpu.memory_space<vmem>>
    %dma_start3A_22 = tpu.memref_squeeze %dma_start3A_21 : memref<1x80xi32, #tpu.memory_space<vmem>> -> memref<80xi32, #tpu.memory_space<vmem>>
    %dma_start3A_23 = arith.constant 0 : i32
    %dma_start3A_24 = arith.constant 0 : i32
    %dma_start3A_25 = tpu.memref_slice %arg10[%dma_start3A_23, %dma_start3A_24] : memref<10240x64xf32, #tpu.memory_space<vmem_shared>> -> memref<10240x64xf32, #tpu.memory_space<vmem_shared>>
    tpu.enqueue_indirect_dma source(%dma_start3A_25 : memref<10240x64xf32, #tpu.memory_space<vmem_shared>>) target(%dma_start3A_19 : memref<80x64xf32, #tpu.memory_space<vmem>>) offsets(%dma_start3A_22 : memref<80xi32, #tpu.memory_space<vmem>>) semaphore(%arg13 : memref<!tpu.dma_semaphore, #tpu.memory_space<semaphore_mem>>)
    %scan3A = arith.constant 0 : i32
    %scan3A_26 = arith.constant 0 : i32
    %scan3A_27 = arith.constant 31 : i32
    %scan3A_28 = arith.addi %scan3A_26, %scan3A_27 : i32
    %scan3A_29 = arith.constant 1 : i32
    scf.for %scan3A_91 = %scan3A_26 to %scan3A_28 step %scan3A_29  : i32 {
      %mul3A_92 = arith.constant 4 : i32
      %mul3A_93 = arith.muli %mul3A_92, %scan3A_91 : i32
      %add3A_94 = arith.constant 0 : i32
      %add3A_95 = arith.addi %mul3A_93, %add3A_94 : i32
      %dma_wait3A_96 = arith.constant 0 : i32
      %dma_wait3A_97 = arith.constant 0 : i32
      %dma_wait3A_98 = arith.constant 0 : i32
      %dma_wait3A_99 = tpu.memref_slice %arg9[%dma_wait3A_96, %dma_wait3A_97, %dma_wait3A_98] : memref<4x80x64xf32, #tpu.memory_space<vmem>> -> memref<1x80x64xf32, #tpu.memory_space<vmem>>
      %dma_wait3A_100 = tpu.memref_squeeze %dma_wait3A_99 : memref<1x80x64xf32, #tpu.memory_space<vmem>> -> memref<80x64xf32, #tpu.memory_space<vmem>>
      %dma_wait3A_101 = arith.constant 0 : i32
      %dma_wait3A_102 = tpu.memref_slice %arg7[%add3A_95, %dma_wait3A_101] : memref<125x80xi32, #tpu.memory_space<vmem>> -> memref<1x80xi32, #tpu.memory_space<vmem>>
      %dma_wait3A_103 = tpu.memref_squeeze %dma_wait3A_102 : memref<1x80xi32, #tpu.memory_space<vmem>> -> memref<80xi32, #tpu.memory_space<vmem>>
      %dma_wait3A_104 = arith.constant 0 : i32
      %dma_wait3A_105 = arith.constant 0 : i32
      %dma_wait3A_106 = tpu.memref_slice %arg10[%dma_wait3A_104, %dma_wait3A_105] : memref<10240x64xf32, #tpu.memory_space<vmem_shared>> -> memref<10240x64xf32, #tpu.memory_space<vmem_shared>>
      tpu.wait_indirect_dma semaphore(%arg12 : memref<!tpu.dma_semaphore, #tpu.memory_space<semaphore_mem>>) src(%dma_wait3A_106 : memref<10240x64xf32, #tpu.memory_space<vmem_shared>>) dst(%dma_wait3A_100 : memref<80x64xf32, #tpu.memory_space<vmem>>)
      %dma_start3A_107 = arith.constant 0 : i32
      %dma_start3A_108 = arith.constant 0 : i32
      %dma_start3A_109 = arith.constant 0 : i32
      %dma_start3A_110 = tpu.memref_slice %arg9[%dma_start3A_107, %dma_start3A_108, %dma_start3A_109] : memref<4x80x64xf32, #tpu.memory_space<vmem>> -> memref<1x80x64xf32, #tpu.memory_space<vmem>>
      %dma_start3A_111 = tpu.memref_squeeze %dma_start3A_110 : memref<1x80x64xf32, #tpu.memory_space<vmem>> -> memref<80x64xf32, #tpu.memory_space<vmem>>
      %dma_start3A_112 = arith.constant 0 : i32
      %dma_start3A_113 = tpu.memref_slice %arg8[%add3A_95, %dma_start3A_112] : memref<125x80xi32, #tpu.memory_space<vmem>> -> memref<1x80xi32, #tpu.memory_space<vmem>>
      %dma_start3A_114 = tpu.memref_squeeze %dma_start3A_113 : memref<1x80xi32, #tpu.memory_space<vmem>> -> memref<80xi32, #tpu.memory_space<vmem>>
      %dma_start3A_115 = arith.constant 0 : i32
      %dma_start3A_116 = arith.constant 0 : i32
      %dma_start3A_117 = tpu.memref_slice %arg11[%dma_start3A_115, %dma_start3A_116] : memref<10240x64xf32, #tpu.memory_space<vmem_shared>> -> memref<10240x64xf32, #tpu.memory_space<vmem_shared>>
      tpu.enqueue_indirect_dma source(%dma_start3A_111 : memref<80x64xf32, #tpu.memory_space<vmem>>) target(%dma_start3A_117 : memref<10240x64xf32, #tpu.memory_space<vmem_shared>>) offsets(%dma_start3A_114 : memref<80xi32, #tpu.memory_space<vmem>>) semaphore(%arg16 : memref<!tpu.dma_semaphore, #tpu.memory_space<semaphore_mem>>) {add = true}
      %ge3A = arith.constant 2 : i32
      %ge3A_118 = arith.cmpi sge, %add3A_95, %ge3A : i32
      %convert_element_type3A = arith.extui %ge3A_118 : i1 to i32
      %cond3A = arith.constant 0 : i32
      %cond3A_119 = arith.cmpi ne, %convert_element_type3A, %cond3A : i32
      scf.if %cond3A_119 {
        %sub3A = arith.constant 2 : i32
        %sub3A_240 = arith.subi %add3A_95, %sub3A : i32
        %dma_wait3A_241 = arith.constant 2 : i32
        %dma_wait3A_242 = arith.constant 0 : i32
        %dma_wait3A_243 = arith.constant 0 : i32
        %dma_wait3A_244 = tpu.memref_slice %arg9[%dma_wait3A_241, %dma_wait3A_242, %dma_wait3A_243] : memref<4x80x64xf32, #tpu.memory_space<vmem>> -> memref<1x80x64xf32, #tpu.memory_space<vmem>>
        %dma_wait3A_245 = tpu.memref_squeeze %dma_wait3A_244 : memref<1x80x64xf32, #tpu.memory_space<vmem>> -> memref<80x64xf32, #tpu.memory_space<vmem>>
        %dma_wait3A_246 = arith.constant 0 : i32
        %dma_wait3A_247 = tpu.memref_slice %arg8[%sub3A_240, %dma_wait3A_246] : memref<125x80xi32, #tpu.memory_space<vmem>> -> memref<1x80xi32, #tpu.memory_space<vmem>>
        %dma_wait3A_248 = tpu.memref_squeeze %dma_wait3A_247 : memref<1x80xi32, #tpu.memory_space<vmem>> -> memref<80xi32, #tpu.memory_space<vmem>>
        %dma_wait3A_249 = arith.constant 0 : i32
        %dma_wait3A_250 = arith.constant 0 : i32
        %dma_wait3A_251 = tpu.memref_slice %arg11[%dma_wait3A_249, %dma_wait3A_250] : memref<10240x64xf32, #tpu.memory_space<vmem_shared>> -> memref<10240x64xf32, #tpu.memory_space<vmem_shared>>
        tpu.wait_indirect_dma semaphore(%arg18 : memref<!tpu.dma_semaphore, #tpu.memory_space<semaphore_mem>>) src(%dma_wait3A_245 : memref<80x64xf32, #tpu.memory_space<vmem>>) dst(%dma_wait3A_251 : memref<10240x64xf32, #tpu.memory_space<vmem_shared>>)
      } else {
      }
      %add3A_120 = arith.constant 2 : i32
      %add3A_121 = arith.addi %add3A_95, %add3A_120 : i32
      %lt3A = arith.constant 125 : i32
      %lt3A_122 = arith.cmpi slt, %add3A_121, %lt3A : i32
      %convert_element_type3A_123 = arith.extui %lt3A_122 : i1 to i32
      %cond3A_124 = arith.constant 0 : i32
      %cond3A_125 = arith.cmpi ne, %convert_element_type3A_123, %cond3A_124 : i32
      scf.if %cond3A_125 {
        %add3A_240 = arith.constant 2 : i32
        %add3A_241 = arith.addi %add3A_95, %add3A_240 : i32
        %dma_start3A_242 = arith.constant 2 : i32
        %dma_start3A_243 = arith.constant 0 : i32
        %dma_start3A_244 = arith.constant 0 : i32
        %dma_start3A_245 = tpu.memref_slice %arg9[%dma_start3A_242, %dma_start3A_243, %dma_start3A_244] : memref<4x80x64xf32, #tpu.memory_space<vmem>> -> memref<1x80x64xf32, #tpu.memory_space<vmem>>
        %dma_start3A_246 = tpu.memref_squeeze %dma_start3A_245 : memref<1x80x64xf32, #tpu.memory_space<vmem>> -> memref<80x64xf32, #tpu.memory_space<vmem>>
        %dma_start3A_247 = arith.constant 0 : i32
        %dma_start3A_248 = tpu.memref_slice %arg7[%add3A_241, %dma_start3A_247] : memref<125x80xi32, #tpu.memory_space<vmem>> -> memref<1x80xi32, #tpu.memory_space<vmem>>
        %dma_start3A_249 = tpu.memref_squeeze %dma_start3A_248 : memref<1x80xi32, #tpu.memory_space<vmem>> -> memref<80xi32, #tpu.memory_space<vmem>>
        %dma_start3A_250 = arith.constant 0 : i32
        %dma_start3A_251 = arith.constant 0 : i32
        %dma_start3A_252 = tpu.memref_slice %arg10[%dma_start3A_250, %dma_start3A_251] : memref<10240x64xf32, #tpu.memory_space<vmem_shared>> -> memref<10240x64xf32, #tpu.memory_space<vmem_shared>>
        tpu.enqueue_indirect_dma source(%dma_start3A_252 : memref<10240x64xf32, #tpu.memory_space<vmem_shared>>) target(%dma_start3A_246 : memref<80x64xf32, #tpu.memory_space<vmem>>) offsets(%dma_start3A_249 : memref<80xi32, #tpu.memory_space<vmem>>) semaphore(%arg14 : memref<!tpu.dma_semaphore, #tpu.memory_space<semaphore_mem>>)
      } else {
      }
      %mul3A_126 = arith.constant 4 : i32
      %mul3A_127 = arith.muli %mul3A_126, %scan3A_91 : i32
      %add3A_128 = arith.constant 1 : i32
      %add3A_129 = arith.addi %mul3A_127, %add3A_128 : i32
      %dma_wait3A_130 = arith.constant 1 : i32
      %dma_wait3A_131 = arith.constant 0 : i32
      %dma_wait3A_132 = arith.constant 0 : i32
      %dma_wait3A_133 = tpu.memref_slice %arg9[%dma_wait3A_130, %dma_wait3A_131, %dma_wait3A_132] : memref<4x80x64xf32, #tpu.memory_space<vmem>> -> memref<1x80x64xf32, #tpu.memory_space<vmem>>
      %dma_wait3A_134 = tpu.memref_squeeze %dma_wait3A_133 : memref<1x80x64xf32, #tpu.memory_space<vmem>> -> memref<80x64xf32, #tpu.memory_space<vmem>>
      %dma_wait3A_135 = arith.constant 0 : i32
      %dma_wait3A_136 = tpu.memref_slice %arg7[%add3A_129, %dma_wait3A_135] : memref<125x80xi32, #tpu.memory_space<vmem>> -> memref<1x80xi32, #tpu.memory_space<vmem>>
      %dma_wait3A_137 = tpu.memref_squeeze %dma_wait3A_136 : memref<1x80xi32, #tpu.memory_space<vmem>> -> memref<80xi32, #tpu.memory_space<vmem>>
      %dma_wait3A_138 = arith.constant 0 : i32
      %dma_wait3A_139 = arith.constant 0 : i32
      %dma_wait3A_140 = tpu.memref_slice %arg10[%dma_wait3A_138, %dma_wait3A_139] : memref<10240x64xf32, #tpu.memory_space<vmem_shared>> -> memref<10240x64xf32, #tpu.memory_space<vmem_shared>>
      tpu.wait_indirect_dma semaphore(%arg13 : memref<!tpu.dma_semaphore, #tpu.memory_space<semaphore_mem>>) src(%dma_wait3A_140 : memref<10240x64xf32, #tpu.memory_space<vmem_shared>>) dst(%dma_wait3A_134 : memref<80x64xf32, #tpu.memory_space<vmem>>)
      %dma_start3A_141 = arith.constant 1 : i32
      %dma_start3A_142 = arith.constant 0 : i32
      %dma_start3A_143 = arith.constant 0 : i32
      %dma_start3A_144 = tpu.memref_slice %arg9[%dma_start3A_141, %dma_start3A_142, %dma_start3A_143] : memref<4x80x64xf32, #tpu.memory_space<vmem>> -> memref<1x80x64xf32, #tpu.memory_space<vmem>>
      %dma_start3A_145 = tpu.memref_squeeze %dma_start3A_144 : memref<1x80x64xf32, #tpu.memory_space<vmem>> -> memref<80x64xf32, #tpu.memory_space<vmem>>
      %dma_start3A_146 = arith.constant 0 : i32
      %dma_start3A_147 = tpu.memref_slice %arg8[%add3A_129, %dma_start3A_146] : memref<125x80xi32, #tpu.memory_space<vmem>> -> memref<1x80xi32, #tpu.memory_space<vmem>>
      %dma_start3A_148 = tpu.memref_squeeze %dma_start3A_147 : memref<1x80xi32, #tpu.memory_space<vmem>> -> memref<80xi32, #tpu.memory_space<vmem>>
      %dma_start3A_149 = arith.constant 0 : i32
      %dma_start3A_150 = arith.constant 0 : i32
      %dma_start3A_151 = tpu.memref_slice %arg11[%dma_start3A_149, %dma_start3A_150] : memref<10240x64xf32, #tpu.memory_space<vmem_shared>> -> memref<10240x64xf32, #tpu.memory_space<vmem_shared>>
      tpu.enqueue_indirect_dma source(%dma_start3A_145 : memref<80x64xf32, #tpu.memory_space<vmem>>) target(%dma_start3A_151 : memref<10240x64xf32, #tpu.memory_space<vmem_shared>>) offsets(%dma_start3A_148 : memref<80xi32, #tpu.memory_space<vmem>>) semaphore(%arg17 : memref<!tpu.dma_semaphore, #tpu.memory_space<semaphore_mem>>) {add = true}
      %ge3A_152 = arith.constant 2 : i32
      %ge3A_153 = arith.cmpi sge, %add3A_129, %ge3A_152 : i32
      %convert_element_type3A_154 = arith.extui %ge3A_153 : i1 to i32
      %cond3A_155 = arith.constant 0 : i32
      %cond3A_156 = arith.cmpi ne, %convert_element_type3A_154, %cond3A_155 : i32
      scf.if %cond3A_156 {
        %sub3A = arith.constant 2 : i32
        %sub3A_240 = arith.subi %add3A_129, %sub3A : i32
        %dma_wait3A_241 = arith.constant 3 : i32
        %dma_wait3A_242 = arith.constant 0 : i32
        %dma_wait3A_243 = arith.constant 0 : i32
        %dma_wait3A_244 = tpu.memref_slice %arg9[%dma_wait3A_241, %dma_wait3A_242, %dma_wait3A_243] : memref<4x80x64xf32, #tpu.memory_space<vmem>> -> memref<1x80x64xf32, #tpu.memory_space<vmem>>
        %dma_wait3A_245 = tpu.memref_squeeze %dma_wait3A_244 : memref<1x80x64xf32, #tpu.memory_space<vmem>> -> memref<80x64xf32, #tpu.memory_space<vmem>>
        %dma_wait3A_246 = arith.constant 0 : i32
        %dma_wait3A_247 = tpu.memref_slice %arg8[%sub3A_240, %dma_wait3A_246] : memref<125x80xi32, #tpu.memory_space<vmem>> -> memref<1x80xi32, #tpu.memory_space<vmem>>
        %dma_wait3A_248 = tpu.memref_squeeze %dma_wait3A_247 : memref<1x80xi32, #tpu.memory_space<vmem>> -> memref<80xi32, #tpu.memory_space<vmem>>
        %dma_wait3A_249 = arith.constant 0 : i32
        %dma_wait3A_250 = arith.constant 0 : i32
        %dma_wait3A_251 = tpu.memref_slice %arg11[%dma_wait3A_249, %dma_wait3A_250] : memref<10240x64xf32, #tpu.memory_space<vmem_shared>> -> memref<10240x64xf32, #tpu.memory_space<vmem_shared>>
        tpu.wait_indirect_dma semaphore(%arg19 : memref<!tpu.dma_semaphore, #tpu.memory_space<semaphore_mem>>) src(%dma_wait3A_245 : memref<80x64xf32, #tpu.memory_space<vmem>>) dst(%dma_wait3A_251 : memref<10240x64xf32, #tpu.memory_space<vmem_shared>>)
      } else {
      }
      %add3A_157 = arith.constant 2 : i32
      %add3A_158 = arith.addi %add3A_129, %add3A_157 : i32
      %lt3A_159 = arith.constant 125 : i32
      %lt3A_160 = arith.cmpi slt, %add3A_158, %lt3A_159 : i32
      %convert_element_type3A_161 = arith.extui %lt3A_160 : i1 to i32
      %cond3A_162 = arith.constant 0 : i32
      %cond3A_163 = arith.cmpi ne, %convert_element_type3A_161, %cond3A_162 : i32
      scf.if %cond3A_163 {
        %add3A_240 = arith.constant 2 : i32
        %add3A_241 = arith.addi %add3A_129, %add3A_240 : i32
        %dma_start3A_242 = arith.constant 3 : i32
        %dma_start3A_243 = arith.constant 0 : i32
        %dma_start3A_244 = arith.constant 0 : i32
        %dma_start3A_245 = tpu.memref_slice %arg9[%dma_start3A_242, %dma_start3A_243, %dma_start3A_244] : memref<4x80x64xf32, #tpu.memory_space<vmem>> -> memref<1x80x64xf32, #tpu.memory_space<vmem>>
        %dma_start3A_246 = tpu.memref_squeeze %dma_start3A_245 : memref<1x80x64xf32, #tpu.memory_space<vmem>> -> memref<80x64xf32, #tpu.memory_space<vmem>>
        %dma_start3A_247 = arith.constant 0 : i32
        %dma_start3A_248 = tpu.memref_slice %arg7[%add3A_241, %dma_start3A_247] : memref<125x80xi32, #tpu.memory_space<vmem>> -> memref<1x80xi32, #tpu.memory_space<vmem>>
        %dma_start3A_249 = tpu.memref_squeeze %dma_start3A_248 : memref<1x80xi32, #tpu.memory_space<vmem>> -> memref<80xi32, #tpu.memory_space<vmem>>
        %dma_start3A_250 = arith.constant 0 : i32
        %dma_start3A_251 = arith.constant 0 : i32
        %dma_start3A_252 = tpu.memref_slice %arg10[%dma_start3A_250, %dma_start3A_251] : memref<10240x64xf32, #tpu.memory_space<vmem_shared>> -> memref<10240x64xf32, #tpu.memory_space<vmem_shared>>
        tpu.enqueue_indirect_dma source(%dma_start3A_252 : memref<10240x64xf32, #tpu.memory_space<vmem_shared>>) target(%dma_start3A_246 : memref<80x64xf32, #tpu.memory_space<vmem>>) offsets(%dma_start3A_249 : memref<80xi32, #tpu.memory_space<vmem>>) semaphore(%arg15 : memref<!tpu.dma_semaphore, #tpu.memory_space<semaphore_mem>>)
      } else {
      }
      %mul3A_164 = arith.constant 4 : i32
      %mul3A_165 = arith.muli %mul3A_164, %scan3A_91 : i32
      %add3A_166 = arith.constant 2 : i32
      %add3A_167 = arith.addi %mul3A_165, %add3A_166 : i32
      %dma_wait3A_168 = arith.constant 2 : i32
      %dma_wait3A_169 = arith.constant 0 : i32
      %dma_wait3A_170 = arith.constant 0 : i32
      %dma_wait3A_171 = tpu.memref_slice %arg9[%dma_wait3A_168, %dma_wait3A_169, %dma_wait3A_170] : memref<4x80x64xf32, #tpu.memory_space<vmem>> -> memref<1x80x64xf32, #tpu.memory_space<vmem>>
      %dma_wait3A_172 = tpu.memref_squeeze %dma_wait3A_171 : memref<1x80x64xf32, #tpu.memory_space<vmem>> -> memref<80x64xf32, #tpu.memory_space<vmem>>
      %dma_wait3A_173 = arith.constant 0 : i32
      %dma_wait3A_174 = tpu.memref_slice %arg7[%add3A_167, %dma_wait3A_173] : memref<125x80xi32, #tpu.memory_space<vmem>> -> memref<1x80xi32, #tpu.memory_space<vmem>>
      %dma_wait3A_175 = tpu.memref_squeeze %dma_wait3A_174 : memref<1x80xi32, #tpu.memory_space<vmem>> -> memref<80xi32, #tpu.memory_space<vmem>>
      %dma_wait3A_176 = arith.constant 0 : i32
      %dma_wait3A_177 = arith.constant 0 : i32
      %dma_wait3A_178 = tpu.memref_slice %arg10[%dma_wait3A_176, %dma_wait3A_177] : memref<10240x64xf32, #tpu.memory_space<vmem_shared>> -> memref<10240x64xf32, #tpu.memory_space<vmem_shared>>
      tpu.wait_indirect_dma semaphore(%arg14 : memref<!tpu.dma_semaphore, #tpu.memory_space<semaphore_mem>>) src(%dma_wait3A_178 : memref<10240x64xf32, #tpu.memory_space<vmem_shared>>) dst(%dma_wait3A_172 : memref<80x64xf32, #tpu.memory_space<vmem>>)
      %dma_start3A_179 = arith.constant 2 : i32
      %dma_start3A_180 = arith.constant 0 : i32
      %dma_start3A_181 = arith.constant 0 : i32
      %dma_start3A_182 = tpu.memref_slice %arg9[%dma_start3A_179, %dma_start3A_180, %dma_start3A_181] : memref<4x80x64xf32, #tpu.memory_space<vmem>> -> memref<1x80x64xf32, #tpu.memory_space<vmem>>
      %dma_start3A_183 = tpu.memref_squeeze %dma_start3A_182 : memref<1x80x64xf32, #tpu.memory_space<vmem>> -> memref<80x64xf32, #tpu.memory_space<vmem>>
      %dma_start3A_184 = arith.constant 0 : i32
      %dma_start3A_185 = tpu.memref_slice %arg8[%add3A_167, %dma_start3A_184] : memref<125x80xi32, #tpu.memory_space<vmem>> -> memref<1x80xi32, #tpu.memory_space<vmem>>
      %dma_start3A_186 = tpu.memref_squeeze %dma_start3A_185 : memref<1x80xi32, #tpu.memory_space<vmem>> -> memref<80xi32, #tpu.memory_space<vmem>>
      %dma_start3A_187 = arith.constant 0 : i32
      %dma_start3A_188 = arith.constant 0 : i32
      %dma_start3A_189 = tpu.memref_slice %arg11[%dma_start3A_187, %dma_start3A_188] : memref<10240x64xf32, #tpu.memory_space<vmem_shared>> -> memref<10240x64xf32, #tpu.memory_space<vmem_shared>>
      tpu.enqueue_indirect_dma source(%dma_start3A_183 : memref<80x64xf32, #tpu.memory_space<vmem>>) target(%dma_start3A_189 : memref<10240x64xf32, #tpu.memory_space<vmem_shared>>) offsets(%dma_start3A_186 : memref<80xi32, #tpu.memory_space<vmem>>) semaphore(%arg18 : memref<!tpu.dma_semaphore, #tpu.memory_space<semaphore_mem>>) {add = true}
      %ge3A_190 = arith.constant 2 : i32
      %ge3A_191 = arith.cmpi sge, %add3A_167, %ge3A_190 : i32
      %convert_element_type3A_192 = arith.extui %ge3A_191 : i1 to i32
      %cond3A_193 = arith.constant 0 : i32
      %cond3A_194 = arith.cmpi ne, %convert_element_type3A_192, %cond3A_193 : i32
      scf.if %cond3A_194 {
        %sub3A = arith.constant 2 : i32
        %sub3A_240 = arith.subi %add3A_167, %sub3A : i32
        %dma_wait3A_241 = arith.constant 0 : i32
        %dma_wait3A_242 = arith.constant 0 : i32
        %dma_wait3A_243 = arith.constant 0 : i32
        %dma_wait3A_244 = tpu.memref_slice %arg9[%dma_wait3A_241, %dma_wait3A_242, %dma_wait3A_243] : memref<4x80x64xf32, #tpu.memory_space<vmem>> -> memref<1x80x64xf32, #tpu.memory_space<vmem>>
        %dma_wait3A_245 = tpu.memref_squeeze %dma_wait3A_244 : memref<1x80x64xf32, #tpu.memory_space<vmem>> -> memref<80x64xf32, #tpu.memory_space<vmem>>
        %dma_wait3A_246 = arith.constant 0 : i32
        %dma_wait3A_247 = tpu.memref_slice %arg8[%sub3A_240, %dma_wait3A_246] : memref<125x80xi32, #tpu.memory_space<vmem>> -> memref<1x80xi32, #tpu.memory_space<vmem>>
        %dma_wait3A_248 = tpu.memref_squeeze %dma_wait3A_247 : memref<1x80xi32, #tpu.memory_space<vmem>> -> memref<80xi32, #tpu.memory_space<vmem>>
        %dma_wait3A_249 = arith.constant 0 : i32
        %dma_wait3A_250 = arith.constant 0 : i32
        %dma_wait3A_251 = tpu.memref_slice %arg11[%dma_wait3A_249, %dma_wait3A_250] : memref<10240x64xf32, #tpu.memory_space<vmem_shared>> -> memref<10240x64xf32, #tpu.memory_space<vmem_shared>>
        tpu.wait_indirect_dma semaphore(%arg16 : memref<!tpu.dma_semaphore, #tpu.memory_space<semaphore_mem>>) src(%dma_wait3A_245 : memref<80x64xf32, #tpu.memory_space<vmem>>) dst(%dma_wait3A_251 : memref<10240x64xf32, #tpu.memory_space<vmem_shared>>)
      } else {
      }
      %add3A_195 = arith.constant 2 : i32
      %add3A_196 = arith.addi %add3A_167, %add3A_195 : i32
      %lt3A_197 = arith.constant 125 : i32
      %lt3A_198 = arith.cmpi slt, %add3A_196, %lt3A_197 : i32
      %convert_element_type3A_199 = arith.extui %lt3A_198 : i1 to i32
      %cond3A_200 = arith.constant 0 : i32
      %cond3A_201 = arith.cmpi ne, %convert_element_type3A_199, %cond3A_200 : i32
      scf.if %cond3A_201 {
        %add3A_240 = arith.constant 2 : i32
        %add3A_241 = arith.addi %add3A_167, %add3A_240 : i32
        %dma_start3A_242 = arith.constant 0 : i32
        %dma_start3A_243 = arith.constant 0 : i32
        %dma_start3A_244 = arith.constant 0 : i32
        %dma_start3A_245 = tpu.memref_slice %arg9[%dma_start3A_242, %dma_start3A_243, %dma_start3A_244] : memref<4x80x64xf32, #tpu.memory_space<vmem>> -> memref<1x80x64xf32, #tpu.memory_space<vmem>>
        %dma_start3A_246 = tpu.memref_squeeze %dma_start3A_245 : memref<1x80x64xf32, #tpu.memory_space<vmem>> -> memref<80x64xf32, #tpu.memory_space<vmem>>
        %dma_start3A_247 = arith.constant 0 : i32
        %dma_start3A_248 = tpu.memref_slice %arg7[%add3A_241, %dma_start3A_247] : memref<125x80xi32, #tpu.memory_space<vmem>> -> memref<1x80xi32, #tpu.memory_space<vmem>>
        %dma_start3A_249 = tpu.memref_squeeze %dma_start3A_248 : memref<1x80xi32, #tpu.memory_space<vmem>> -> memref<80xi32, #tpu.memory_space<vmem>>
        %dma_start3A_250 = arith.constant 0 : i32
        %dma_start3A_251 = arith.constant 0 : i32
        %dma_start3A_252 = tpu.memref_slice %arg10[%dma_start3A_250, %dma_start3A_251] : memref<10240x64xf32, #tpu.memory_space<vmem_shared>> -> memref<10240x64xf32, #tpu.memory_space<vmem_shared>>
        tpu.enqueue_indirect_dma source(%dma_start3A_252 : memref<10240x64xf32, #tpu.memory_space<vmem_shared>>) target(%dma_start3A_246 : memref<80x64xf32, #tpu.memory_space<vmem>>) offsets(%dma_start3A_249 : memref<80xi32, #tpu.memory_space<vmem>>) semaphore(%arg12 : memref<!tpu.dma_semaphore, #tpu.memory_space<semaphore_mem>>)
      } else {
      }
      %mul3A_202 = arith.constant 4 : i32
      %mul3A_203 = arith.muli %mul3A_202, %scan3A_91 : i32
      %add3A_204 = arith.constant 3 : i32
      %add3A_205 = arith.addi %mul3A_203, %add3A_204 : i32
      %dma_wait3A_206 = arith.constant 3 : i32
      %dma_wait3A_207 = arith.constant 0 : i32
      %dma_wait3A_208 = arith.constant 0 : i32
      %dma_wait3A_209 = tpu.memref_slice %arg9[%dma_wait3A_206, %dma_wait3A_207, %dma_wait3A_208] : memref<4x80x64xf32, #tpu.memory_space<vmem>> -> memref<1x80x64xf32, #tpu.memory_space<vmem>>
      %dma_wait3A_210 = tpu.memref_squeeze %dma_wait3A_209 : memref<1x80x64xf32, #tpu.memory_space<vmem>> -> memref<80x64xf32, #tpu.memory_space<vmem>>
      %dma_wait3A_211 = arith.constant 0 : i32
      %dma_wait3A_212 = tpu.memref_slice %arg7[%add3A_205, %dma_wait3A_211] : memref<125x80xi32, #tpu.memory_space<vmem>> -> memref<1x80xi32, #tpu.memory_space<vmem>>
      %dma_wait3A_213 = tpu.memref_squeeze %dma_wait3A_212 : memref<1x80xi32, #tpu.memory_space<vmem>> -> memref<80xi32, #tpu.memory_space<vmem>>
      %dma_wait3A_214 = arith.constant 0 : i32
      %dma_wait3A_215 = arith.constant 0 : i32
      %dma_wait3A_216 = tpu.memref_slice %arg10[%dma_wait3A_214, %dma_wait3A_215] : memref<10240x64xf32, #tpu.memory_space<vmem_shared>> -> memref<10240x64xf32, #tpu.memory_space<vmem_shared>>
      tpu.wait_indirect_dma semaphore(%arg15 : memref<!tpu.dma_semaphore, #tpu.memory_space<semaphore_mem>>) src(%dma_wait3A_216 : memref<10240x64xf32, #tpu.memory_space<vmem_shared>>) dst(%dma_wait3A_210 : memref<80x64xf32, #tpu.memory_space<vmem>>)
      %dma_start3A_217 = arith.constant 3 : i32
      %dma_start3A_218 = arith.constant 0 : i32
      %dma_start3A_219 = arith.constant 0 : i32
      %dma_start3A_220 = tpu.memref_slice %arg9[%dma_start3A_217, %dma_start3A_218, %dma_start3A_219] : memref<4x80x64xf32, #tpu.memory_space<vmem>> -> memref<1x80x64xf32, #tpu.memory_space<vmem>>
      %dma_start3A_221 = tpu.memref_squeeze %dma_start3A_220 : memref<1x80x64xf32, #tpu.memory_space<vmem>> -> memref<80x64xf32, #tpu.memory_space<vmem>>
      %dma_start3A_222 = arith.constant 0 : i32
      %dma_start3A_223 = tpu.memref_slice %arg8[%add3A_205, %dma_start3A_222] : memref<125x80xi32, #tpu.memory_space<vmem>> -> memref<1x80xi32, #tpu.memory_space<vmem>>
      %dma_start3A_224 = tpu.memref_squeeze %dma_start3A_223 : memref<1x80xi32, #tpu.memory_space<vmem>> -> memref<80xi32, #tpu.memory_space<vmem>>
      %dma_start3A_225 = arith.constant 0 : i32
      %dma_start3A_226 = arith.constant 0 : i32
      %dma_start3A_227 = tpu.memref_slice %arg11[%dma_start3A_225, %dma_start3A_226] : memref<10240x64xf32, #tpu.memory_space<vmem_shared>> -> memref<10240x64xf32, #tpu.memory_space<vmem_shared>>
      tpu.enqueue_indirect_dma source(%dma_start3A_221 : memref<80x64xf32, #tpu.memory_space<vmem>>) target(%dma_start3A_227 : memref<10240x64xf32, #tpu.memory_space<vmem_shared>>) offsets(%dma_start3A_224 : memref<80xi32, #tpu.memory_space<vmem>>) semaphore(%arg19 : memref<!tpu.dma_semaphore, #tpu.memory_space<semaphore_mem>>) {add = true}
      %ge3A_228 = arith.constant 2 : i32
      %ge3A_229 = arith.cmpi sge, %add3A_205, %ge3A_228 : i32
      %convert_element_type3A_230 = arith.extui %ge3A_229 : i1 to i32
      %cond3A_231 = arith.constant 0 : i32
      %cond3A_232 = arith.cmpi ne, %convert_element_type3A_230, %cond3A_231 : i32
      scf.if %cond3A_232 {
        %sub3A = arith.constant 2 : i32
        %sub3A_240 = arith.subi %add3A_205, %sub3A : i32
        %dma_wait3A_241 = arith.constant 1 : i32
        %dma_wait3A_242 = arith.constant 0 : i32
        %dma_wait3A_243 = arith.constant 0 : i32
        %dma_wait3A_244 = tpu.memref_slice %arg9[%dma_wait3A_241, %dma_wait3A_242, %dma_wait3A_243] : memref<4x80x64xf32, #tpu.memory_space<vmem>> -> memref<1x80x64xf32, #tpu.memory_space<vmem>>
        %dma_wait3A_245 = tpu.memref_squeeze %dma_wait3A_244 : memref<1x80x64xf32, #tpu.memory_space<vmem>> -> memref<80x64xf32, #tpu.memory_space<vmem>>
        %dma_wait3A_246 = arith.constant 0 : i32
        %dma_wait3A_247 = tpu.memref_slice %arg8[%sub3A_240, %dma_wait3A_246] : memref<125x80xi32, #tpu.memory_space<vmem>> -> memref<1x80xi32, #tpu.memory_space<vmem>>
        %dma_wait3A_248 = tpu.memref_squeeze %dma_wait3A_247 : memref<1x80xi32, #tpu.memory_space<vmem>> -> memref<80xi32, #tpu.memory_space<vmem>>
        %dma_wait3A_249 = arith.constant 0 : i32
        %dma_wait3A_250 = arith.constant 0 : i32
        %dma_wait3A_251 = tpu.memref_slice %arg11[%dma_wait3A_249, %dma_wait3A_250] : memref<10240x64xf32, #tpu.memory_space<vmem_shared>> -> memref<10240x64xf32, #tpu.memory_space<vmem_shared>>
        tpu.wait_indirect_dma semaphore(%arg17 : memref<!tpu.dma_semaphore, #tpu.memory_space<semaphore_mem>>) src(%dma_wait3A_245 : memref<80x64xf32, #tpu.memory_space<vmem>>) dst(%dma_wait3A_251 : memref<10240x64xf32, #tpu.memory_space<vmem_shared>>)
      } else {
      }
      %add3A_233 = arith.constant 2 : i32
      %add3A_234 = arith.addi %add3A_205, %add3A_233 : i32
      %lt3A_235 = arith.constant 125 : i32
      %lt3A_236 = arith.cmpi slt, %add3A_234, %lt3A_235 : i32
      %convert_element_type3A_237 = arith.extui %lt3A_236 : i1 to i32
      %cond3A_238 = arith.constant 0 : i32
      %cond3A_239 = arith.cmpi ne, %convert_element_type3A_237, %cond3A_238 : i32
      scf.if %cond3A_239 {
        %add3A_240 = arith.constant 2 : i32
        %add3A_241 = arith.addi %add3A_205, %add3A_240 : i32
        %dma_start3A_242 = arith.constant 1 : i32
        %dma_start3A_243 = arith.constant 0 : i32
        %dma_start3A_244 = arith.constant 0 : i32
        %dma_start3A_245 = tpu.memref_slice %arg9[%dma_start3A_242, %dma_start3A_243, %dma_start3A_244] : memref<4x80x64xf32, #tpu.memory_space<vmem>> -> memref<1x80x64xf32, #tpu.memory_space<vmem>>
        %dma_start3A_246 = tpu.memref_squeeze %dma_start3A_245 : memref<1x80x64xf32, #tpu.memory_space<vmem>> -> memref<80x64xf32, #tpu.memory_space<vmem>>
        %dma_start3A_247 = arith.constant 0 : i32
        %dma_start3A_248 = tpu.memref_slice %arg7[%add3A_241, %dma_start3A_247] : memref<125x80xi32, #tpu.memory_space<vmem>> -> memref<1x80xi32, #tpu.memory_space<vmem>>
        %dma_start3A_249 = tpu.memref_squeeze %dma_start3A_248 : memref<1x80xi32, #tpu.memory_space<vmem>> -> memref<80xi32, #tpu.memory_space<vmem>>
        %dma_start3A_250 = arith.constant 0 : i32
        %dma_start3A_251 = arith.constant 0 : i32
        %dma_start3A_252 = tpu.memref_slice %arg10[%dma_start3A_250, %dma_start3A_251] : memref<10240x64xf32, #tpu.memory_space<vmem_shared>> -> memref<10240x64xf32, #tpu.memory_space<vmem_shared>>
        tpu.enqueue_indirect_dma source(%dma_start3A_252 : memref<10240x64xf32, #tpu.memory_space<vmem_shared>>) target(%dma_start3A_246 : memref<80x64xf32, #tpu.memory_space<vmem>>) offsets(%dma_start3A_249 : memref<80xi32, #tpu.memory_space<vmem>>) semaphore(%arg13 : memref<!tpu.dma_semaphore, #tpu.memory_space<semaphore_mem>>)
      } else {
      }
    }
    %scan3A_30 = arith.constant 31 : i32
    %dma_wait3A = arith.constant 124 : i32
    %dma_wait3A_31 = arith.constant 0 : i32
    %dma_wait3A_32 = arith.constant 0 : i32
    %dma_wait3A_33 = arith.constant 0 : i32
    %dma_wait3A_34 = tpu.memref_slice %arg9[%dma_wait3A_31, %dma_wait3A_32, %dma_wait3A_33] : memref<4x80x64xf32, #tpu.memory_space<vmem>> -> memref<1x80x64xf32, #tpu.memory_space<vmem>>
    %dma_wait3A_35 = tpu.memref_squeeze %dma_wait3A_34 : memref<1x80x64xf32, #tpu.memory_space<vmem>> -> memref<80x64xf32, #tpu.memory_space<vmem>>
    %dma_wait3A_36 = arith.constant 0 : i32
    %dma_wait3A_37 = tpu.memref_slice %arg7[%dma_wait3A, %dma_wait3A_36] : memref<125x80xi32, #tpu.memory_space<vmem>> -> memref<1x80xi32, #tpu.memory_space<vmem>>
    %dma_wait3A_38 = tpu.memref_squeeze %dma_wait3A_37 : memref<1x80xi32, #tpu.memory_space<vmem>> -> memref<80xi32, #tpu.memory_space<vmem>>
    %dma_wait3A_39 = arith.constant 0 : i32
    %dma_wait3A_40 = arith.constant 0 : i32
    %dma_wait3A_41 = tpu.memref_slice %arg10[%dma_wait3A_39, %dma_wait3A_40] : memref<10240x64xf32, #tpu.memory_space<vmem_shared>> -> memref<10240x64xf32, #tpu.memory_space<vmem_shared>>
    tpu.wait_indirect_dma semaphore(%arg12 : memref<!tpu.dma_semaphore, #tpu.memory_space<semaphore_mem>>) src(%dma_wait3A_41 : memref<10240x64xf32, #tpu.memory_space<vmem_shared>>) dst(%dma_wait3A_35 : memref<80x64xf32, #tpu.memory_space<vmem>>)
    %dma_start3A_42 = arith.constant 0 : i32
    %dma_start3A_43 = arith.constant 124 : i32
    %dma_start3A_44 = arith.constant 0 : i32
    %dma_start3A_45 = arith.constant 0 : i32
    %dma_start3A_46 = tpu.memref_slice %arg9[%dma_start3A_42, %dma_start3A_44, %dma_start3A_45] : memref<4x80x64xf32, #tpu.memory_space<vmem>> -> memref<1x80x64xf32, #tpu.memory_space<vmem>>
    %dma_start3A_47 = tpu.memref_squeeze %dma_start3A_46 : memref<1x80x64xf32, #tpu.memory_space<vmem>> -> memref<80x64xf32, #tpu.memory_space<vmem>>
    %dma_start3A_48 = arith.constant 0 : i32
    %dma_start3A_49 = tpu.memref_slice %arg8[%dma_start3A_43, %dma_start3A_48] : memref<125x80xi32, #tpu.memory_space<vmem>> -> memref<1x80xi32, #tpu.memory_space<vmem>>
    %dma_start3A_50 = tpu.memref_squeeze %dma_start3A_49 : memref<1x80xi32, #tpu.memory_space<vmem>> -> memref<80xi32, #tpu.memory_space<vmem>>
    %dma_start3A_51 = arith.constant 0 : i32
    %dma_start3A_52 = arith.constant 0 : i32
    %dma_start3A_53 = tpu.memref_slice %arg11[%dma_start3A_51, %dma_start3A_52] : memref<10240x64xf32, #tpu.memory_space<vmem_shared>> -> memref<10240x64xf32, #tpu.memory_space<vmem_shared>>
    tpu.enqueue_indirect_dma source(%dma_start3A_47 : memref<80x64xf32, #tpu.memory_space<vmem>>) target(%dma_start3A_53 : memref<10240x64xf32, #tpu.memory_space<vmem_shared>>) offsets(%dma_start3A_50 : memref<80xi32, #tpu.memory_space<vmem>>) semaphore(%arg16 : memref<!tpu.dma_semaphore, #tpu.memory_space<semaphore_mem>>) {add = true}
    %dma_wait3A_54 = arith.constant 2 : i32
    %dma_wait3A_55 = arith.constant 122 : i32
    %dma_wait3A_56 = arith.constant 0 : i32
    %dma_wait3A_57 = arith.constant 0 : i32
    %dma_wait3A_58 = tpu.memref_slice %arg9[%dma_wait3A_54, %dma_wait3A_56, %dma_wait3A_57] : memref<4x80x64xf32, #tpu.memory_space<vmem>> -> memref<1x80x64xf32, #tpu.memory_space<vmem>>
    %dma_wait3A_59 = tpu.memref_squeeze %dma_wait3A_58 : memref<1x80x64xf32, #tpu.memory_space<vmem>> -> memref<80x64xf32, #tpu.memory_space<vmem>>
    %dma_wait3A_60 = arith.constant 0 : i32
    %dma_wait3A_61 = tpu.memref_slice %arg8[%dma_wait3A_55, %dma_wait3A_60] : memref<125x80xi32, #tpu.memory_space<vmem>> -> memref<1x80xi32, #tpu.memory_space<vmem>>
    %dma_wait3A_62 = tpu.memref_squeeze %dma_wait3A_61 : memref<1x80xi32, #tpu.memory_space<vmem>> -> memref<80xi32, #tpu.memory_space<vmem>>
    %dma_wait3A_63 = arith.constant 0 : i32
    %dma_wait3A_64 = arith.constant 0 : i32
    %dma_wait3A_65 = tpu.memref_slice %arg11[%dma_wait3A_63, %dma_wait3A_64] : memref<10240x64xf32, #tpu.memory_space<vmem_shared>> -> memref<10240x64xf32, #tpu.memory_space<vmem_shared>>
    tpu.wait_indirect_dma semaphore(%arg18 : memref<!tpu.dma_semaphore, #tpu.memory_space<semaphore_mem>>) src(%dma_wait3A_59 : memref<80x64xf32, #tpu.memory_space<vmem>>) dst(%dma_wait3A_65 : memref<10240x64xf32, #tpu.memory_space<vmem_shared>>)
    %dma_wait3A_66 = arith.constant 3 : i32
    %dma_wait3A_67 = arith.constant 123 : i32
    %dma_wait3A_68 = arith.constant 0 : i32
    %dma_wait3A_69 = arith.constant 0 : i32
    %dma_wait3A_70 = tpu.memref_slice %arg9[%dma_wait3A_66, %dma_wait3A_68, %dma_wait3A_69] : memref<4x80x64xf32, #tpu.memory_space<vmem>> -> memref<1x80x64xf32, #tpu.memory_space<vmem>>
    %dma_wait3A_71 = tpu.memref_squeeze %dma_wait3A_70 : memref<1x80x64xf32, #tpu.memory_space<vmem>> -> memref<80x64xf32, #tpu.memory_space<vmem>>
    %dma_wait3A_72 = arith.constant 0 : i32
    %dma_wait3A_73 = tpu.memref_slice %arg8[%dma_wait3A_67, %dma_wait3A_72] : memref<125x80xi32, #tpu.memory_space<vmem>> -> memref<1x80xi32, #tpu.memory_space<vmem>>
    %dma_wait3A_74 = tpu.memref_squeeze %dma_wait3A_73 : memref<1x80xi32, #tpu.memory_space<vmem>> -> memref<80xi32, #tpu.memory_space<vmem>>
    %dma_wait3A_75 = arith.constant 0 : i32
    %dma_wait3A_76 = arith.constant 0 : i32
    %dma_wait3A_77 = tpu.memref_slice %arg11[%dma_wait3A_75, %dma_wait3A_76] : memref<10240x64xf32, #tpu.memory_space<vmem_shared>> -> memref<10240x64xf32, #tpu.memory_space<vmem_shared>>
    tpu.wait_indirect_dma semaphore(%arg19 : memref<!tpu.dma_semaphore, #tpu.memory_space<semaphore_mem>>) src(%dma_wait3A_71 : memref<80x64xf32, #tpu.memory_space<vmem>>) dst(%dma_wait3A_77 : memref<10240x64xf32, #tpu.memory_space<vmem_shared>>)
    %dma_wait3A_78 = arith.constant 0 : i32
    %dma_wait3A_79 = arith.constant 124 : i32
    %dma_wait3A_80 = arith.constant 0 : i32
    %dma_wait3A_81 = arith.constant 0 : i32
    %dma_wait3A_82 = tpu.memref_slice %arg9[%dma_wait3A_78, %dma_wait3A_80, %dma_wait3A_81] : memref<4x80x64xf32, #tpu.memory_space<vmem>> -> memref<1x80x64xf32, #tpu.memory_space<vmem>>
    %dma_wait3A_83 = tpu.memref_squeeze %dma_wait3A_82 : memref<1x80x64xf32, #tpu.memory_space<vmem>> -> memref<80x64xf32, #tpu.memory_space<vmem>>
    %dma_wait3A_84 = arith.constant 0 : i32
    %dma_wait3A_85 = tpu.memref_slice %arg8[%dma_wait3A_79, %dma_wait3A_84] : memref<125x80xi32, #tpu.memory_space<vmem>> -> memref<1x80xi32, #tpu.memory_space<vmem>>
    %dma_wait3A_86 = tpu.memref_squeeze %dma_wait3A_85 : memref<1x80xi32, #tpu.memory_space<vmem>> -> memref<80xi32, #tpu.memory_space<vmem>>
    %dma_wait3A_87 = arith.constant 0 : i32
    %dma_wait3A_88 = arith.constant 0 : i32
    %dma_wait3A_89 = tpu.memref_slice %arg11[%dma_wait3A_87, %dma_wait3A_88] : memref<10240x64xf32, #tpu.memory_space<vmem_shared>> -> memref<10240x64xf32, #tpu.memory_space<vmem_shared>>
    tpu.wait_indirect_dma semaphore(%arg16 : memref<!tpu.dma_semaphore, #tpu.memory_space<semaphore_mem>>) src(%dma_wait3A_83 : memref<80x64xf32, #tpu.memory_space<vmem>>) dst(%dma_wait3A_89 : memref<10240x64xf32, #tpu.memory_space<vmem_shared>>)
    %barrier3A_90 = arith.constant 0 : index
    tpu.barrier barrier_id(%barrier3A_90)
    "tpu.region"() ({
      %run_scoped3A = tpu.sem_alloc : memref<!tpu.dma_semaphore, #tpu.memory_space<semaphore_mem>>
      %dma_start3A_91 = arith.constant 0 : i32
      %dma_start3A_92 = tpu.memref_slice %arg6[%arg0, %mul3A_2, %dma_start3A_91] : memref<2x10240x64xf32, #tpu.memory_space<hbm>> -> memref<1x640x64xf32, #tpu.memory_space<hbm>>
      %dma_start3A_93 = tpu.memref_squeeze %dma_start3A_92 : memref<1x640x64xf32, #tpu.memory_space<hbm>> -> memref<640x64xf32, #tpu.memory_space<hbm>>
      %dma_start3A_94 = arith.constant 0 : i32
      %dma_start3A_95 = tpu.memref_slice %arg11[%mul3A_2, %dma_start3A_94] : memref<10240x64xf32, #tpu.memory_space<vmem_shared>> -> memref<640x64xf32, #tpu.memory_space<vmem_shared>>
      tpu.enqueue_dma source(%dma_start3A_95 : memref<640x64xf32, #tpu.memory_space<vmem_shared>>) target(%dma_start3A_93 : memref<640x64xf32, #tpu.memory_space<hbm>>) target_semaphore(%run_scoped3A : memref<!tpu.dma_semaphore, #tpu.memory_space<semaphore_mem>>)
      %dma_wait3A_96 = arith.constant 0 : i32
      %dma_wait3A_97 = tpu.memref_slice %arg6[%arg0, %mul3A_2, %dma_wait3A_96] : memref<2x10240x64xf32, #tpu.memory_space<hbm>> -> memref<1x640x64xf32, #tpu.memory_space<hbm>>
      %dma_wait3A_98 = tpu.memref_squeeze %dma_wait3A_97 : memref<1x640x64xf32, #tpu.memory_space<hbm>> -> memref<640x64xf32, #tpu.memory_space<hbm>>
      %dma_wait3A_99 = arith.constant 0 : i32
      %dma_wait3A_100 = tpu.memref_slice %arg11[%mul3A_2, %dma_wait3A_99] : memref<10240x64xf32, #tpu.memory_space<vmem_shared>> -> memref<640x64xf32, #tpu.memory_space<vmem_shared>>
      tpu.wait_dma2 semaphore(%run_scoped3A : memref<!tpu.dma_semaphore, #tpu.memory_space<semaphore_mem>>) src(%dma_wait3A_100 : memref<640x64xf32, #tpu.memory_space<vmem_shared>>) dst(%dma_wait3A_98 : memref<640x64xf32, #tpu.memory_space<hbm>>)
      tpu.yield
    }) : () -> ()
    return
  }
}

#map = affine_map<(d0, d1) -> (0, 0)>
#map1 = affine_map<(d0, d1) -> (0, 0, 0)>
module attributes {stable_mosaic.version = 14 : i64} {
  func.func @agg(%arg0: i32, %arg1: i32, %arg2: memref<10240x64xf32, #tpu.memory_space<hbm>>, %arg3: memref<32x125x80xi32, #tpu.memory_space<hbm>>, %arg4: memref<32x125x80xi32, #tpu.memory_space<hbm>>, %arg5: memref<640x64xf32, #tpu.memory_space<hbm>>, %arg6: memref<2x10240x64xf32, #tpu.memory_space<hbm>>, %arg7: memref<125x80xi32, #tpu.memory_space<vmem>>, %arg8: memref<125x80xi32, #tpu.memory_space<vmem>>, %arg9: memref<4x80x64xf32, #tpu.memory_space<vmem>>, %arg10: memref<10240x64xf32, #tpu.memory_space<vmem_shared>>, %arg11: memref<10240x64xf32, #tpu.memory_space<vmem_shared>>, %arg12: memref<!tpu.dma_semaphore, #tpu.memory_space<semaphore_mem>>, %arg13: memref<!tpu.dma_semaphore, #tpu.memory_space<semaphore_mem>>, %arg14: memref<!tpu.dma_semaphore, #tpu.memory_space<semaphore_mem>>, %arg15: memref<!tpu.dma_semaphore, #tpu.memory_space<semaphore_mem>>, %arg16: memref<!tpu.dma_semaphore, #tpu.memory_space<semaphore_mem>>, %arg17: memref<!tpu.dma_semaphore, #tpu.memory_space<semaphore_mem>>, %arg18: memref<!tpu.dma_semaphore, #tpu.memory_space<semaphore_mem>>, %arg19: memref<!tpu.dma_semaphore, #tpu.memory_space<semaphore_mem>>) attributes {dimension_semantics = [#tpu.dimension_semantics<core_parallel>, #tpu.dimension_semantics<subcore_parallel>], iteration_bounds = array<i64: 2, 16>, scalar_prefetch = 0 : i64, scratch_operands = 13 : i64, tpu.core_type = #tpu.core_type<sc_vector_subcore>, window_params = [{transform_indices = #map}, {transform_indices = #map1}, {transform_indices = #map1}, {transform_indices = #map}, {transform_indices = #map1}]} {
    %mul3A = arith.constant 16 : i32
    %mul3A_0 = arith.muli %arg0, %mul3A : i32
    %add3A = arith.addi %mul3A_0, %arg1 : i32
    %mul3A_1 = arith.constant 640 : i32
    %mul3A_2 = arith.muli %arg1, %mul3A_1 : i32
    "tpu.region"() ({
      %run_scoped3A = tpu.sem_alloc : memref<!tpu.dma_semaphore, #tpu.memory_space<semaphore_mem>>
      %dma_start3A_91 = arith.constant 0 : i32
      %dma_start3A_92 = arith.constant 0 : i32
      %dma_start3A_93 = tpu.memref_slice %arg3[%add3A, %dma_start3A_91, %dma_start3A_92] : memref<32x125x80xi32, #tpu.memory_space<hbm>> -> memref<1x125x80xi32, #tpu.memory_space<hbm>>
      %dma_start3A_94 = tpu.memref_squeeze %dma_start3A_93 : memref<1x125x80xi32, #tpu.memory_space<hbm>> -> memref<125x80xi32, #tpu.memory_space<hbm>>
      %dma_start3A_95 = arith.constant 0 : i32
      %dma_start3A_96 = arith.constant 0 : i32
      %dma_start3A_97 = tpu.memref_slice %arg3[%add3A, %dma_start3A_95, %dma_start3A_96] : memref<32x125x80xi32, #tpu.memory_space<hbm>> -> memref<1x125x80xi32, #tpu.memory_space<hbm>>
      %dma_start3A_98 = tpu.memref_squeeze %dma_start3A_97 : memref<1x125x80xi32, #tpu.memory_space<hbm>> -> memref<125x80xi32, #tpu.memory_space<hbm>>
      tpu.enqueue_dma source(%dma_start3A_98 : memref<125x80xi32, #tpu.memory_space<hbm>>) target(%arg7 : memref<125x80xi32, #tpu.memory_space<vmem>>) target_semaphore(%run_scoped3A : memref<!tpu.dma_semaphore, #tpu.memory_space<semaphore_mem>>)
      %dma_wait3A_99 = arith.constant 0 : i32
      %dma_wait3A_100 = arith.constant 0 : i32
      %dma_wait3A_101 = tpu.memref_slice %arg3[%add3A, %dma_wait3A_99, %dma_wait3A_100] : memref<32x125x80xi32, #tpu.memory_space<hbm>> -> memref<1x125x80xi32, #tpu.memory_space<hbm>>
      %dma_wait3A_102 = tpu.memref_squeeze %dma_wait3A_101 : memref<1x125x80xi32, #tpu.memory_space<hbm>> -> memref<125x80xi32, #tpu.memory_space<hbm>>
      %dma_wait3A_103 = arith.constant 0 : i32
      %dma_wait3A_104 = arith.constant 0 : i32
      %dma_wait3A_105 = tpu.memref_slice %arg3[%add3A, %dma_wait3A_103, %dma_wait3A_104] : memref<32x125x80xi32, #tpu.memory_space<hbm>> -> memref<1x125x80xi32, #tpu.memory_space<hbm>>
      %dma_wait3A_106 = tpu.memref_squeeze %dma_wait3A_105 : memref<1x125x80xi32, #tpu.memory_space<hbm>> -> memref<125x80xi32, #tpu.memory_space<hbm>>
      tpu.wait_dma2 semaphore(%run_scoped3A : memref<!tpu.dma_semaphore, #tpu.memory_space<semaphore_mem>>) src(%dma_wait3A_106 : memref<125x80xi32, #tpu.memory_space<hbm>>) dst(%arg7 : memref<125x80xi32, #tpu.memory_space<vmem>>)
      tpu.yield
    }) : () -> ()
    "tpu.region"() ({
      %run_scoped3A = tpu.sem_alloc : memref<!tpu.dma_semaphore, #tpu.memory_space<semaphore_mem>>
      %dma_start3A_91 = arith.constant 0 : i32
      %dma_start3A_92 = arith.constant 0 : i32
      %dma_start3A_93 = tpu.memref_slice %arg4[%add3A, %dma_start3A_91, %dma_start3A_92] : memref<32x125x80xi32, #tpu.memory_space<hbm>> -> memref<1x125x80xi32, #tpu.memory_space<hbm>>
      %dma_start3A_94 = tpu.memref_squeeze %dma_start3A_93 : memref<1x125x80xi32, #tpu.memory_space<hbm>> -> memref<125x80xi32, #tpu.memory_space<hbm>>
      %dma_start3A_95 = arith.constant 0 : i32
      %dma_start3A_96 = arith.constant 0 : i32
      %dma_start3A_97 = tpu.memref_slice %arg4[%add3A, %dma_start3A_95, %dma_start3A_96] : memref<32x125x80xi32, #tpu.memory_space<hbm>> -> memref<1x125x80xi32, #tpu.memory_space<hbm>>
      %dma_start3A_98 = tpu.memref_squeeze %dma_start3A_97 : memref<1x125x80xi32, #tpu.memory_space<hbm>> -> memref<125x80xi32, #tpu.memory_space<hbm>>
      tpu.enqueue_dma source(%dma_start3A_98 : memref<125x80xi32, #tpu.memory_space<hbm>>) target(%arg8 : memref<125x80xi32, #tpu.memory_space<vmem>>) target_semaphore(%run_scoped3A : memref<!tpu.dma_semaphore, #tpu.memory_space<semaphore_mem>>)
      %dma_wait3A_99 = arith.constant 0 : i32
      %dma_wait3A_100 = arith.constant 0 : i32
      %dma_wait3A_101 = tpu.memref_slice %arg4[%add3A, %dma_wait3A_99, %dma_wait3A_100] : memref<32x125x80xi32, #tpu.memory_space<hbm>> -> memref<1x125x80xi32, #tpu.memory_space<hbm>>
      %dma_wait3A_102 = tpu.memref_squeeze %dma_wait3A_101 : memref<1x125x80xi32, #tpu.memory_space<hbm>> -> memref<125x80xi32, #tpu.memory_space<hbm>>
      %dma_wait3A_103 = arith.constant 0 : i32
      %dma_wait3A_104 = arith.constant 0 : i32
      %dma_wait3A_105 = tpu.memref_slice %arg4[%add3A, %dma_wait3A_103, %dma_wait3A_104] : memref<32x125x80xi32, #tpu.memory_space<hbm>> -> memref<1x125x80xi32, #tpu.memory_space<hbm>>
      %dma_wait3A_106 = tpu.memref_squeeze %dma_wait3A_105 : memref<1x125x80xi32, #tpu.memory_space<hbm>> -> memref<125x80xi32, #tpu.memory_space<hbm>>
      tpu.wait_dma2 semaphore(%run_scoped3A : memref<!tpu.dma_semaphore, #tpu.memory_space<semaphore_mem>>) src(%dma_wait3A_106 : memref<125x80xi32, #tpu.memory_space<hbm>>) dst(%arg8 : memref<125x80xi32, #tpu.memory_space<vmem>>)
      tpu.yield
    }) : () -> ()
    "tpu.region"() ({
      %run_scoped3A = tpu.sem_alloc : memref<!tpu.dma_semaphore, #tpu.memory_space<semaphore_mem>>
      %dma_start3A_91 = arith.constant 0 : i32
      %dma_start3A_92 = tpu.memref_slice %arg10[%mul3A_2, %dma_start3A_91] : memref<10240x64xf32, #tpu.memory_space<vmem_shared>> -> memref<640x64xf32, #tpu.memory_space<vmem_shared>>
      %dma_start3A_93 = arith.constant 0 : i32
      %dma_start3A_94 = tpu.memref_slice %arg2[%mul3A_2, %dma_start3A_93] : memref<10240x64xf32, #tpu.memory_space<hbm>> -> memref<640x64xf32, #tpu.memory_space<hbm>>
      tpu.enqueue_dma source(%dma_start3A_94 : memref<640x64xf32, #tpu.memory_space<hbm>>) target(%dma_start3A_92 : memref<640x64xf32, #tpu.memory_space<vmem_shared>>) target_semaphore(%run_scoped3A : memref<!tpu.dma_semaphore, #tpu.memory_space<semaphore_mem>>)
      %dma_wait3A_95 = arith.constant 0 : i32
      %dma_wait3A_96 = tpu.memref_slice %arg10[%mul3A_2, %dma_wait3A_95] : memref<10240x64xf32, #tpu.memory_space<vmem_shared>> -> memref<640x64xf32, #tpu.memory_space<vmem_shared>>
      %dma_wait3A_97 = arith.constant 0 : i32
      %dma_wait3A_98 = tpu.memref_slice %arg2[%mul3A_2, %dma_wait3A_97] : memref<10240x64xf32, #tpu.memory_space<hbm>> -> memref<640x64xf32, #tpu.memory_space<hbm>>
      tpu.wait_dma2 semaphore(%run_scoped3A : memref<!tpu.dma_semaphore, #tpu.memory_space<semaphore_mem>>) src(%dma_wait3A_98 : memref<640x64xf32, #tpu.memory_space<hbm>>) dst(%dma_wait3A_96 : memref<640x64xf32, #tpu.memory_space<vmem_shared>>)
      tpu.yield
    }) : () -> ()
    "tpu.region"() ({
      %run_scoped3A = tpu.sem_alloc : memref<!tpu.dma_semaphore, #tpu.memory_space<semaphore_mem>>
      %dma_start3A_91 = arith.constant 0 : i32
      %dma_start3A_92 = tpu.memref_slice %arg11[%mul3A_2, %dma_start3A_91] : memref<10240x64xf32, #tpu.memory_space<vmem_shared>> -> memref<640x64xf32, #tpu.memory_space<vmem_shared>>
      tpu.enqueue_dma source(%arg5 : memref<640x64xf32, #tpu.memory_space<hbm>>) target(%dma_start3A_92 : memref<640x64xf32, #tpu.memory_space<vmem_shared>>) target_semaphore(%run_scoped3A : memref<!tpu.dma_semaphore, #tpu.memory_space<semaphore_mem>>)
      %dma_wait3A_93 = arith.constant 0 : i32
      %dma_wait3A_94 = tpu.memref_slice %arg11[%mul3A_2, %dma_wait3A_93] : memref<10240x64xf32, #tpu.memory_space<vmem_shared>> -> memref<640x64xf32, #tpu.memory_space<vmem_shared>>
      tpu.wait_dma2 semaphore(%run_scoped3A : memref<!tpu.dma_semaphore, #tpu.memory_space<semaphore_mem>>) src(%arg5 : memref<640x64xf32, #tpu.memory_space<hbm>>) dst(%dma_wait3A_94 : memref<640x64xf32, #tpu.memory_space<vmem_shared>>)
      tpu.yield
    }) : () -> ()
    %barrier3A = arith.constant 0 : index
    tpu.barrier barrier_id(%barrier3A)
    %dma_start3A = arith.constant 0 : i32
    %dma_start3A_3 = arith.constant 0 : i32
    %dma_start3A_4 = arith.constant 0 : i32
    %dma_start3A_5 = arith.constant 0 : i32
    %dma_start3A_6 = tpu.memref_slice %arg9[%dma_start3A_3, %dma_start3A_4, %dma_start3A_5] : memref<4x80x64xf32, #tpu.memory_space<vmem>> -> memref<1x80x64xf32, #tpu.memory_space<vmem>>
    %dma_start3A_7 = tpu.memref_squeeze %dma_start3A_6 : memref<1x80x64xf32, #tpu.memory_space<vmem>> -> memref<80x64xf32, #tpu.memory_space<vmem>>
    %dma_start3A_8 = arith.constant 0 : i32
    %dma_start3A_9 = tpu.memref_slice %arg7[%dma_start3A, %dma_start3A_8] : memref<125x80xi32, #tpu.memory_space<vmem>> -> memref<1x80xi32, #tpu.memory_space<vmem>>
    %dma_start3A_10 = tpu.memref_squeeze %dma_start3A_9 : memref<1x80xi32, #tpu.memory_space<vmem>> -> memref<80xi32, #tpu.memory_space<vmem>>
    %dma_start3A_11 = arith.constant 0 : i32
    %dma_start3A_12 = arith.constant 0 : i32
    %dma_start3A_13 = tpu.memref_slice %arg10[%dma_start3A_11, %dma_start3A_12] : memref<10240x64xf32, #tpu.memory_space<vmem_shared>> -> memref<10240x64xf32, #tpu.memory_space<vmem_shared>>
    tpu.enqueue_indirect_dma source(%dma_start3A_13 : memref<10240x64xf32, #tpu.memory_space<vmem_shared>>) target(%dma_start3A_7 : memref<80x64xf32, #tpu.memory_space<vmem>>) offsets(%dma_start3A_10 : memref<80xi32, #tpu.memory_space<vmem>>) semaphore(%arg12 : memref<!tpu.dma_semaphore, #tpu.memory_space<semaphore_mem>>)
    %dma_start3A_14 = arith.constant 1 : i32
    %dma_start3A_15 = arith.constant 1 : i32
    %dma_start3A_16 = arith.constant 0 : i32
    %dma_start3A_17 = arith.constant 0 : i32
    %dma_start3A_18 = tpu.memref_slice %arg9[%dma_start3A_15, %dma_start3A_16, %dma_start3A_17] : memref<4x80x64xf32, #tpu.memory_space<vmem>> -> memref<1x80x64xf32, #tpu.memory_space<vmem>>
    %dma_start3A_19 = tpu.memref_squeeze %dma_start3A_18 : memref<1x80x64xf32, #tpu.memory_space<vmem>> -> memref<80x64xf32, #tpu.memory_space<vmem>>
    %dma_start3A_20 = arith.constant 0 : i32
    %dma_start3A_21 = tpu.memref_slice %arg7[%dma_start3A_14, %dma_start3A_20] : memref<125x80xi32, #tpu.memory_space<vmem>> -> memref<1x80xi32, #tpu.memory_space<vmem>>
    %dma_start3A_22 = tpu.memref_squeeze %dma_start3A_21 : memref<1x80xi32, #tpu.memory_space<vmem>> -> memref<80xi32, #tpu.memory_space<vmem>>
    %dma_start3A_23 = arith.constant 0 : i32
    %dma_start3A_24 = arith.constant 0 : i32
    %dma_start3A_25 = tpu.memref_slice %arg10[%dma_start3A_23, %dma_start3A_24] : memref<10240x64xf32, #tpu.memory_space<vmem_shared>> -> memref<10240x64xf32, #tpu.memory_space<vmem_shared>>
    tpu.enqueue_indirect_dma source(%dma_start3A_25 : memref<10240x64xf32, #tpu.memory_space<vmem_shared>>) target(%dma_start3A_19 : memref<80x64xf32, #tpu.memory_space<vmem>>) offsets(%dma_start3A_22 : memref<80xi32, #tpu.memory_space<vmem>>) semaphore(%arg13 : memref<!tpu.dma_semaphore, #tpu.memory_space<semaphore_mem>>)
    %scan3A = arith.constant 0 : i32
    %scan3A_26 = arith.constant 0 : i32
    %scan3A_27 = arith.constant 31 : i32
    %scan3A_28 = arith.addi %scan3A_26, %scan3A_27 : i32
    %scan3A_29 = arith.constant 1 : i32
    scf.for %scan3A_91 = %scan3A_26 to %scan3A_28 step %scan3A_29  : i32 {
      %mul3A_92 = arith.constant 4 : i32
      %mul3A_93 = arith.muli %mul3A_92, %scan3A_91 : i32
      %add3A_94 = arith.constant 0 : i32
      %add3A_95 = arith.addi %mul3A_93, %add3A_94 : i32
      %dma_wait3A_96 = arith.constant 0 : i32
      %dma_wait3A_97 = arith.constant 0 : i32
      %dma_wait3A_98 = arith.constant 0 : i32
      %dma_wait3A_99 = tpu.memref_slice %arg9[%dma_wait3A_96, %dma_wait3A_97, %dma_wait3A_98] : memref<4x80x64xf32, #tpu.memory_space<vmem>> -> memref<1x80x64xf32, #tpu.memory_space<vmem>>
      %dma_wait3A_100 = tpu.memref_squeeze %dma_wait3A_99 : memref<1x80x64xf32, #tpu.memory_space<vmem>> -> memref<80x64xf32, #tpu.memory_space<vmem>>
      %dma_wait3A_101 = arith.constant 0 : i32
      %dma_wait3A_102 = tpu.memref_slice %arg7[%add3A_95, %dma_wait3A_101] : memref<125x80xi32, #tpu.memory_space<vmem>> -> memref<1x80xi32, #tpu.memory_space<vmem>>
      %dma_wait3A_103 = tpu.memref_squeeze %dma_wait3A_102 : memref<1x80xi32, #tpu.memory_space<vmem>> -> memref<80xi32, #tpu.memory_space<vmem>>
      %dma_wait3A_104 = arith.constant 0 : i32
      %dma_wait3A_105 = arith.constant 0 : i32
      %dma_wait3A_106 = tpu.memref_slice %arg10[%dma_wait3A_104, %dma_wait3A_105] : memref<10240x64xf32, #tpu.memory_space<vmem_shared>> -> memref<10240x64xf32, #tpu.memory_space<vmem_shared>>
      tpu.wait_indirect_dma semaphore(%arg12 : memref<!tpu.dma_semaphore, #tpu.memory_space<semaphore_mem>>) src(%dma_wait3A_106 : memref<10240x64xf32, #tpu.memory_space<vmem_shared>>) dst(%dma_wait3A_100 : memref<80x64xf32, #tpu.memory_space<vmem>>)
      %dma_start3A_107 = arith.constant 0 : i32
      %dma_start3A_108 = arith.constant 0 : i32
      %dma_start3A_109 = arith.constant 0 : i32
      %dma_start3A_110 = tpu.memref_slice %arg9[%dma_start3A_107, %dma_start3A_108, %dma_start3A_109] : memref<4x80x64xf32, #tpu.memory_space<vmem>> -> memref<1x80x64xf32, #tpu.memory_space<vmem>>
      %dma_start3A_111 = tpu.memref_squeeze %dma_start3A_110 : memref<1x80x64xf32, #tpu.memory_space<vmem>> -> memref<80x64xf32, #tpu.memory_space<vmem>>
      %dma_start3A_112 = arith.constant 0 : i32
      %dma_start3A_113 = tpu.memref_slice %arg8[%add3A_95, %dma_start3A_112] : memref<125x80xi32, #tpu.memory_space<vmem>> -> memref<1x80xi32, #tpu.memory_space<vmem>>
      %dma_start3A_114 = tpu.memref_squeeze %dma_start3A_113 : memref<1x80xi32, #tpu.memory_space<vmem>> -> memref<80xi32, #tpu.memory_space<vmem>>
      %dma_start3A_115 = arith.constant 0 : i32
      %dma_start3A_116 = arith.constant 0 : i32
      %dma_start3A_117 = tpu.memref_slice %arg11[%dma_start3A_115, %dma_start3A_116] : memref<10240x64xf32, #tpu.memory_space<vmem_shared>> -> memref<10240x64xf32, #tpu.memory_space<vmem_shared>>
      tpu.enqueue_indirect_dma source(%dma_start3A_111 : memref<80x64xf32, #tpu.memory_space<vmem>>) target(%dma_start3A_117 : memref<10240x64xf32, #tpu.memory_space<vmem_shared>>) offsets(%dma_start3A_114 : memref<80xi32, #tpu.memory_space<vmem>>) semaphore(%arg16 : memref<!tpu.dma_semaphore, #tpu.memory_space<semaphore_mem>>) {add = true}
      %ge3A = arith.constant 2 : i32
      %ge3A_118 = arith.cmpi sge, %add3A_95, %ge3A : i32
      %convert_element_type3A = arith.extui %ge3A_118 : i1 to i32
      %cond3A = arith.constant 0 : i32
      %cond3A_119 = arith.cmpi ne, %convert_element_type3A, %cond3A : i32
      scf.if %cond3A_119 {
        %sub3A = arith.constant 2 : i32
        %sub3A_240 = arith.subi %add3A_95, %sub3A : i32
        %dma_wait3A_241 = arith.constant 2 : i32
        %dma_wait3A_242 = arith.constant 0 : i32
        %dma_wait3A_243 = arith.constant 0 : i32
        %dma_wait3A_244 = tpu.memref_slice %arg9[%dma_wait3A_241, %dma_wait3A_242, %dma_wait3A_243] : memref<4x80x64xf32, #tpu.memory_space<vmem>> -> memref<1x80x64xf32, #tpu.memory_space<vmem>>
        %dma_wait3A_245 = tpu.memref_squeeze %dma_wait3A_244 : memref<1x80x64xf32, #tpu.memory_space<vmem>> -> memref<80x64xf32, #tpu.memory_space<vmem>>
        %dma_wait3A_246 = arith.constant 0 : i32
        %dma_wait3A_247 = tpu.memref_slice %arg8[%sub3A_240, %dma_wait3A_246] : memref<125x80xi32, #tpu.memory_space<vmem>> -> memref<1x80xi32, #tpu.memory_space<vmem>>
        %dma_wait3A_248 = tpu.memref_squeeze %dma_wait3A_247 : memref<1x80xi32, #tpu.memory_space<vmem>> -> memref<80xi32, #tpu.memory_space<vmem>>
        %dma_wait3A_249 = arith.constant 0 : i32
        %dma_wait3A_250 = arith.constant 0 : i32
        %dma_wait3A_251 = tpu.memref_slice %arg11[%dma_wait3A_249, %dma_wait3A_250] : memref<10240x64xf32, #tpu.memory_space<vmem_shared>> -> memref<10240x64xf32, #tpu.memory_space<vmem_shared>>
        tpu.wait_indirect_dma semaphore(%arg18 : memref<!tpu.dma_semaphore, #tpu.memory_space<semaphore_mem>>) src(%dma_wait3A_245 : memref<80x64xf32, #tpu.memory_space<vmem>>) dst(%dma_wait3A_251 : memref<10240x64xf32, #tpu.memory_space<vmem_shared>>)
      } else {
      }
      %add3A_120 = arith.constant 2 : i32
      %add3A_121 = arith.addi %add3A_95, %add3A_120 : i32
      %lt3A = arith.constant 125 : i32
      %lt3A_122 = arith.cmpi slt, %add3A_121, %lt3A : i32
      %convert_element_type3A_123 = arith.extui %lt3A_122 : i1 to i32
      %cond3A_124 = arith.constant 0 : i32
      %cond3A_125 = arith.cmpi ne, %convert_element_type3A_123, %cond3A_124 : i32
      scf.if %cond3A_125 {
        %add3A_240 = arith.constant 2 : i32
        %add3A_241 = arith.addi %add3A_95, %add3A_240 : i32
        %dma_start3A_242 = arith.constant 2 : i32
        %dma_start3A_243 = arith.constant 0 : i32
        %dma_start3A_244 = arith.constant 0 : i32
        %dma_start3A_245 = tpu.memref_slice %arg9[%dma_start3A_242, %dma_start3A_243, %dma_start3A_244] : memref<4x80x64xf32, #tpu.memory_space<vmem>> -> memref<1x80x64xf32, #tpu.memory_space<vmem>>
        %dma_start3A_246 = tpu.memref_squeeze %dma_start3A_245 : memref<1x80x64xf32, #tpu.memory_space<vmem>> -> memref<80x64xf32, #tpu.memory_space<vmem>>
        %dma_start3A_247 = arith.constant 0 : i32
        %dma_start3A_248 = tpu.memref_slice %arg7[%add3A_241, %dma_start3A_247] : memref<125x80xi32, #tpu.memory_space<vmem>> -> memref<1x80xi32, #tpu.memory_space<vmem>>
        %dma_start3A_249 = tpu.memref_squeeze %dma_start3A_248 : memref<1x80xi32, #tpu.memory_space<vmem>> -> memref<80xi32, #tpu.memory_space<vmem>>
        %dma_start3A_250 = arith.constant 0 : i32
        %dma_start3A_251 = arith.constant 0 : i32
        %dma_start3A_252 = tpu.memref_slice %arg10[%dma_start3A_250, %dma_start3A_251] : memref<10240x64xf32, #tpu.memory_space<vmem_shared>> -> memref<10240x64xf32, #tpu.memory_space<vmem_shared>>
        tpu.enqueue_indirect_dma source(%dma_start3A_252 : memref<10240x64xf32, #tpu.memory_space<vmem_shared>>) target(%dma_start3A_246 : memref<80x64xf32, #tpu.memory_space<vmem>>) offsets(%dma_start3A_249 : memref<80xi32, #tpu.memory_space<vmem>>) semaphore(%arg14 : memref<!tpu.dma_semaphore, #tpu.memory_space<semaphore_mem>>)
      } else {
      }
      %mul3A_126 = arith.constant 4 : i32
      %mul3A_127 = arith.muli %mul3A_126, %scan3A_91 : i32
      %add3A_128 = arith.constant 1 : i32
      %add3A_129 = arith.addi %mul3A_127, %add3A_128 : i32
      %dma_wait3A_130 = arith.constant 1 : i32
      %dma_wait3A_131 = arith.constant 0 : i32
      %dma_wait3A_132 = arith.constant 0 : i32
      %dma_wait3A_133 = tpu.memref_slice %arg9[%dma_wait3A_130, %dma_wait3A_131, %dma_wait3A_132] : memref<4x80x64xf32, #tpu.memory_space<vmem>> -> memref<1x80x64xf32, #tpu.memory_space<vmem>>
      %dma_wait3A_134 = tpu.memref_squeeze %dma_wait3A_133 : memref<1x80x64xf32, #tpu.memory_space<vmem>> -> memref<80x64xf32, #tpu.memory_space<vmem>>
      %dma_wait3A_135 = arith.constant 0 : i32
      %dma_wait3A_136 = tpu.memref_slice %arg7[%add3A_129, %dma_wait3A_135] : memref<125x80xi32, #tpu.memory_space<vmem>> -> memref<1x80xi32, #tpu.memory_space<vmem>>
      %dma_wait3A_137 = tpu.memref_squeeze %dma_wait3A_136 : memref<1x80xi32, #tpu.memory_space<vmem>> -> memref<80xi32, #tpu.memory_space<vmem>>
      %dma_wait3A_138 = arith.constant 0 : i32
      %dma_wait3A_139 = arith.constant 0 : i32
      %dma_wait3A_140 = tpu.memref_slice %arg10[%dma_wait3A_138, %dma_wait3A_139] : memref<10240x64xf32, #tpu.memory_space<vmem_shared>> -> memref<10240x64xf32, #tpu.memory_space<vmem_shared>>
      tpu.wait_indirect_dma semaphore(%arg13 : memref<!tpu.dma_semaphore, #tpu.memory_space<semaphore_mem>>) src(%dma_wait3A_140 : memref<10240x64xf32, #tpu.memory_space<vmem_shared>>) dst(%dma_wait3A_134 : memref<80x64xf32, #tpu.memory_space<vmem>>)
      %dma_start3A_141 = arith.constant 1 : i32
      %dma_start3A_142 = arith.constant 0 : i32
      %dma_start3A_143 = arith.constant 0 : i32
      %dma_start3A_144 = tpu.memref_slice %arg9[%dma_start3A_141, %dma_start3A_142, %dma_start3A_143] : memref<4x80x64xf32, #tpu.memory_space<vmem>> -> memref<1x80x64xf32, #tpu.memory_space<vmem>>
      %dma_start3A_145 = tpu.memref_squeeze %dma_start3A_144 : memref<1x80x64xf32, #tpu.memory_space<vmem>> -> memref<80x64xf32, #tpu.memory_space<vmem>>
      %dma_start3A_146 = arith.constant 0 : i32
      %dma_start3A_147 = tpu.memref_slice %arg8[%add3A_129, %dma_start3A_146] : memref<125x80xi32, #tpu.memory_space<vmem>> -> memref<1x80xi32, #tpu.memory_space<vmem>>
      %dma_start3A_148 = tpu.memref_squeeze %dma_start3A_147 : memref<1x80xi32, #tpu.memory_space<vmem>> -> memref<80xi32, #tpu.memory_space<vmem>>
      %dma_start3A_149 = arith.constant 0 : i32
      %dma_start3A_150 = arith.constant 0 : i32
      %dma_start3A_151 = tpu.memref_slice %arg11[%dma_start3A_149, %dma_start3A_150] : memref<10240x64xf32, #tpu.memory_space<vmem_shared>> -> memref<10240x64xf32, #tpu.memory_space<vmem_shared>>
      tpu.enqueue_indirect_dma source(%dma_start3A_145 : memref<80x64xf32, #tpu.memory_space<vmem>>) target(%dma_start3A_151 : memref<10240x64xf32, #tpu.memory_space<vmem_shared>>) offsets(%dma_start3A_148 : memref<80xi32, #tpu.memory_space<vmem>>) semaphore(%arg17 : memref<!tpu.dma_semaphore, #tpu.memory_space<semaphore_mem>>) {add = true}
      %ge3A_152 = arith.constant 2 : i32
      %ge3A_153 = arith.cmpi sge, %add3A_129, %ge3A_152 : i32
      %convert_element_type3A_154 = arith.extui %ge3A_153 : i1 to i32
      %cond3A_155 = arith.constant 0 : i32
      %cond3A_156 = arith.cmpi ne, %convert_element_type3A_154, %cond3A_155 : i32
      scf.if %cond3A_156 {
        %sub3A = arith.constant 2 : i32
        %sub3A_240 = arith.subi %add3A_129, %sub3A : i32
        %dma_wait3A_241 = arith.constant 3 : i32
        %dma_wait3A_242 = arith.constant 0 : i32
        %dma_wait3A_243 = arith.constant 0 : i32
        %dma_wait3A_244 = tpu.memref_slice %arg9[%dma_wait3A_241, %dma_wait3A_242, %dma_wait3A_243] : memref<4x80x64xf32, #tpu.memory_space<vmem>> -> memref<1x80x64xf32, #tpu.memory_space<vmem>>
        %dma_wait3A_245 = tpu.memref_squeeze %dma_wait3A_244 : memref<1x80x64xf32, #tpu.memory_space<vmem>> -> memref<80x64xf32, #tpu.memory_space<vmem>>
        %dma_wait3A_246 = arith.constant 0 : i32
        %dma_wait3A_247 = tpu.memref_slice %arg8[%sub3A_240, %dma_wait3A_246] : memref<125x80xi32, #tpu.memory_space<vmem>> -> memref<1x80xi32, #tpu.memory_space<vmem>>
        %dma_wait3A_248 = tpu.memref_squeeze %dma_wait3A_247 : memref<1x80xi32, #tpu.memory_space<vmem>> -> memref<80xi32, #tpu.memory_space<vmem>>
        %dma_wait3A_249 = arith.constant 0 : i32
        %dma_wait3A_250 = arith.constant 0 : i32
        %dma_wait3A_251 = tpu.memref_slice %arg11[%dma_wait3A_249, %dma_wait3A_250] : memref<10240x64xf32, #tpu.memory_space<vmem_shared>> -> memref<10240x64xf32, #tpu.memory_space<vmem_shared>>
        tpu.wait_indirect_dma semaphore(%arg19 : memref<!tpu.dma_semaphore, #tpu.memory_space<semaphore_mem>>) src(%dma_wait3A_245 : memref<80x64xf32, #tpu.memory_space<vmem>>) dst(%dma_wait3A_251 : memref<10240x64xf32, #tpu.memory_space<vmem_shared>>)
      } else {
      }
      %add3A_157 = arith.constant 2 : i32
      %add3A_158 = arith.addi %add3A_129, %add3A_157 : i32
      %lt3A_159 = arith.constant 125 : i32
      %lt3A_160 = arith.cmpi slt, %add3A_158, %lt3A_159 : i32
      %convert_element_type3A_161 = arith.extui %lt3A_160 : i1 to i32
      %cond3A_162 = arith.constant 0 : i32
      %cond3A_163 = arith.cmpi ne, %convert_element_type3A_161, %cond3A_162 : i32
      scf.if %cond3A_163 {
        %add3A_240 = arith.constant 2 : i32
        %add3A_241 = arith.addi %add3A_129, %add3A_240 : i32
        %dma_start3A_242 = arith.constant 3 : i32
        %dma_start3A_243 = arith.constant 0 : i32
        %dma_start3A_244 = arith.constant 0 : i32
        %dma_start3A_245 = tpu.memref_slice %arg9[%dma_start3A_242, %dma_start3A_243, %dma_start3A_244] : memref<4x80x64xf32, #tpu.memory_space<vmem>> -> memref<1x80x64xf32, #tpu.memory_space<vmem>>
        %dma_start3A_246 = tpu.memref_squeeze %dma_start3A_245 : memref<1x80x64xf32, #tpu.memory_space<vmem>> -> memref<80x64xf32, #tpu.memory_space<vmem>>
        %dma_start3A_247 = arith.constant 0 : i32
        %dma_start3A_248 = tpu.memref_slice %arg7[%add3A_241, %dma_start3A_247] : memref<125x80xi32, #tpu.memory_space<vmem>> -> memref<1x80xi32, #tpu.memory_space<vmem>>
        %dma_start3A_249 = tpu.memref_squeeze %dma_start3A_248 : memref<1x80xi32, #tpu.memory_space<vmem>> -> memref<80xi32, #tpu.memory_space<vmem>>
        %dma_start3A_250 = arith.constant 0 : i32
        %dma_start3A_251 = arith.constant 0 : i32
        %dma_start3A_252 = tpu.memref_slice %arg10[%dma_start3A_250, %dma_start3A_251] : memref<10240x64xf32, #tpu.memory_space<vmem_shared>> -> memref<10240x64xf32, #tpu.memory_space<vmem_shared>>
        tpu.enqueue_indirect_dma source(%dma_start3A_252 : memref<10240x64xf32, #tpu.memory_space<vmem_shared>>) target(%dma_start3A_246 : memref<80x64xf32, #tpu.memory_space<vmem>>) offsets(%dma_start3A_249 : memref<80xi32, #tpu.memory_space<vmem>>) semaphore(%arg15 : memref<!tpu.dma_semaphore, #tpu.memory_space<semaphore_mem>>)
      } else {
      }
      %mul3A_164 = arith.constant 4 : i32
      %mul3A_165 = arith.muli %mul3A_164, %scan3A_91 : i32
      %add3A_166 = arith.constant 2 : i32
      %add3A_167 = arith.addi %mul3A_165, %add3A_166 : i32
      %dma_wait3A_168 = arith.constant 2 : i32
      %dma_wait3A_169 = arith.constant 0 : i32
      %dma_wait3A_170 = arith.constant 0 : i32
      %dma_wait3A_171 = tpu.memref_slice %arg9[%dma_wait3A_168, %dma_wait3A_169, %dma_wait3A_170] : memref<4x80x64xf32, #tpu.memory_space<vmem>> -> memref<1x80x64xf32, #tpu.memory_space<vmem>>
      %dma_wait3A_172 = tpu.memref_squeeze %dma_wait3A_171 : memref<1x80x64xf32, #tpu.memory_space<vmem>> -> memref<80x64xf32, #tpu.memory_space<vmem>>
      %dma_wait3A_173 = arith.constant 0 : i32
      %dma_wait3A_174 = tpu.memref_slice %arg7[%add3A_167, %dma_wait3A_173] : memref<125x80xi32, #tpu.memory_space<vmem>> -> memref<1x80xi32, #tpu.memory_space<vmem>>
      %dma_wait3A_175 = tpu.memref_squeeze %dma_wait3A_174 : memref<1x80xi32, #tpu.memory_space<vmem>> -> memref<80xi32, #tpu.memory_space<vmem>>
      %dma_wait3A_176 = arith.constant 0 : i32
      %dma_wait3A_177 = arith.constant 0 : i32
      %dma_wait3A_178 = tpu.memref_slice %arg10[%dma_wait3A_176, %dma_wait3A_177] : memref<10240x64xf32, #tpu.memory_space<vmem_shared>> -> memref<10240x64xf32, #tpu.memory_space<vmem_shared>>
      tpu.wait_indirect_dma semaphore(%arg14 : memref<!tpu.dma_semaphore, #tpu.memory_space<semaphore_mem>>) src(%dma_wait3A_178 : memref<10240x64xf32, #tpu.memory_space<vmem_shared>>) dst(%dma_wait3A_172 : memref<80x64xf32, #tpu.memory_space<vmem>>)
      %dma_start3A_179 = arith.constant 2 : i32
      %dma_start3A_180 = arith.constant 0 : i32
      %dma_start3A_181 = arith.constant 0 : i32
      %dma_start3A_182 = tpu.memref_slice %arg9[%dma_start3A_179, %dma_start3A_180, %dma_start3A_181] : memref<4x80x64xf32, #tpu.memory_space<vmem>> -> memref<1x80x64xf32, #tpu.memory_space<vmem>>
      %dma_start3A_183 = tpu.memref_squeeze %dma_start3A_182 : memref<1x80x64xf32, #tpu.memory_space<vmem>> -> memref<80x64xf32, #tpu.memory_space<vmem>>
      %dma_start3A_184 = arith.constant 0 : i32
      %dma_start3A_185 = tpu.memref_slice %arg8[%add3A_167, %dma_start3A_184] : memref<125x80xi32, #tpu.memory_space<vmem>> -> memref<1x80xi32, #tpu.memory_space<vmem>>
      %dma_start3A_186 = tpu.memref_squeeze %dma_start3A_185 : memref<1x80xi32, #tpu.memory_space<vmem>> -> memref<80xi32, #tpu.memory_space<vmem>>
      %dma_start3A_187 = arith.constant 0 : i32
      %dma_start3A_188 = arith.constant 0 : i32
      %dma_start3A_189 = tpu.memref_slice %arg11[%dma_start3A_187, %dma_start3A_188] : memref<10240x64xf32, #tpu.memory_space<vmem_shared>> -> memref<10240x64xf32, #tpu.memory_space<vmem_shared>>
      tpu.enqueue_indirect_dma source(%dma_start3A_183 : memref<80x64xf32, #tpu.memory_space<vmem>>) target(%dma_start3A_189 : memref<10240x64xf32, #tpu.memory_space<vmem_shared>>) offsets(%dma_start3A_186 : memref<80xi32, #tpu.memory_space<vmem>>) semaphore(%arg18 : memref<!tpu.dma_semaphore, #tpu.memory_space<semaphore_mem>>) {add = true}
      %ge3A_190 = arith.constant 2 : i32
      %ge3A_191 = arith.cmpi sge, %add3A_167, %ge3A_190 : i32
      %convert_element_type3A_192 = arith.extui %ge3A_191 : i1 to i32
      %cond3A_193 = arith.constant 0 : i32
      %cond3A_194 = arith.cmpi ne, %convert_element_type3A_192, %cond3A_193 : i32
      scf.if %cond3A_194 {
        %sub3A = arith.constant 2 : i32
        %sub3A_240 = arith.subi %add3A_167, %sub3A : i32
        %dma_wait3A_241 = arith.constant 0 : i32
        %dma_wait3A_242 = arith.constant 0 : i32
        %dma_wait3A_243 = arith.constant 0 : i32
        %dma_wait3A_244 = tpu.memref_slice %arg9[%dma_wait3A_241, %dma_wait3A_242, %dma_wait3A_243] : memref<4x80x64xf32, #tpu.memory_space<vmem>> -> memref<1x80x64xf32, #tpu.memory_space<vmem>>
        %dma_wait3A_245 = tpu.memref_squeeze %dma_wait3A_244 : memref<1x80x64xf32, #tpu.memory_space<vmem>> -> memref<80x64xf32, #tpu.memory_space<vmem>>
        %dma_wait3A_246 = arith.constant 0 : i32
        %dma_wait3A_247 = tpu.memref_slice %arg8[%sub3A_240, %dma_wait3A_246] : memref<125x80xi32, #tpu.memory_space<vmem>> -> memref<1x80xi32, #tpu.memory_space<vmem>>
        %dma_wait3A_248 = tpu.memref_squeeze %dma_wait3A_247 : memref<1x80xi32, #tpu.memory_space<vmem>> -> memref<80xi32, #tpu.memory_space<vmem>>
        %dma_wait3A_249 = arith.constant 0 : i32
        %dma_wait3A_250 = arith.constant 0 : i32
        %dma_wait3A_251 = tpu.memref_slice %arg11[%dma_wait3A_249, %dma_wait3A_250] : memref<10240x64xf32, #tpu.memory_space<vmem_shared>> -> memref<10240x64xf32, #tpu.memory_space<vmem_shared>>
        tpu.wait_indirect_dma semaphore(%arg16 : memref<!tpu.dma_semaphore, #tpu.memory_space<semaphore_mem>>) src(%dma_wait3A_245 : memref<80x64xf32, #tpu.memory_space<vmem>>) dst(%dma_wait3A_251 : memref<10240x64xf32, #tpu.memory_space<vmem_shared>>)
      } else {
      }
      %add3A_195 = arith.constant 2 : i32
      %add3A_196 = arith.addi %add3A_167, %add3A_195 : i32
      %lt3A_197 = arith.constant 125 : i32
      %lt3A_198 = arith.cmpi slt, %add3A_196, %lt3A_197 : i32
      %convert_element_type3A_199 = arith.extui %lt3A_198 : i1 to i32
      %cond3A_200 = arith.constant 0 : i32
      %cond3A_201 = arith.cmpi ne, %convert_element_type3A_199, %cond3A_200 : i32
      scf.if %cond3A_201 {
        %add3A_240 = arith.constant 2 : i32
        %add3A_241 = arith.addi %add3A_167, %add3A_240 : i32
        %dma_start3A_242 = arith.constant 0 : i32
        %dma_start3A_243 = arith.constant 0 : i32
        %dma_start3A_244 = arith.constant 0 : i32
        %dma_start3A_245 = tpu.memref_slice %arg9[%dma_start3A_242, %dma_start3A_243, %dma_start3A_244] : memref<4x80x64xf32, #tpu.memory_space<vmem>> -> memref<1x80x64xf32, #tpu.memory_space<vmem>>
        %dma_start3A_246 = tpu.memref_squeeze %dma_start3A_245 : memref<1x80x64xf32, #tpu.memory_space<vmem>> -> memref<80x64xf32, #tpu.memory_space<vmem>>
        %dma_start3A_247 = arith.constant 0 : i32
        %dma_start3A_248 = tpu.memref_slice %arg7[%add3A_241, %dma_start3A_247] : memref<125x80xi32, #tpu.memory_space<vmem>> -> memref<1x80xi32, #tpu.memory_space<vmem>>
        %dma_start3A_249 = tpu.memref_squeeze %dma_start3A_248 : memref<1x80xi32, #tpu.memory_space<vmem>> -> memref<80xi32, #tpu.memory_space<vmem>>
        %dma_start3A_250 = arith.constant 0 : i32
        %dma_start3A_251 = arith.constant 0 : i32
        %dma_start3A_252 = tpu.memref_slice %arg10[%dma_start3A_250, %dma_start3A_251] : memref<10240x64xf32, #tpu.memory_space<vmem_shared>> -> memref<10240x64xf32, #tpu.memory_space<vmem_shared>>
        tpu.enqueue_indirect_dma source(%dma_start3A_252 : memref<10240x64xf32, #tpu.memory_space<vmem_shared>>) target(%dma_start3A_246 : memref<80x64xf32, #tpu.memory_space<vmem>>) offsets(%dma_start3A_249 : memref<80xi32, #tpu.memory_space<vmem>>) semaphore(%arg12 : memref<!tpu.dma_semaphore, #tpu.memory_space<semaphore_mem>>)
      } else {
      }
      %mul3A_202 = arith.constant 4 : i32
      %mul3A_203 = arith.muli %mul3A_202, %scan3A_91 : i32
      %add3A_204 = arith.constant 3 : i32
      %add3A_205 = arith.addi %mul3A_203, %add3A_204 : i32
      %dma_wait3A_206 = arith.constant 3 : i32
      %dma_wait3A_207 = arith.constant 0 : i32
      %dma_wait3A_208 = arith.constant 0 : i32
      %dma_wait3A_209 = tpu.memref_slice %arg9[%dma_wait3A_206, %dma_wait3A_207, %dma_wait3A_208] : memref<4x80x64xf32, #tpu.memory_space<vmem>> -> memref<1x80x64xf32, #tpu.memory_space<vmem>>
      %dma_wait3A_210 = tpu.memref_squeeze %dma_wait3A_209 : memref<1x80x64xf32, #tpu.memory_space<vmem>> -> memref<80x64xf32, #tpu.memory_space<vmem>>
      %dma_wait3A_211 = arith.constant 0 : i32
      %dma_wait3A_212 = tpu.memref_slice %arg7[%add3A_205, %dma_wait3A_211] : memref<125x80xi32, #tpu.memory_space<vmem>> -> memref<1x80xi32, #tpu.memory_space<vmem>>
      %dma_wait3A_213 = tpu.memref_squeeze %dma_wait3A_212 : memref<1x80xi32, #tpu.memory_space<vmem>> -> memref<80xi32, #tpu.memory_space<vmem>>
      %dma_wait3A_214 = arith.constant 0 : i32
      %dma_wait3A_215 = arith.constant 0 : i32
      %dma_wait3A_216 = tpu.memref_slice %arg10[%dma_wait3A_214, %dma_wait3A_215] : memref<10240x64xf32, #tpu.memory_space<vmem_shared>> -> memref<10240x64xf32, #tpu.memory_space<vmem_shared>>
      tpu.wait_indirect_dma semaphore(%arg15 : memref<!tpu.dma_semaphore, #tpu.memory_space<semaphore_mem>>) src(%dma_wait3A_216 : memref<10240x64xf32, #tpu.memory_space<vmem_shared>>) dst(%dma_wait3A_210 : memref<80x64xf32, #tpu.memory_space<vmem>>)
      %dma_start3A_217 = arith.constant 3 : i32
      %dma_start3A_218 = arith.constant 0 : i32
      %dma_start3A_219 = arith.constant 0 : i32
      %dma_start3A_220 = tpu.memref_slice %arg9[%dma_start3A_217, %dma_start3A_218, %dma_start3A_219] : memref<4x80x64xf32, #tpu.memory_space<vmem>> -> memref<1x80x64xf32, #tpu.memory_space<vmem>>
      %dma_start3A_221 = tpu.memref_squeeze %dma_start3A_220 : memref<1x80x64xf32, #tpu.memory_space<vmem>> -> memref<80x64xf32, #tpu.memory_space<vmem>>
      %dma_start3A_222 = arith.constant 0 : i32
      %dma_start3A_223 = tpu.memref_slice %arg8[%add3A_205, %dma_start3A_222] : memref<125x80xi32, #tpu.memory_space<vmem>> -> memref<1x80xi32, #tpu.memory_space<vmem>>
      %dma_start3A_224 = tpu.memref_squeeze %dma_start3A_223 : memref<1x80xi32, #tpu.memory_space<vmem>> -> memref<80xi32, #tpu.memory_space<vmem>>
      %dma_start3A_225 = arith.constant 0 : i32
      %dma_start3A_226 = arith.constant 0 : i32
      %dma_start3A_227 = tpu.memref_slice %arg11[%dma_start3A_225, %dma_start3A_226] : memref<10240x64xf32, #tpu.memory_space<vmem_shared>> -> memref<10240x64xf32, #tpu.memory_space<vmem_shared>>
      tpu.enqueue_indirect_dma source(%dma_start3A_221 : memref<80x64xf32, #tpu.memory_space<vmem>>) target(%dma_start3A_227 : memref<10240x64xf32, #tpu.memory_space<vmem_shared>>) offsets(%dma_start3A_224 : memref<80xi32, #tpu.memory_space<vmem>>) semaphore(%arg19 : memref<!tpu.dma_semaphore, #tpu.memory_space<semaphore_mem>>) {add = true}
      %ge3A_228 = arith.constant 2 : i32
      %ge3A_229 = arith.cmpi sge, %add3A_205, %ge3A_228 : i32
      %convert_element_type3A_230 = arith.extui %ge3A_229 : i1 to i32
      %cond3A_231 = arith.constant 0 : i32
      %cond3A_232 = arith.cmpi ne, %convert_element_type3A_230, %cond3A_231 : i32
      scf.if %cond3A_232 {
        %sub3A = arith.constant 2 : i32
        %sub3A_240 = arith.subi %add3A_205, %sub3A : i32
        %dma_wait3A_241 = arith.constant 1 : i32
        %dma_wait3A_242 = arith.constant 0 : i32
        %dma_wait3A_243 = arith.constant 0 : i32
        %dma_wait3A_244 = tpu.memref_slice %arg9[%dma_wait3A_241, %dma_wait3A_242, %dma_wait3A_243] : memref<4x80x64xf32, #tpu.memory_space<vmem>> -> memref<1x80x64xf32, #tpu.memory_space<vmem>>
        %dma_wait3A_245 = tpu.memref_squeeze %dma_wait3A_244 : memref<1x80x64xf32, #tpu.memory_space<vmem>> -> memref<80x64xf32, #tpu.memory_space<vmem>>
        %dma_wait3A_246 = arith.constant 0 : i32
        %dma_wait3A_247 = tpu.memref_slice %arg8[%sub3A_240, %dma_wait3A_246] : memref<125x80xi32, #tpu.memory_space<vmem>> -> memref<1x80xi32, #tpu.memory_space<vmem>>
        %dma_wait3A_248 = tpu.memref_squeeze %dma_wait3A_247 : memref<1x80xi32, #tpu.memory_space<vmem>> -> memref<80xi32, #tpu.memory_space<vmem>>
        %dma_wait3A_249 = arith.constant 0 : i32
        %dma_wait3A_250 = arith.constant 0 : i32
        %dma_wait3A_251 = tpu.memref_slice %arg11[%dma_wait3A_249, %dma_wait3A_250] : memref<10240x64xf32, #tpu.memory_space<vmem_shared>> -> memref<10240x64xf32, #tpu.memory_space<vmem_shared>>
        tpu.wait_indirect_dma semaphore(%arg17 : memref<!tpu.dma_semaphore, #tpu.memory_space<semaphore_mem>>) src(%dma_wait3A_245 : memref<80x64xf32, #tpu.memory_space<vmem>>) dst(%dma_wait3A_251 : memref<10240x64xf32, #tpu.memory_space<vmem_shared>>)
      } else {
      }
      %add3A_233 = arith.constant 2 : i32
      %add3A_234 = arith.addi %add3A_205, %add3A_233 : i32
      %lt3A_235 = arith.constant 125 : i32
      %lt3A_236 = arith.cmpi slt, %add3A_234, %lt3A_235 : i32
      %convert_element_type3A_237 = arith.extui %lt3A_236 : i1 to i32
      %cond3A_238 = arith.constant 0 : i32
      %cond3A_239 = arith.cmpi ne, %convert_element_type3A_237, %cond3A_238 : i32
      scf.if %cond3A_239 {
        %add3A_240 = arith.constant 2 : i32
        %add3A_241 = arith.addi %add3A_205, %add3A_240 : i32
        %dma_start3A_242 = arith.constant 1 : i32
        %dma_start3A_243 = arith.constant 0 : i32
        %dma_start3A_244 = arith.constant 0 : i32
        %dma_start3A_245 = tpu.memref_slice %arg9[%dma_start3A_242, %dma_start3A_243, %dma_start3A_244] : memref<4x80x64xf32, #tpu.memory_space<vmem>> -> memref<1x80x64xf32, #tpu.memory_space<vmem>>
        %dma_start3A_246 = tpu.memref_squeeze %dma_start3A_245 : memref<1x80x64xf32, #tpu.memory_space<vmem>> -> memref<80x64xf32, #tpu.memory_space<vmem>>
        %dma_start3A_247 = arith.constant 0 : i32
        %dma_start3A_248 = tpu.memref_slice %arg7[%add3A_241, %dma_start3A_247] : memref<125x80xi32, #tpu.memory_space<vmem>> -> memref<1x80xi32, #tpu.memory_space<vmem>>
        %dma_start3A_249 = tpu.memref_squeeze %dma_start3A_248 : memref<1x80xi32, #tpu.memory_space<vmem>> -> memref<80xi32, #tpu.memory_space<vmem>>
        %dma_start3A_250 = arith.constant 0 : i32
        %dma_start3A_251 = arith.constant 0 : i32
        %dma_start3A_252 = tpu.memref_slice %arg10[%dma_start3A_250, %dma_start3A_251] : memref<10240x64xf32, #tpu.memory_space<vmem_shared>> -> memref<10240x64xf32, #tpu.memory_space<vmem_shared>>
        tpu.enqueue_indirect_dma source(%dma_start3A_252 : memref<10240x64xf32, #tpu.memory_space<vmem_shared>>) target(%dma_start3A_246 : memref<80x64xf32, #tpu.memory_space<vmem>>) offsets(%dma_start3A_249 : memref<80xi32, #tpu.memory_space<vmem>>) semaphore(%arg13 : memref<!tpu.dma_semaphore, #tpu.memory_space<semaphore_mem>>)
      } else {
      }
    }
    %scan3A_30 = arith.constant 31 : i32
    %dma_wait3A = arith.constant 124 : i32
    %dma_wait3A_31 = arith.constant 0 : i32
    %dma_wait3A_32 = arith.constant 0 : i32
    %dma_wait3A_33 = arith.constant 0 : i32
    %dma_wait3A_34 = tpu.memref_slice %arg9[%dma_wait3A_31, %dma_wait3A_32, %dma_wait3A_33] : memref<4x80x64xf32, #tpu.memory_space<vmem>> -> memref<1x80x64xf32, #tpu.memory_space<vmem>>
    %dma_wait3A_35 = tpu.memref_squeeze %dma_wait3A_34 : memref<1x80x64xf32, #tpu.memory_space<vmem>> -> memref<80x64xf32, #tpu.memory_space<vmem>>
    %dma_wait3A_36 = arith.constant 0 : i32
    %dma_wait3A_37 = tpu.memref_slice %arg7[%dma_wait3A, %dma_wait3A_36] : memref<125x80xi32, #tpu.memory_space<vmem>> -> memref<1x80xi32, #tpu.memory_space<vmem>>
    %dma_wait3A_38 = tpu.memref_squeeze %dma_wait3A_37 : memref<1x80xi32, #tpu.memory_space<vmem>> -> memref<80xi32, #tpu.memory_space<vmem>>
    %dma_wait3A_39 = arith.constant 0 : i32
    %dma_wait3A_40 = arith.constant 0 : i32
    %dma_wait3A_41 = tpu.memref_slice %arg10[%dma_wait3A_39, %dma_wait3A_40] : memref<10240x64xf32, #tpu.memory_space<vmem_shared>> -> memref<10240x64xf32, #tpu.memory_space<vmem_shared>>
    tpu.wait_indirect_dma semaphore(%arg12 : memref<!tpu.dma_semaphore, #tpu.memory_space<semaphore_mem>>) src(%dma_wait3A_41 : memref<10240x64xf32, #tpu.memory_space<vmem_shared>>) dst(%dma_wait3A_35 : memref<80x64xf32, #tpu.memory_space<vmem>>)
    %dma_start3A_42 = arith.constant 0 : i32
    %dma_start3A_43 = arith.constant 124 : i32
    %dma_start3A_44 = arith.constant 0 : i32
    %dma_start3A_45 = arith.constant 0 : i32
    %dma_start3A_46 = tpu.memref_slice %arg9[%dma_start3A_42, %dma_start3A_44, %dma_start3A_45] : memref<4x80x64xf32, #tpu.memory_space<vmem>> -> memref<1x80x64xf32, #tpu.memory_space<vmem>>
    %dma_start3A_47 = tpu.memref_squeeze %dma_start3A_46 : memref<1x80x64xf32, #tpu.memory_space<vmem>> -> memref<80x64xf32, #tpu.memory_space<vmem>>
    %dma_start3A_48 = arith.constant 0 : i32
    %dma_start3A_49 = tpu.memref_slice %arg8[%dma_start3A_43, %dma_start3A_48] : memref<125x80xi32, #tpu.memory_space<vmem>> -> memref<1x80xi32, #tpu.memory_space<vmem>>
    %dma_start3A_50 = tpu.memref_squeeze %dma_start3A_49 : memref<1x80xi32, #tpu.memory_space<vmem>> -> memref<80xi32, #tpu.memory_space<vmem>>
    %dma_start3A_51 = arith.constant 0 : i32
    %dma_start3A_52 = arith.constant 0 : i32
    %dma_start3A_53 = tpu.memref_slice %arg11[%dma_start3A_51, %dma_start3A_52] : memref<10240x64xf32, #tpu.memory_space<vmem_shared>> -> memref<10240x64xf32, #tpu.memory_space<vmem_shared>>
    tpu.enqueue_indirect_dma source(%dma_start3A_47 : memref<80x64xf32, #tpu.memory_space<vmem>>) target(%dma_start3A_53 : memref<10240x64xf32, #tpu.memory_space<vmem_shared>>) offsets(%dma_start3A_50 : memref<80xi32, #tpu.memory_space<vmem>>) semaphore(%arg16 : memref<!tpu.dma_semaphore, #tpu.memory_space<semaphore_mem>>) {add = true}
    %dma_wait3A_54 = arith.constant 2 : i32
    %dma_wait3A_55 = arith.constant 122 : i32
    %dma_wait3A_56 = arith.constant 0 : i32
    %dma_wait3A_57 = arith.constant 0 : i32
    %dma_wait3A_58 = tpu.memref_slice %arg9[%dma_wait3A_54, %dma_wait3A_56, %dma_wait3A_57] : memref<4x80x64xf32, #tpu.memory_space<vmem>> -> memref<1x80x64xf32, #tpu.memory_space<vmem>>
    %dma_wait3A_59 = tpu.memref_squeeze %dma_wait3A_58 : memref<1x80x64xf32, #tpu.memory_space<vmem>> -> memref<80x64xf32, #tpu.memory_space<vmem>>
    %dma_wait3A_60 = arith.constant 0 : i32
    %dma_wait3A_61 = tpu.memref_slice %arg8[%dma_wait3A_55, %dma_wait3A_60] : memref<125x80xi32, #tpu.memory_space<vmem>> -> memref<1x80xi32, #tpu.memory_space<vmem>>
    %dma_wait3A_62 = tpu.memref_squeeze %dma_wait3A_61 : memref<1x80xi32, #tpu.memory_space<vmem>> -> memref<80xi32, #tpu.memory_space<vmem>>
    %dma_wait3A_63 = arith.constant 0 : i32
    %dma_wait3A_64 = arith.constant 0 : i32
    %dma_wait3A_65 = tpu.memref_slice %arg11[%dma_wait3A_63, %dma_wait3A_64] : memref<10240x64xf32, #tpu.memory_space<vmem_shared>> -> memref<10240x64xf32, #tpu.memory_space<vmem_shared>>
    tpu.wait_indirect_dma semaphore(%arg18 : memref<!tpu.dma_semaphore, #tpu.memory_space<semaphore_mem>>) src(%dma_wait3A_59 : memref<80x64xf32, #tpu.memory_space<vmem>>) dst(%dma_wait3A_65 : memref<10240x64xf32, #tpu.memory_space<vmem_shared>>)
    %dma_wait3A_66 = arith.constant 3 : i32
    %dma_wait3A_67 = arith.constant 123 : i32
    %dma_wait3A_68 = arith.constant 0 : i32
    %dma_wait3A_69 = arith.constant 0 : i32
    %dma_wait3A_70 = tpu.memref_slice %arg9[%dma_wait3A_66, %dma_wait3A_68, %dma_wait3A_69] : memref<4x80x64xf32, #tpu.memory_space<vmem>> -> memref<1x80x64xf32, #tpu.memory_space<vmem>>
    %dma_wait3A_71 = tpu.memref_squeeze %dma_wait3A_70 : memref<1x80x64xf32, #tpu.memory_space<vmem>> -> memref<80x64xf32, #tpu.memory_space<vmem>>
    %dma_wait3A_72 = arith.constant 0 : i32
    %dma_wait3A_73 = tpu.memref_slice %arg8[%dma_wait3A_67, %dma_wait3A_72] : memref<125x80xi32, #tpu.memory_space<vmem>> -> memref<1x80xi32, #tpu.memory_space<vmem>>
    %dma_wait3A_74 = tpu.memref_squeeze %dma_wait3A_73 : memref<1x80xi32, #tpu.memory_space<vmem>> -> memref<80xi32, #tpu.memory_space<vmem>>
    %dma_wait3A_75 = arith.constant 0 : i32
    %dma_wait3A_76 = arith.constant 0 : i32
    %dma_wait3A_77 = tpu.memref_slice %arg11[%dma_wait3A_75, %dma_wait3A_76] : memref<10240x64xf32, #tpu.memory_space<vmem_shared>> -> memref<10240x64xf32, #tpu.memory_space<vmem_shared>>
    tpu.wait_indirect_dma semaphore(%arg19 : memref<!tpu.dma_semaphore, #tpu.memory_space<semaphore_mem>>) src(%dma_wait3A_71 : memref<80x64xf32, #tpu.memory_space<vmem>>) dst(%dma_wait3A_77 : memref<10240x64xf32, #tpu.memory_space<vmem_shared>>)
    %dma_wait3A_78 = arith.constant 0 : i32
    %dma_wait3A_79 = arith.constant 124 : i32
    %dma_wait3A_80 = arith.constant 0 : i32
    %dma_wait3A_81 = arith.constant 0 : i32
    %dma_wait3A_82 = tpu.memref_slice %arg9[%dma_wait3A_78, %dma_wait3A_80, %dma_wait3A_81] : memref<4x80x64xf32, #tpu.memory_space<vmem>> -> memref<1x80x64xf32, #tpu.memory_space<vmem>>
    %dma_wait3A_83 = tpu.memref_squeeze %dma_wait3A_82 : memref<1x80x64xf32, #tpu.memory_space<vmem>> -> memref<80x64xf32, #tpu.memory_space<vmem>>
    %dma_wait3A_84 = arith.constant 0 : i32
    %dma_wait3A_85 = tpu.memref_slice %arg8[%dma_wait3A_79, %dma_wait3A_84] : memref<125x80xi32, #tpu.memory_space<vmem>> -> memref<1x80xi32, #tpu.memory_space<vmem>>
    %dma_wait3A_86 = tpu.memref_squeeze %dma_wait3A_85 : memref<1x80xi32, #tpu.memory_space<vmem>> -> memref<80xi32, #tpu.memory_space<vmem>>
    %dma_wait3A_87 = arith.constant 0 : i32
    %dma_wait3A_88 = arith.constant 0 : i32
    %dma_wait3A_89 = tpu.memref_slice %arg11[%dma_wait3A_87, %dma_wait3A_88] : memref<10240x64xf32, #tpu.memory_space<vmem_shared>> -> memref<10240x64xf32, #tpu.memory_space<vmem_shared>>
    tpu.wait_indirect_dma semaphore(%arg16 : memref<!tpu.dma_semaphore, #tpu.memory_space<semaphore_mem>>) src(%dma_wait3A_83 : memref<80x64xf32, #tpu.memory_space<vmem>>) dst(%dma_wait3A_89 : memref<10240x64xf32, #tpu.memory_space<vmem_shared>>)
    %barrier3A_90 = arith.constant 0 : index
    tpu.barrier barrier_id(%barrier3A_90)
    "tpu.region"() ({
      %run_scoped3A = tpu.sem_alloc : memref<!tpu.dma_semaphore, #tpu.memory_space<semaphore_mem>>
      %dma_start3A_91 = arith.constant 0 : i32
      %dma_start3A_92 = tpu.memref_slice %arg6[%arg0, %mul3A_2, %dma_start3A_91] : memref<2x10240x64xf32, #tpu.memory_space<hbm>> -> memref<1x640x64xf32, #tpu.memory_space<hbm>>
      %dma_start3A_93 = tpu.memref_squeeze %dma_start3A_92 : memref<1x640x64xf32, #tpu.memory_space<hbm>> -> memref<640x64xf32, #tpu.memory_space<hbm>>
      %dma_start3A_94 = arith.constant 0 : i32
      %dma_start3A_95 = tpu.memref_slice %arg11[%mul3A_2, %dma_start3A_94] : memref<10240x64xf32, #tpu.memory_space<vmem_shared>> -> memref<640x64xf32, #tpu.memory_space<vmem_shared>>
      tpu.enqueue_dma source(%dma_start3A_95 : memref<640x64xf32, #tpu.memory_space<vmem_shared>>) target(%dma_start3A_93 : memref<640x64xf32, #tpu.memory_space<hbm>>) target_semaphore(%run_scoped3A : memref<!tpu.dma_semaphore, #tpu.memory_space<semaphore_mem>>)
      %dma_wait3A_96 = arith.constant 0 : i32
      %dma_wait3A_97 = tpu.memref_slice %arg6[%arg0, %mul3A_2, %dma_wait3A_96] : memref<2x10240x64xf32, #tpu.memory_space<hbm>> -> memref<1x640x64xf32, #tpu.memory_space<hbm>>
      %dma_wait3A_98 = tpu.memref_squeeze %dma_wait3A_97 : memref<1x640x64xf32, #tpu.memory_space<hbm>> -> memref<640x64xf32, #tpu.memory_space<hbm>>
      %dma_wait3A_99 = arith.constant 0 : i32
      %dma_wait3A_100 = tpu.memref_slice %arg11[%mul3A_2, %dma_wait3A_99] : memref<10240x64xf32, #tpu.memory_space<vmem_shared>> -> memref<640x64xf32, #tpu.memory_space<vmem_shared>>
      tpu.wait_dma2 semaphore(%run_scoped3A : memref<!tpu.dma_semaphore, #tpu.memory_space<semaphore_mem>>) src(%dma_wait3A_100 : memref<640x64xf32, #tpu.memory_space<vmem_shared>>) dst(%dma_wait3A_98 : memref<640x64xf32, #tpu.memory_space<hbm>>)
      tpu.yield
    }) : () -> ()
    return
  }
}

#map = affine_map<(d0, d1) -> (0, 0)>
#map1 = affine_map<(d0, d1) -> (0, 0, 0)>
module attributes {stable_mosaic.version = 14 : i64} {
  func.func @agg(%arg0: i32, %arg1: i32, %arg2: memref<10240x16xf32, #tpu.memory_space<hbm>>, %arg3: memref<32x125x80xi32, #tpu.memory_space<hbm>>, %arg4: memref<32x125x80xi32, #tpu.memory_space<hbm>>, %arg5: memref<640x16xf32, #tpu.memory_space<hbm>>, %arg6: memref<2x10240x16xf32, #tpu.memory_space<hbm>>, %arg7: memref<125x80xi32, #tpu.memory_space<vmem>>, %arg8: memref<125x80xi32, #tpu.memory_space<vmem>>, %arg9: memref<4x80x16xf32, #tpu.memory_space<vmem>>, %arg10: memref<10240x16xf32, #tpu.memory_space<vmem_shared>>, %arg11: memref<10240x16xf32, #tpu.memory_space<vmem_shared>>, %arg12: memref<!tpu.dma_semaphore, #tpu.memory_space<semaphore_mem>>, %arg13: memref<!tpu.dma_semaphore, #tpu.memory_space<semaphore_mem>>, %arg14: memref<!tpu.dma_semaphore, #tpu.memory_space<semaphore_mem>>, %arg15: memref<!tpu.dma_semaphore, #tpu.memory_space<semaphore_mem>>, %arg16: memref<!tpu.dma_semaphore, #tpu.memory_space<semaphore_mem>>, %arg17: memref<!tpu.dma_semaphore, #tpu.memory_space<semaphore_mem>>, %arg18: memref<!tpu.dma_semaphore, #tpu.memory_space<semaphore_mem>>, %arg19: memref<!tpu.dma_semaphore, #tpu.memory_space<semaphore_mem>>) attributes {dimension_semantics = [#tpu.dimension_semantics<core_parallel>, #tpu.dimension_semantics<subcore_parallel>], iteration_bounds = array<i64: 2, 16>, scalar_prefetch = 0 : i64, scratch_operands = 13 : i64, tpu.core_type = #tpu.core_type<sc_vector_subcore>, window_params = [{transform_indices = #map}, {transform_indices = #map1}, {transform_indices = #map1}, {transform_indices = #map}, {transform_indices = #map1}]} {
    %mul3A = arith.constant 16 : i32
    %mul3A_0 = arith.muli %arg0, %mul3A : i32
    %add3A = arith.addi %mul3A_0, %arg1 : i32
    %mul3A_1 = arith.constant 640 : i32
    %mul3A_2 = arith.muli %arg1, %mul3A_1 : i32
    "tpu.region"() ({
      %run_scoped3A = tpu.sem_alloc : memref<!tpu.dma_semaphore, #tpu.memory_space<semaphore_mem>>
      %dma_start3A_91 = arith.constant 0 : i32
      %dma_start3A_92 = arith.constant 0 : i32
      %dma_start3A_93 = tpu.memref_slice %arg3[%add3A, %dma_start3A_91, %dma_start3A_92] : memref<32x125x80xi32, #tpu.memory_space<hbm>> -> memref<1x125x80xi32, #tpu.memory_space<hbm>>
      %dma_start3A_94 = tpu.memref_squeeze %dma_start3A_93 : memref<1x125x80xi32, #tpu.memory_space<hbm>> -> memref<125x80xi32, #tpu.memory_space<hbm>>
      %dma_start3A_95 = arith.constant 0 : i32
      %dma_start3A_96 = arith.constant 0 : i32
      %dma_start3A_97 = tpu.memref_slice %arg3[%add3A, %dma_start3A_95, %dma_start3A_96] : memref<32x125x80xi32, #tpu.memory_space<hbm>> -> memref<1x125x80xi32, #tpu.memory_space<hbm>>
      %dma_start3A_98 = tpu.memref_squeeze %dma_start3A_97 : memref<1x125x80xi32, #tpu.memory_space<hbm>> -> memref<125x80xi32, #tpu.memory_space<hbm>>
      tpu.enqueue_dma source(%dma_start3A_98 : memref<125x80xi32, #tpu.memory_space<hbm>>) target(%arg7 : memref<125x80xi32, #tpu.memory_space<vmem>>) target_semaphore(%run_scoped3A : memref<!tpu.dma_semaphore, #tpu.memory_space<semaphore_mem>>)
      %dma_wait3A_99 = arith.constant 0 : i32
      %dma_wait3A_100 = arith.constant 0 : i32
      %dma_wait3A_101 = tpu.memref_slice %arg3[%add3A, %dma_wait3A_99, %dma_wait3A_100] : memref<32x125x80xi32, #tpu.memory_space<hbm>> -> memref<1x125x80xi32, #tpu.memory_space<hbm>>
      %dma_wait3A_102 = tpu.memref_squeeze %dma_wait3A_101 : memref<1x125x80xi32, #tpu.memory_space<hbm>> -> memref<125x80xi32, #tpu.memory_space<hbm>>
      %dma_wait3A_103 = arith.constant 0 : i32
      %dma_wait3A_104 = arith.constant 0 : i32
      %dma_wait3A_105 = tpu.memref_slice %arg3[%add3A, %dma_wait3A_103, %dma_wait3A_104] : memref<32x125x80xi32, #tpu.memory_space<hbm>> -> memref<1x125x80xi32, #tpu.memory_space<hbm>>
      %dma_wait3A_106 = tpu.memref_squeeze %dma_wait3A_105 : memref<1x125x80xi32, #tpu.memory_space<hbm>> -> memref<125x80xi32, #tpu.memory_space<hbm>>
      tpu.wait_dma2 semaphore(%run_scoped3A : memref<!tpu.dma_semaphore, #tpu.memory_space<semaphore_mem>>) src(%dma_wait3A_106 : memref<125x80xi32, #tpu.memory_space<hbm>>) dst(%arg7 : memref<125x80xi32, #tpu.memory_space<vmem>>)
      tpu.yield
    }) : () -> ()
    "tpu.region"() ({
      %run_scoped3A = tpu.sem_alloc : memref<!tpu.dma_semaphore, #tpu.memory_space<semaphore_mem>>
      %dma_start3A_91 = arith.constant 0 : i32
      %dma_start3A_92 = arith.constant 0 : i32
      %dma_start3A_93 = tpu.memref_slice %arg4[%add3A, %dma_start3A_91, %dma_start3A_92] : memref<32x125x80xi32, #tpu.memory_space<hbm>> -> memref<1x125x80xi32, #tpu.memory_space<hbm>>
      %dma_start3A_94 = tpu.memref_squeeze %dma_start3A_93 : memref<1x125x80xi32, #tpu.memory_space<hbm>> -> memref<125x80xi32, #tpu.memory_space<hbm>>
      %dma_start3A_95 = arith.constant 0 : i32
      %dma_start3A_96 = arith.constant 0 : i32
      %dma_start3A_97 = tpu.memref_slice %arg4[%add3A, %dma_start3A_95, %dma_start3A_96] : memref<32x125x80xi32, #tpu.memory_space<hbm>> -> memref<1x125x80xi32, #tpu.memory_space<hbm>>
      %dma_start3A_98 = tpu.memref_squeeze %dma_start3A_97 : memref<1x125x80xi32, #tpu.memory_space<hbm>> -> memref<125x80xi32, #tpu.memory_space<hbm>>
      tpu.enqueue_dma source(%dma_start3A_98 : memref<125x80xi32, #tpu.memory_space<hbm>>) target(%arg8 : memref<125x80xi32, #tpu.memory_space<vmem>>) target_semaphore(%run_scoped3A : memref<!tpu.dma_semaphore, #tpu.memory_space<semaphore_mem>>)
      %dma_wait3A_99 = arith.constant 0 : i32
      %dma_wait3A_100 = arith.constant 0 : i32
      %dma_wait3A_101 = tpu.memref_slice %arg4[%add3A, %dma_wait3A_99, %dma_wait3A_100] : memref<32x125x80xi32, #tpu.memory_space<hbm>> -> memref<1x125x80xi32, #tpu.memory_space<hbm>>
      %dma_wait3A_102 = tpu.memref_squeeze %dma_wait3A_101 : memref<1x125x80xi32, #tpu.memory_space<hbm>> -> memref<125x80xi32, #tpu.memory_space<hbm>>
      %dma_wait3A_103 = arith.constant 0 : i32
      %dma_wait3A_104 = arith.constant 0 : i32
      %dma_wait3A_105 = tpu.memref_slice %arg4[%add3A, %dma_wait3A_103, %dma_wait3A_104] : memref<32x125x80xi32, #tpu.memory_space<hbm>> -> memref<1x125x80xi32, #tpu.memory_space<hbm>>
      %dma_wait3A_106 = tpu.memref_squeeze %dma_wait3A_105 : memref<1x125x80xi32, #tpu.memory_space<hbm>> -> memref<125x80xi32, #tpu.memory_space<hbm>>
      tpu.wait_dma2 semaphore(%run_scoped3A : memref<!tpu.dma_semaphore, #tpu.memory_space<semaphore_mem>>) src(%dma_wait3A_106 : memref<125x80xi32, #tpu.memory_space<hbm>>) dst(%arg8 : memref<125x80xi32, #tpu.memory_space<vmem>>)
      tpu.yield
    }) : () -> ()
    "tpu.region"() ({
      %run_scoped3A = tpu.sem_alloc : memref<!tpu.dma_semaphore, #tpu.memory_space<semaphore_mem>>
      %dma_start3A_91 = arith.constant 0 : i32
      %dma_start3A_92 = tpu.memref_slice %arg10[%mul3A_2, %dma_start3A_91] : memref<10240x16xf32, #tpu.memory_space<vmem_shared>> -> memref<640x16xf32, #tpu.memory_space<vmem_shared>>
      %dma_start3A_93 = arith.constant 0 : i32
      %dma_start3A_94 = tpu.memref_slice %arg2[%mul3A_2, %dma_start3A_93] : memref<10240x16xf32, #tpu.memory_space<hbm>> -> memref<640x16xf32, #tpu.memory_space<hbm>>
      tpu.enqueue_dma source(%dma_start3A_94 : memref<640x16xf32, #tpu.memory_space<hbm>>) target(%dma_start3A_92 : memref<640x16xf32, #tpu.memory_space<vmem_shared>>) target_semaphore(%run_scoped3A : memref<!tpu.dma_semaphore, #tpu.memory_space<semaphore_mem>>)
      %dma_wait3A_95 = arith.constant 0 : i32
      %dma_wait3A_96 = tpu.memref_slice %arg10[%mul3A_2, %dma_wait3A_95] : memref<10240x16xf32, #tpu.memory_space<vmem_shared>> -> memref<640x16xf32, #tpu.memory_space<vmem_shared>>
      %dma_wait3A_97 = arith.constant 0 : i32
      %dma_wait3A_98 = tpu.memref_slice %arg2[%mul3A_2, %dma_wait3A_97] : memref<10240x16xf32, #tpu.memory_space<hbm>> -> memref<640x16xf32, #tpu.memory_space<hbm>>
      tpu.wait_dma2 semaphore(%run_scoped3A : memref<!tpu.dma_semaphore, #tpu.memory_space<semaphore_mem>>) src(%dma_wait3A_98 : memref<640x16xf32, #tpu.memory_space<hbm>>) dst(%dma_wait3A_96 : memref<640x16xf32, #tpu.memory_space<vmem_shared>>)
      tpu.yield
    }) : () -> ()
    "tpu.region"() ({
      %run_scoped3A = tpu.sem_alloc : memref<!tpu.dma_semaphore, #tpu.memory_space<semaphore_mem>>
      %dma_start3A_91 = arith.constant 0 : i32
      %dma_start3A_92 = tpu.memref_slice %arg11[%mul3A_2, %dma_start3A_91] : memref<10240x16xf32, #tpu.memory_space<vmem_shared>> -> memref<640x16xf32, #tpu.memory_space<vmem_shared>>
      tpu.enqueue_dma source(%arg5 : memref<640x16xf32, #tpu.memory_space<hbm>>) target(%dma_start3A_92 : memref<640x16xf32, #tpu.memory_space<vmem_shared>>) target_semaphore(%run_scoped3A : memref<!tpu.dma_semaphore, #tpu.memory_space<semaphore_mem>>)
      %dma_wait3A_93 = arith.constant 0 : i32
      %dma_wait3A_94 = tpu.memref_slice %arg11[%mul3A_2, %dma_wait3A_93] : memref<10240x16xf32, #tpu.memory_space<vmem_shared>> -> memref<640x16xf32, #tpu.memory_space<vmem_shared>>
      tpu.wait_dma2 semaphore(%run_scoped3A : memref<!tpu.dma_semaphore, #tpu.memory_space<semaphore_mem>>) src(%arg5 : memref<640x16xf32, #tpu.memory_space<hbm>>) dst(%dma_wait3A_94 : memref<640x16xf32, #tpu.memory_space<vmem_shared>>)
      tpu.yield
    }) : () -> ()
    %barrier3A = arith.constant 0 : index
    tpu.barrier barrier_id(%barrier3A)
    %dma_start3A = arith.constant 0 : i32
    %dma_start3A_3 = arith.constant 0 : i32
    %dma_start3A_4 = arith.constant 0 : i32
    %dma_start3A_5 = arith.constant 0 : i32
    %dma_start3A_6 = tpu.memref_slice %arg9[%dma_start3A_3, %dma_start3A_4, %dma_start3A_5] : memref<4x80x16xf32, #tpu.memory_space<vmem>> -> memref<1x80x16xf32, #tpu.memory_space<vmem>>
    %dma_start3A_7 = tpu.memref_squeeze %dma_start3A_6 : memref<1x80x16xf32, #tpu.memory_space<vmem>> -> memref<80x16xf32, #tpu.memory_space<vmem>>
    %dma_start3A_8 = arith.constant 0 : i32
    %dma_start3A_9 = tpu.memref_slice %arg7[%dma_start3A, %dma_start3A_8] : memref<125x80xi32, #tpu.memory_space<vmem>> -> memref<1x80xi32, #tpu.memory_space<vmem>>
    %dma_start3A_10 = tpu.memref_squeeze %dma_start3A_9 : memref<1x80xi32, #tpu.memory_space<vmem>> -> memref<80xi32, #tpu.memory_space<vmem>>
    %dma_start3A_11 = arith.constant 0 : i32
    %dma_start3A_12 = arith.constant 0 : i32
    %dma_start3A_13 = tpu.memref_slice %arg10[%dma_start3A_11, %dma_start3A_12] : memref<10240x16xf32, #tpu.memory_space<vmem_shared>> -> memref<10240x16xf32, #tpu.memory_space<vmem_shared>>
    tpu.enqueue_indirect_dma source(%dma_start3A_13 : memref<10240x16xf32, #tpu.memory_space<vmem_shared>>) target(%dma_start3A_7 : memref<80x16xf32, #tpu.memory_space<vmem>>) offsets(%dma_start3A_10 : memref<80xi32, #tpu.memory_space<vmem>>) semaphore(%arg12 : memref<!tpu.dma_semaphore, #tpu.memory_space<semaphore_mem>>)
    %dma_start3A_14 = arith.constant 1 : i32
    %dma_start3A_15 = arith.constant 1 : i32
    %dma_start3A_16 = arith.constant 0 : i32
    %dma_start3A_17 = arith.constant 0 : i32
    %dma_start3A_18 = tpu.memref_slice %arg9[%dma_start3A_15, %dma_start3A_16, %dma_start3A_17] : memref<4x80x16xf32, #tpu.memory_space<vmem>> -> memref<1x80x16xf32, #tpu.memory_space<vmem>>
    %dma_start3A_19 = tpu.memref_squeeze %dma_start3A_18 : memref<1x80x16xf32, #tpu.memory_space<vmem>> -> memref<80x16xf32, #tpu.memory_space<vmem>>
    %dma_start3A_20 = arith.constant 0 : i32
    %dma_start3A_21 = tpu.memref_slice %arg7[%dma_start3A_14, %dma_start3A_20] : memref<125x80xi32, #tpu.memory_space<vmem>> -> memref<1x80xi32, #tpu.memory_space<vmem>>
    %dma_start3A_22 = tpu.memref_squeeze %dma_start3A_21 : memref<1x80xi32, #tpu.memory_space<vmem>> -> memref<80xi32, #tpu.memory_space<vmem>>
    %dma_start3A_23 = arith.constant 0 : i32
    %dma_start3A_24 = arith.constant 0 : i32
    %dma_start3A_25 = tpu.memref_slice %arg10[%dma_start3A_23, %dma_start3A_24] : memref<10240x16xf32, #tpu.memory_space<vmem_shared>> -> memref<10240x16xf32, #tpu.memory_space<vmem_shared>>
    tpu.enqueue_indirect_dma source(%dma_start3A_25 : memref<10240x16xf32, #tpu.memory_space<vmem_shared>>) target(%dma_start3A_19 : memref<80x16xf32, #tpu.memory_space<vmem>>) offsets(%dma_start3A_22 : memref<80xi32, #tpu.memory_space<vmem>>) semaphore(%arg13 : memref<!tpu.dma_semaphore, #tpu.memory_space<semaphore_mem>>)
    %scan3A = arith.constant 0 : i32
    %scan3A_26 = arith.constant 0 : i32
    %scan3A_27 = arith.constant 31 : i32
    %scan3A_28 = arith.addi %scan3A_26, %scan3A_27 : i32
    %scan3A_29 = arith.constant 1 : i32
    scf.for %scan3A_91 = %scan3A_26 to %scan3A_28 step %scan3A_29  : i32 {
      %mul3A_92 = arith.constant 4 : i32
      %mul3A_93 = arith.muli %mul3A_92, %scan3A_91 : i32
      %add3A_94 = arith.constant 0 : i32
      %add3A_95 = arith.addi %mul3A_93, %add3A_94 : i32
      %dma_wait3A_96 = arith.constant 0 : i32
      %dma_wait3A_97 = arith.constant 0 : i32
      %dma_wait3A_98 = arith.constant 0 : i32
      %dma_wait3A_99 = tpu.memref_slice %arg9[%dma_wait3A_96, %dma_wait3A_97, %dma_wait3A_98] : memref<4x80x16xf32, #tpu.memory_space<vmem>> -> memref<1x80x16xf32, #tpu.memory_space<vmem>>
      %dma_wait3A_100 = tpu.memref_squeeze %dma_wait3A_99 : memref<1x80x16xf32, #tpu.memory_space<vmem>> -> memref<80x16xf32, #tpu.memory_space<vmem>>
      %dma_wait3A_101 = arith.constant 0 : i32
      %dma_wait3A_102 = tpu.memref_slice %arg7[%add3A_95, %dma_wait3A_101] : memref<125x80xi32, #tpu.memory_space<vmem>> -> memref<1x80xi32, #tpu.memory_space<vmem>>
      %dma_wait3A_103 = tpu.memref_squeeze %dma_wait3A_102 : memref<1x80xi32, #tpu.memory_space<vmem>> -> memref<80xi32, #tpu.memory_space<vmem>>
      %dma_wait3A_104 = arith.constant 0 : i32
      %dma_wait3A_105 = arith.constant 0 : i32
      %dma_wait3A_106 = tpu.memref_slice %arg10[%dma_wait3A_104, %dma_wait3A_105] : memref<10240x16xf32, #tpu.memory_space<vmem_shared>> -> memref<10240x16xf32, #tpu.memory_space<vmem_shared>>
      tpu.wait_indirect_dma semaphore(%arg12 : memref<!tpu.dma_semaphore, #tpu.memory_space<semaphore_mem>>) src(%dma_wait3A_106 : memref<10240x16xf32, #tpu.memory_space<vmem_shared>>) dst(%dma_wait3A_100 : memref<80x16xf32, #tpu.memory_space<vmem>>)
      %dma_start3A_107 = arith.constant 0 : i32
      %dma_start3A_108 = arith.constant 0 : i32
      %dma_start3A_109 = arith.constant 0 : i32
      %dma_start3A_110 = tpu.memref_slice %arg9[%dma_start3A_107, %dma_start3A_108, %dma_start3A_109] : memref<4x80x16xf32, #tpu.memory_space<vmem>> -> memref<1x80x16xf32, #tpu.memory_space<vmem>>
      %dma_start3A_111 = tpu.memref_squeeze %dma_start3A_110 : memref<1x80x16xf32, #tpu.memory_space<vmem>> -> memref<80x16xf32, #tpu.memory_space<vmem>>
      %dma_start3A_112 = arith.constant 0 : i32
      %dma_start3A_113 = tpu.memref_slice %arg8[%add3A_95, %dma_start3A_112] : memref<125x80xi32, #tpu.memory_space<vmem>> -> memref<1x80xi32, #tpu.memory_space<vmem>>
      %dma_start3A_114 = tpu.memref_squeeze %dma_start3A_113 : memref<1x80xi32, #tpu.memory_space<vmem>> -> memref<80xi32, #tpu.memory_space<vmem>>
      %dma_start3A_115 = arith.constant 0 : i32
      %dma_start3A_116 = arith.constant 0 : i32
      %dma_start3A_117 = tpu.memref_slice %arg11[%dma_start3A_115, %dma_start3A_116] : memref<10240x16xf32, #tpu.memory_space<vmem_shared>> -> memref<10240x16xf32, #tpu.memory_space<vmem_shared>>
      tpu.enqueue_indirect_dma source(%dma_start3A_111 : memref<80x16xf32, #tpu.memory_space<vmem>>) target(%dma_start3A_117 : memref<10240x16xf32, #tpu.memory_space<vmem_shared>>) offsets(%dma_start3A_114 : memref<80xi32, #tpu.memory_space<vmem>>) semaphore(%arg16 : memref<!tpu.dma_semaphore, #tpu.memory_space<semaphore_mem>>) {add = true}
      %ge3A = arith.constant 2 : i32
      %ge3A_118 = arith.cmpi sge, %add3A_95, %ge3A : i32
      %convert_element_type3A = arith.extui %ge3A_118 : i1 to i32
      %cond3A = arith.constant 0 : i32
      %cond3A_119 = arith.cmpi ne, %convert_element_type3A, %cond3A : i32
      scf.if %cond3A_119 {
        %sub3A = arith.constant 2 : i32
        %sub3A_240 = arith.subi %add3A_95, %sub3A : i32
        %dma_wait3A_241 = arith.constant 2 : i32
        %dma_wait3A_242 = arith.constant 0 : i32
        %dma_wait3A_243 = arith.constant 0 : i32
        %dma_wait3A_244 = tpu.memref_slice %arg9[%dma_wait3A_241, %dma_wait3A_242, %dma_wait3A_243] : memref<4x80x16xf32, #tpu.memory_space<vmem>> -> memref<1x80x16xf32, #tpu.memory_space<vmem>>
        %dma_wait3A_245 = tpu.memref_squeeze %dma_wait3A_244 : memref<1x80x16xf32, #tpu.memory_space<vmem>> -> memref<80x16xf32, #tpu.memory_space<vmem>>
        %dma_wait3A_246 = arith.constant 0 : i32
        %dma_wait3A_247 = tpu.memref_slice %arg8[%sub3A_240, %dma_wait3A_246] : memref<125x80xi32, #tpu.memory_space<vmem>> -> memref<1x80xi32, #tpu.memory_space<vmem>>
        %dma_wait3A_248 = tpu.memref_squeeze %dma_wait3A_247 : memref<1x80xi32, #tpu.memory_space<vmem>> -> memref<80xi32, #tpu.memory_space<vmem>>
        %dma_wait3A_249 = arith.constant 0 : i32
        %dma_wait3A_250 = arith.constant 0 : i32
        %dma_wait3A_251 = tpu.memref_slice %arg11[%dma_wait3A_249, %dma_wait3A_250] : memref<10240x16xf32, #tpu.memory_space<vmem_shared>> -> memref<10240x16xf32, #tpu.memory_space<vmem_shared>>
        tpu.wait_indirect_dma semaphore(%arg18 : memref<!tpu.dma_semaphore, #tpu.memory_space<semaphore_mem>>) src(%dma_wait3A_245 : memref<80x16xf32, #tpu.memory_space<vmem>>) dst(%dma_wait3A_251 : memref<10240x16xf32, #tpu.memory_space<vmem_shared>>)
      } else {
      }
      %add3A_120 = arith.constant 2 : i32
      %add3A_121 = arith.addi %add3A_95, %add3A_120 : i32
      %lt3A = arith.constant 125 : i32
      %lt3A_122 = arith.cmpi slt, %add3A_121, %lt3A : i32
      %convert_element_type3A_123 = arith.extui %lt3A_122 : i1 to i32
      %cond3A_124 = arith.constant 0 : i32
      %cond3A_125 = arith.cmpi ne, %convert_element_type3A_123, %cond3A_124 : i32
      scf.if %cond3A_125 {
        %add3A_240 = arith.constant 2 : i32
        %add3A_241 = arith.addi %add3A_95, %add3A_240 : i32
        %dma_start3A_242 = arith.constant 2 : i32
        %dma_start3A_243 = arith.constant 0 : i32
        %dma_start3A_244 = arith.constant 0 : i32
        %dma_start3A_245 = tpu.memref_slice %arg9[%dma_start3A_242, %dma_start3A_243, %dma_start3A_244] : memref<4x80x16xf32, #tpu.memory_space<vmem>> -> memref<1x80x16xf32, #tpu.memory_space<vmem>>
        %dma_start3A_246 = tpu.memref_squeeze %dma_start3A_245 : memref<1x80x16xf32, #tpu.memory_space<vmem>> -> memref<80x16xf32, #tpu.memory_space<vmem>>
        %dma_start3A_247 = arith.constant 0 : i32
        %dma_start3A_248 = tpu.memref_slice %arg7[%add3A_241, %dma_start3A_247] : memref<125x80xi32, #tpu.memory_space<vmem>> -> memref<1x80xi32, #tpu.memory_space<vmem>>
        %dma_start3A_249 = tpu.memref_squeeze %dma_start3A_248 : memref<1x80xi32, #tpu.memory_space<vmem>> -> memref<80xi32, #tpu.memory_space<vmem>>
        %dma_start3A_250 = arith.constant 0 : i32
        %dma_start3A_251 = arith.constant 0 : i32
        %dma_start3A_252 = tpu.memref_slice %arg10[%dma_start3A_250, %dma_start3A_251] : memref<10240x16xf32, #tpu.memory_space<vmem_shared>> -> memref<10240x16xf32, #tpu.memory_space<vmem_shared>>
        tpu.enqueue_indirect_dma source(%dma_start3A_252 : memref<10240x16xf32, #tpu.memory_space<vmem_shared>>) target(%dma_start3A_246 : memref<80x16xf32, #tpu.memory_space<vmem>>) offsets(%dma_start3A_249 : memref<80xi32, #tpu.memory_space<vmem>>) semaphore(%arg14 : memref<!tpu.dma_semaphore, #tpu.memory_space<semaphore_mem>>)
      } else {
      }
      %mul3A_126 = arith.constant 4 : i32
      %mul3A_127 = arith.muli %mul3A_126, %scan3A_91 : i32
      %add3A_128 = arith.constant 1 : i32
      %add3A_129 = arith.addi %mul3A_127, %add3A_128 : i32
      %dma_wait3A_130 = arith.constant 1 : i32
      %dma_wait3A_131 = arith.constant 0 : i32
      %dma_wait3A_132 = arith.constant 0 : i32
      %dma_wait3A_133 = tpu.memref_slice %arg9[%dma_wait3A_130, %dma_wait3A_131, %dma_wait3A_132] : memref<4x80x16xf32, #tpu.memory_space<vmem>> -> memref<1x80x16xf32, #tpu.memory_space<vmem>>
      %dma_wait3A_134 = tpu.memref_squeeze %dma_wait3A_133 : memref<1x80x16xf32, #tpu.memory_space<vmem>> -> memref<80x16xf32, #tpu.memory_space<vmem>>
      %dma_wait3A_135 = arith.constant 0 : i32
      %dma_wait3A_136 = tpu.memref_slice %arg7[%add3A_129, %dma_wait3A_135] : memref<125x80xi32, #tpu.memory_space<vmem>> -> memref<1x80xi32, #tpu.memory_space<vmem>>
      %dma_wait3A_137 = tpu.memref_squeeze %dma_wait3A_136 : memref<1x80xi32, #tpu.memory_space<vmem>> -> memref<80xi32, #tpu.memory_space<vmem>>
      %dma_wait3A_138 = arith.constant 0 : i32
      %dma_wait3A_139 = arith.constant 0 : i32
      %dma_wait3A_140 = tpu.memref_slice %arg10[%dma_wait3A_138, %dma_wait3A_139] : memref<10240x16xf32, #tpu.memory_space<vmem_shared>> -> memref<10240x16xf32, #tpu.memory_space<vmem_shared>>
      tpu.wait_indirect_dma semaphore(%arg13 : memref<!tpu.dma_semaphore, #tpu.memory_space<semaphore_mem>>) src(%dma_wait3A_140 : memref<10240x16xf32, #tpu.memory_space<vmem_shared>>) dst(%dma_wait3A_134 : memref<80x16xf32, #tpu.memory_space<vmem>>)
      %dma_start3A_141 = arith.constant 1 : i32
      %dma_start3A_142 = arith.constant 0 : i32
      %dma_start3A_143 = arith.constant 0 : i32
      %dma_start3A_144 = tpu.memref_slice %arg9[%dma_start3A_141, %dma_start3A_142, %dma_start3A_143] : memref<4x80x16xf32, #tpu.memory_space<vmem>> -> memref<1x80x16xf32, #tpu.memory_space<vmem>>
      %dma_start3A_145 = tpu.memref_squeeze %dma_start3A_144 : memref<1x80x16xf32, #tpu.memory_space<vmem>> -> memref<80x16xf32, #tpu.memory_space<vmem>>
      %dma_start3A_146 = arith.constant 0 : i32
      %dma_start3A_147 = tpu.memref_slice %arg8[%add3A_129, %dma_start3A_146] : memref<125x80xi32, #tpu.memory_space<vmem>> -> memref<1x80xi32, #tpu.memory_space<vmem>>
      %dma_start3A_148 = tpu.memref_squeeze %dma_start3A_147 : memref<1x80xi32, #tpu.memory_space<vmem>> -> memref<80xi32, #tpu.memory_space<vmem>>
      %dma_start3A_149 = arith.constant 0 : i32
      %dma_start3A_150 = arith.constant 0 : i32
      %dma_start3A_151 = tpu.memref_slice %arg11[%dma_start3A_149, %dma_start3A_150] : memref<10240x16xf32, #tpu.memory_space<vmem_shared>> -> memref<10240x16xf32, #tpu.memory_space<vmem_shared>>
      tpu.enqueue_indirect_dma source(%dma_start3A_145 : memref<80x16xf32, #tpu.memory_space<vmem>>) target(%dma_start3A_151 : memref<10240x16xf32, #tpu.memory_space<vmem_shared>>) offsets(%dma_start3A_148 : memref<80xi32, #tpu.memory_space<vmem>>) semaphore(%arg17 : memref<!tpu.dma_semaphore, #tpu.memory_space<semaphore_mem>>) {add = true}
      %ge3A_152 = arith.constant 2 : i32
      %ge3A_153 = arith.cmpi sge, %add3A_129, %ge3A_152 : i32
      %convert_element_type3A_154 = arith.extui %ge3A_153 : i1 to i32
      %cond3A_155 = arith.constant 0 : i32
      %cond3A_156 = arith.cmpi ne, %convert_element_type3A_154, %cond3A_155 : i32
      scf.if %cond3A_156 {
        %sub3A = arith.constant 2 : i32
        %sub3A_240 = arith.subi %add3A_129, %sub3A : i32
        %dma_wait3A_241 = arith.constant 3 : i32
        %dma_wait3A_242 = arith.constant 0 : i32
        %dma_wait3A_243 = arith.constant 0 : i32
        %dma_wait3A_244 = tpu.memref_slice %arg9[%dma_wait3A_241, %dma_wait3A_242, %dma_wait3A_243] : memref<4x80x16xf32, #tpu.memory_space<vmem>> -> memref<1x80x16xf32, #tpu.memory_space<vmem>>
        %dma_wait3A_245 = tpu.memref_squeeze %dma_wait3A_244 : memref<1x80x16xf32, #tpu.memory_space<vmem>> -> memref<80x16xf32, #tpu.memory_space<vmem>>
        %dma_wait3A_246 = arith.constant 0 : i32
        %dma_wait3A_247 = tpu.memref_slice %arg8[%sub3A_240, %dma_wait3A_246] : memref<125x80xi32, #tpu.memory_space<vmem>> -> memref<1x80xi32, #tpu.memory_space<vmem>>
        %dma_wait3A_248 = tpu.memref_squeeze %dma_wait3A_247 : memref<1x80xi32, #tpu.memory_space<vmem>> -> memref<80xi32, #tpu.memory_space<vmem>>
        %dma_wait3A_249 = arith.constant 0 : i32
        %dma_wait3A_250 = arith.constant 0 : i32
        %dma_wait3A_251 = tpu.memref_slice %arg11[%dma_wait3A_249, %dma_wait3A_250] : memref<10240x16xf32, #tpu.memory_space<vmem_shared>> -> memref<10240x16xf32, #tpu.memory_space<vmem_shared>>
        tpu.wait_indirect_dma semaphore(%arg19 : memref<!tpu.dma_semaphore, #tpu.memory_space<semaphore_mem>>) src(%dma_wait3A_245 : memref<80x16xf32, #tpu.memory_space<vmem>>) dst(%dma_wait3A_251 : memref<10240x16xf32, #tpu.memory_space<vmem_shared>>)
      } else {
      }
      %add3A_157 = arith.constant 2 : i32
      %add3A_158 = arith.addi %add3A_129, %add3A_157 : i32
      %lt3A_159 = arith.constant 125 : i32
      %lt3A_160 = arith.cmpi slt, %add3A_158, %lt3A_159 : i32
      %convert_element_type3A_161 = arith.extui %lt3A_160 : i1 to i32
      %cond3A_162 = arith.constant 0 : i32
      %cond3A_163 = arith.cmpi ne, %convert_element_type3A_161, %cond3A_162 : i32
      scf.if %cond3A_163 {
        %add3A_240 = arith.constant 2 : i32
        %add3A_241 = arith.addi %add3A_129, %add3A_240 : i32
        %dma_start3A_242 = arith.constant 3 : i32
        %dma_start3A_243 = arith.constant 0 : i32
        %dma_start3A_244 = arith.constant 0 : i32
        %dma_start3A_245 = tpu.memref_slice %arg9[%dma_start3A_242, %dma_start3A_243, %dma_start3A_244] : memref<4x80x16xf32, #tpu.memory_space<vmem>> -> memref<1x80x16xf32, #tpu.memory_space<vmem>>
        %dma_start3A_246 = tpu.memref_squeeze %dma_start3A_245 : memref<1x80x16xf32, #tpu.memory_space<vmem>> -> memref<80x16xf32, #tpu.memory_space<vmem>>
        %dma_start3A_247 = arith.constant 0 : i32
        %dma_start3A_248 = tpu.memref_slice %arg7[%add3A_241, %dma_start3A_247] : memref<125x80xi32, #tpu.memory_space<vmem>> -> memref<1x80xi32, #tpu.memory_space<vmem>>
        %dma_start3A_249 = tpu.memref_squeeze %dma_start3A_248 : memref<1x80xi32, #tpu.memory_space<vmem>> -> memref<80xi32, #tpu.memory_space<vmem>>
        %dma_start3A_250 = arith.constant 0 : i32
        %dma_start3A_251 = arith.constant 0 : i32
        %dma_start3A_252 = tpu.memref_slice %arg10[%dma_start3A_250, %dma_start3A_251] : memref<10240x16xf32, #tpu.memory_space<vmem_shared>> -> memref<10240x16xf32, #tpu.memory_space<vmem_shared>>
        tpu.enqueue_indirect_dma source(%dma_start3A_252 : memref<10240x16xf32, #tpu.memory_space<vmem_shared>>) target(%dma_start3A_246 : memref<80x16xf32, #tpu.memory_space<vmem>>) offsets(%dma_start3A_249 : memref<80xi32, #tpu.memory_space<vmem>>) semaphore(%arg15 : memref<!tpu.dma_semaphore, #tpu.memory_space<semaphore_mem>>)
      } else {
      }
      %mul3A_164 = arith.constant 4 : i32
      %mul3A_165 = arith.muli %mul3A_164, %scan3A_91 : i32
      %add3A_166 = arith.constant 2 : i32
      %add3A_167 = arith.addi %mul3A_165, %add3A_166 : i32
      %dma_wait3A_168 = arith.constant 2 : i32
      %dma_wait3A_169 = arith.constant 0 : i32
      %dma_wait3A_170 = arith.constant 0 : i32
      %dma_wait3A_171 = tpu.memref_slice %arg9[%dma_wait3A_168, %dma_wait3A_169, %dma_wait3A_170] : memref<4x80x16xf32, #tpu.memory_space<vmem>> -> memref<1x80x16xf32, #tpu.memory_space<vmem>>
      %dma_wait3A_172 = tpu.memref_squeeze %dma_wait3A_171 : memref<1x80x16xf32, #tpu.memory_space<vmem>> -> memref<80x16xf32, #tpu.memory_space<vmem>>
      %dma_wait3A_173 = arith.constant 0 : i32
      %dma_wait3A_174 = tpu.memref_slice %arg7[%add3A_167, %dma_wait3A_173] : memref<125x80xi32, #tpu.memory_space<vmem>> -> memref<1x80xi32, #tpu.memory_space<vmem>>
      %dma_wait3A_175 = tpu.memref_squeeze %dma_wait3A_174 : memref<1x80xi32, #tpu.memory_space<vmem>> -> memref<80xi32, #tpu.memory_space<vmem>>
      %dma_wait3A_176 = arith.constant 0 : i32
      %dma_wait3A_177 = arith.constant 0 : i32
      %dma_wait3A_178 = tpu.memref_slice %arg10[%dma_wait3A_176, %dma_wait3A_177] : memref<10240x16xf32, #tpu.memory_space<vmem_shared>> -> memref<10240x16xf32, #tpu.memory_space<vmem_shared>>
      tpu.wait_indirect_dma semaphore(%arg14 : memref<!tpu.dma_semaphore, #tpu.memory_space<semaphore_mem>>) src(%dma_wait3A_178 : memref<10240x16xf32, #tpu.memory_space<vmem_shared>>) dst(%dma_wait3A_172 : memref<80x16xf32, #tpu.memory_space<vmem>>)
      %dma_start3A_179 = arith.constant 2 : i32
      %dma_start3A_180 = arith.constant 0 : i32
      %dma_start3A_181 = arith.constant 0 : i32
      %dma_start3A_182 = tpu.memref_slice %arg9[%dma_start3A_179, %dma_start3A_180, %dma_start3A_181] : memref<4x80x16xf32, #tpu.memory_space<vmem>> -> memref<1x80x16xf32, #tpu.memory_space<vmem>>
      %dma_start3A_183 = tpu.memref_squeeze %dma_start3A_182 : memref<1x80x16xf32, #tpu.memory_space<vmem>> -> memref<80x16xf32, #tpu.memory_space<vmem>>
      %dma_start3A_184 = arith.constant 0 : i32
      %dma_start3A_185 = tpu.memref_slice %arg8[%add3A_167, %dma_start3A_184] : memref<125x80xi32, #tpu.memory_space<vmem>> -> memref<1x80xi32, #tpu.memory_space<vmem>>
      %dma_start3A_186 = tpu.memref_squeeze %dma_start3A_185 : memref<1x80xi32, #tpu.memory_space<vmem>> -> memref<80xi32, #tpu.memory_space<vmem>>
      %dma_start3A_187 = arith.constant 0 : i32
      %dma_start3A_188 = arith.constant 0 : i32
      %dma_start3A_189 = tpu.memref_slice %arg11[%dma_start3A_187, %dma_start3A_188] : memref<10240x16xf32, #tpu.memory_space<vmem_shared>> -> memref<10240x16xf32, #tpu.memory_space<vmem_shared>>
      tpu.enqueue_indirect_dma source(%dma_start3A_183 : memref<80x16xf32, #tpu.memory_space<vmem>>) target(%dma_start3A_189 : memref<10240x16xf32, #tpu.memory_space<vmem_shared>>) offsets(%dma_start3A_186 : memref<80xi32, #tpu.memory_space<vmem>>) semaphore(%arg18 : memref<!tpu.dma_semaphore, #tpu.memory_space<semaphore_mem>>) {add = true}
      %ge3A_190 = arith.constant 2 : i32
      %ge3A_191 = arith.cmpi sge, %add3A_167, %ge3A_190 : i32
      %convert_element_type3A_192 = arith.extui %ge3A_191 : i1 to i32
      %cond3A_193 = arith.constant 0 : i32
      %cond3A_194 = arith.cmpi ne, %convert_element_type3A_192, %cond3A_193 : i32
      scf.if %cond3A_194 {
        %sub3A = arith.constant 2 : i32
        %sub3A_240 = arith.subi %add3A_167, %sub3A : i32
        %dma_wait3A_241 = arith.constant 0 : i32
        %dma_wait3A_242 = arith.constant 0 : i32
        %dma_wait3A_243 = arith.constant 0 : i32
        %dma_wait3A_244 = tpu.memref_slice %arg9[%dma_wait3A_241, %dma_wait3A_242, %dma_wait3A_243] : memref<4x80x16xf32, #tpu.memory_space<vmem>> -> memref<1x80x16xf32, #tpu.memory_space<vmem>>
        %dma_wait3A_245 = tpu.memref_squeeze %dma_wait3A_244 : memref<1x80x16xf32, #tpu.memory_space<vmem>> -> memref<80x16xf32, #tpu.memory_space<vmem>>
        %dma_wait3A_246 = arith.constant 0 : i32
        %dma_wait3A_247 = tpu.memref_slice %arg8[%sub3A_240, %dma_wait3A_246] : memref<125x80xi32, #tpu.memory_space<vmem>> -> memref<1x80xi32, #tpu.memory_space<vmem>>
        %dma_wait3A_248 = tpu.memref_squeeze %dma_wait3A_247 : memref<1x80xi32, #tpu.memory_space<vmem>> -> memref<80xi32, #tpu.memory_space<vmem>>
        %dma_wait3A_249 = arith.constant 0 : i32
        %dma_wait3A_250 = arith.constant 0 : i32
        %dma_wait3A_251 = tpu.memref_slice %arg11[%dma_wait3A_249, %dma_wait3A_250] : memref<10240x16xf32, #tpu.memory_space<vmem_shared>> -> memref<10240x16xf32, #tpu.memory_space<vmem_shared>>
        tpu.wait_indirect_dma semaphore(%arg16 : memref<!tpu.dma_semaphore, #tpu.memory_space<semaphore_mem>>) src(%dma_wait3A_245 : memref<80x16xf32, #tpu.memory_space<vmem>>) dst(%dma_wait3A_251 : memref<10240x16xf32, #tpu.memory_space<vmem_shared>>)
      } else {
      }
      %add3A_195 = arith.constant 2 : i32
      %add3A_196 = arith.addi %add3A_167, %add3A_195 : i32
      %lt3A_197 = arith.constant 125 : i32
      %lt3A_198 = arith.cmpi slt, %add3A_196, %lt3A_197 : i32
      %convert_element_type3A_199 = arith.extui %lt3A_198 : i1 to i32
      %cond3A_200 = arith.constant 0 : i32
      %cond3A_201 = arith.cmpi ne, %convert_element_type3A_199, %cond3A_200 : i32
      scf.if %cond3A_201 {
        %add3A_240 = arith.constant 2 : i32
        %add3A_241 = arith.addi %add3A_167, %add3A_240 : i32
        %dma_start3A_242 = arith.constant 0 : i32
        %dma_start3A_243 = arith.constant 0 : i32
        %dma_start3A_244 = arith.constant 0 : i32
        %dma_start3A_245 = tpu.memref_slice %arg9[%dma_start3A_242, %dma_start3A_243, %dma_start3A_244] : memref<4x80x16xf32, #tpu.memory_space<vmem>> -> memref<1x80x16xf32, #tpu.memory_space<vmem>>
        %dma_start3A_246 = tpu.memref_squeeze %dma_start3A_245 : memref<1x80x16xf32, #tpu.memory_space<vmem>> -> memref<80x16xf32, #tpu.memory_space<vmem>>
        %dma_start3A_247 = arith.constant 0 : i32
        %dma_start3A_248 = tpu.memref_slice %arg7[%add3A_241, %dma_start3A_247] : memref<125x80xi32, #tpu.memory_space<vmem>> -> memref<1x80xi32, #tpu.memory_space<vmem>>
        %dma_start3A_249 = tpu.memref_squeeze %dma_start3A_248 : memref<1x80xi32, #tpu.memory_space<vmem>> -> memref<80xi32, #tpu.memory_space<vmem>>
        %dma_start3A_250 = arith.constant 0 : i32
        %dma_start3A_251 = arith.constant 0 : i32
        %dma_start3A_252 = tpu.memref_slice %arg10[%dma_start3A_250, %dma_start3A_251] : memref<10240x16xf32, #tpu.memory_space<vmem_shared>> -> memref<10240x16xf32, #tpu.memory_space<vmem_shared>>
        tpu.enqueue_indirect_dma source(%dma_start3A_252 : memref<10240x16xf32, #tpu.memory_space<vmem_shared>>) target(%dma_start3A_246 : memref<80x16xf32, #tpu.memory_space<vmem>>) offsets(%dma_start3A_249 : memref<80xi32, #tpu.memory_space<vmem>>) semaphore(%arg12 : memref<!tpu.dma_semaphore, #tpu.memory_space<semaphore_mem>>)
      } else {
      }
      %mul3A_202 = arith.constant 4 : i32
      %mul3A_203 = arith.muli %mul3A_202, %scan3A_91 : i32
      %add3A_204 = arith.constant 3 : i32
      %add3A_205 = arith.addi %mul3A_203, %add3A_204 : i32
      %dma_wait3A_206 = arith.constant 3 : i32
      %dma_wait3A_207 = arith.constant 0 : i32
      %dma_wait3A_208 = arith.constant 0 : i32
      %dma_wait3A_209 = tpu.memref_slice %arg9[%dma_wait3A_206, %dma_wait3A_207, %dma_wait3A_208] : memref<4x80x16xf32, #tpu.memory_space<vmem>> -> memref<1x80x16xf32, #tpu.memory_space<vmem>>
      %dma_wait3A_210 = tpu.memref_squeeze %dma_wait3A_209 : memref<1x80x16xf32, #tpu.memory_space<vmem>> -> memref<80x16xf32, #tpu.memory_space<vmem>>
      %dma_wait3A_211 = arith.constant 0 : i32
      %dma_wait3A_212 = tpu.memref_slice %arg7[%add3A_205, %dma_wait3A_211] : memref<125x80xi32, #tpu.memory_space<vmem>> -> memref<1x80xi32, #tpu.memory_space<vmem>>
      %dma_wait3A_213 = tpu.memref_squeeze %dma_wait3A_212 : memref<1x80xi32, #tpu.memory_space<vmem>> -> memref<80xi32, #tpu.memory_space<vmem>>
      %dma_wait3A_214 = arith.constant 0 : i32
      %dma_wait3A_215 = arith.constant 0 : i32
      %dma_wait3A_216 = tpu.memref_slice %arg10[%dma_wait3A_214, %dma_wait3A_215] : memref<10240x16xf32, #tpu.memory_space<vmem_shared>> -> memref<10240x16xf32, #tpu.memory_space<vmem_shared>>
      tpu.wait_indirect_dma semaphore(%arg15 : memref<!tpu.dma_semaphore, #tpu.memory_space<semaphore_mem>>) src(%dma_wait3A_216 : memref<10240x16xf32, #tpu.memory_space<vmem_shared>>) dst(%dma_wait3A_210 : memref<80x16xf32, #tpu.memory_space<vmem>>)
      %dma_start3A_217 = arith.constant 3 : i32
      %dma_start3A_218 = arith.constant 0 : i32
      %dma_start3A_219 = arith.constant 0 : i32
      %dma_start3A_220 = tpu.memref_slice %arg9[%dma_start3A_217, %dma_start3A_218, %dma_start3A_219] : memref<4x80x16xf32, #tpu.memory_space<vmem>> -> memref<1x80x16xf32, #tpu.memory_space<vmem>>
      %dma_start3A_221 = tpu.memref_squeeze %dma_start3A_220 : memref<1x80x16xf32, #tpu.memory_space<vmem>> -> memref<80x16xf32, #tpu.memory_space<vmem>>
      %dma_start3A_222 = arith.constant 0 : i32
      %dma_start3A_223 = tpu.memref_slice %arg8[%add3A_205, %dma_start3A_222] : memref<125x80xi32, #tpu.memory_space<vmem>> -> memref<1x80xi32, #tpu.memory_space<vmem>>
      %dma_start3A_224 = tpu.memref_squeeze %dma_start3A_223 : memref<1x80xi32, #tpu.memory_space<vmem>> -> memref<80xi32, #tpu.memory_space<vmem>>
      %dma_start3A_225 = arith.constant 0 : i32
      %dma_start3A_226 = arith.constant 0 : i32
      %dma_start3A_227 = tpu.memref_slice %arg11[%dma_start3A_225, %dma_start3A_226] : memref<10240x16xf32, #tpu.memory_space<vmem_shared>> -> memref<10240x16xf32, #tpu.memory_space<vmem_shared>>
      tpu.enqueue_indirect_dma source(%dma_start3A_221 : memref<80x16xf32, #tpu.memory_space<vmem>>) target(%dma_start3A_227 : memref<10240x16xf32, #tpu.memory_space<vmem_shared>>) offsets(%dma_start3A_224 : memref<80xi32, #tpu.memory_space<vmem>>) semaphore(%arg19 : memref<!tpu.dma_semaphore, #tpu.memory_space<semaphore_mem>>) {add = true}
      %ge3A_228 = arith.constant 2 : i32
      %ge3A_229 = arith.cmpi sge, %add3A_205, %ge3A_228 : i32
      %convert_element_type3A_230 = arith.extui %ge3A_229 : i1 to i32
      %cond3A_231 = arith.constant 0 : i32
      %cond3A_232 = arith.cmpi ne, %convert_element_type3A_230, %cond3A_231 : i32
      scf.if %cond3A_232 {
        %sub3A = arith.constant 2 : i32
        %sub3A_240 = arith.subi %add3A_205, %sub3A : i32
        %dma_wait3A_241 = arith.constant 1 : i32
        %dma_wait3A_242 = arith.constant 0 : i32
        %dma_wait3A_243 = arith.constant 0 : i32
        %dma_wait3A_244 = tpu.memref_slice %arg9[%dma_wait3A_241, %dma_wait3A_242, %dma_wait3A_243] : memref<4x80x16xf32, #tpu.memory_space<vmem>> -> memref<1x80x16xf32, #tpu.memory_space<vmem>>
        %dma_wait3A_245 = tpu.memref_squeeze %dma_wait3A_244 : memref<1x80x16xf32, #tpu.memory_space<vmem>> -> memref<80x16xf32, #tpu.memory_space<vmem>>
        %dma_wait3A_246 = arith.constant 0 : i32
        %dma_wait3A_247 = tpu.memref_slice %arg8[%sub3A_240, %dma_wait3A_246] : memref<125x80xi32, #tpu.memory_space<vmem>> -> memref<1x80xi32, #tpu.memory_space<vmem>>
        %dma_wait3A_248 = tpu.memref_squeeze %dma_wait3A_247 : memref<1x80xi32, #tpu.memory_space<vmem>> -> memref<80xi32, #tpu.memory_space<vmem>>
        %dma_wait3A_249 = arith.constant 0 : i32
        %dma_wait3A_250 = arith.constant 0 : i32
        %dma_wait3A_251 = tpu.memref_slice %arg11[%dma_wait3A_249, %dma_wait3A_250] : memref<10240x16xf32, #tpu.memory_space<vmem_shared>> -> memref<10240x16xf32, #tpu.memory_space<vmem_shared>>
        tpu.wait_indirect_dma semaphore(%arg17 : memref<!tpu.dma_semaphore, #tpu.memory_space<semaphore_mem>>) src(%dma_wait3A_245 : memref<80x16xf32, #tpu.memory_space<vmem>>) dst(%dma_wait3A_251 : memref<10240x16xf32, #tpu.memory_space<vmem_shared>>)
      } else {
      }
      %add3A_233 = arith.constant 2 : i32
      %add3A_234 = arith.addi %add3A_205, %add3A_233 : i32
      %lt3A_235 = arith.constant 125 : i32
      %lt3A_236 = arith.cmpi slt, %add3A_234, %lt3A_235 : i32
      %convert_element_type3A_237 = arith.extui %lt3A_236 : i1 to i32
      %cond3A_238 = arith.constant 0 : i32
      %cond3A_239 = arith.cmpi ne, %convert_element_type3A_237, %cond3A_238 : i32
      scf.if %cond3A_239 {
        %add3A_240 = arith.constant 2 : i32
        %add3A_241 = arith.addi %add3A_205, %add3A_240 : i32
        %dma_start3A_242 = arith.constant 1 : i32
        %dma_start3A_243 = arith.constant 0 : i32
        %dma_start3A_244 = arith.constant 0 : i32
        %dma_start3A_245 = tpu.memref_slice %arg9[%dma_start3A_242, %dma_start3A_243, %dma_start3A_244] : memref<4x80x16xf32, #tpu.memory_space<vmem>> -> memref<1x80x16xf32, #tpu.memory_space<vmem>>
        %dma_start3A_246 = tpu.memref_squeeze %dma_start3A_245 : memref<1x80x16xf32, #tpu.memory_space<vmem>> -> memref<80x16xf32, #tpu.memory_space<vmem>>
        %dma_start3A_247 = arith.constant 0 : i32
        %dma_start3A_248 = tpu.memref_slice %arg7[%add3A_241, %dma_start3A_247] : memref<125x80xi32, #tpu.memory_space<vmem>> -> memref<1x80xi32, #tpu.memory_space<vmem>>
        %dma_start3A_249 = tpu.memref_squeeze %dma_start3A_248 : memref<1x80xi32, #tpu.memory_space<vmem>> -> memref<80xi32, #tpu.memory_space<vmem>>
        %dma_start3A_250 = arith.constant 0 : i32
        %dma_start3A_251 = arith.constant 0 : i32
        %dma_start3A_252 = tpu.memref_slice %arg10[%dma_start3A_250, %dma_start3A_251] : memref<10240x16xf32, #tpu.memory_space<vmem_shared>> -> memref<10240x16xf32, #tpu.memory_space<vmem_shared>>
        tpu.enqueue_indirect_dma source(%dma_start3A_252 : memref<10240x16xf32, #tpu.memory_space<vmem_shared>>) target(%dma_start3A_246 : memref<80x16xf32, #tpu.memory_space<vmem>>) offsets(%dma_start3A_249 : memref<80xi32, #tpu.memory_space<vmem>>) semaphore(%arg13 : memref<!tpu.dma_semaphore, #tpu.memory_space<semaphore_mem>>)
      } else {
      }
    }
    %scan3A_30 = arith.constant 31 : i32
    %dma_wait3A = arith.constant 124 : i32
    %dma_wait3A_31 = arith.constant 0 : i32
    %dma_wait3A_32 = arith.constant 0 : i32
    %dma_wait3A_33 = arith.constant 0 : i32
    %dma_wait3A_34 = tpu.memref_slice %arg9[%dma_wait3A_31, %dma_wait3A_32, %dma_wait3A_33] : memref<4x80x16xf32, #tpu.memory_space<vmem>> -> memref<1x80x16xf32, #tpu.memory_space<vmem>>
    %dma_wait3A_35 = tpu.memref_squeeze %dma_wait3A_34 : memref<1x80x16xf32, #tpu.memory_space<vmem>> -> memref<80x16xf32, #tpu.memory_space<vmem>>
    %dma_wait3A_36 = arith.constant 0 : i32
    %dma_wait3A_37 = tpu.memref_slice %arg7[%dma_wait3A, %dma_wait3A_36] : memref<125x80xi32, #tpu.memory_space<vmem>> -> memref<1x80xi32, #tpu.memory_space<vmem>>
    %dma_wait3A_38 = tpu.memref_squeeze %dma_wait3A_37 : memref<1x80xi32, #tpu.memory_space<vmem>> -> memref<80xi32, #tpu.memory_space<vmem>>
    %dma_wait3A_39 = arith.constant 0 : i32
    %dma_wait3A_40 = arith.constant 0 : i32
    %dma_wait3A_41 = tpu.memref_slice %arg10[%dma_wait3A_39, %dma_wait3A_40] : memref<10240x16xf32, #tpu.memory_space<vmem_shared>> -> memref<10240x16xf32, #tpu.memory_space<vmem_shared>>
    tpu.wait_indirect_dma semaphore(%arg12 : memref<!tpu.dma_semaphore, #tpu.memory_space<semaphore_mem>>) src(%dma_wait3A_41 : memref<10240x16xf32, #tpu.memory_space<vmem_shared>>) dst(%dma_wait3A_35 : memref<80x16xf32, #tpu.memory_space<vmem>>)
    %dma_start3A_42 = arith.constant 0 : i32
    %dma_start3A_43 = arith.constant 124 : i32
    %dma_start3A_44 = arith.constant 0 : i32
    %dma_start3A_45 = arith.constant 0 : i32
    %dma_start3A_46 = tpu.memref_slice %arg9[%dma_start3A_42, %dma_start3A_44, %dma_start3A_45] : memref<4x80x16xf32, #tpu.memory_space<vmem>> -> memref<1x80x16xf32, #tpu.memory_space<vmem>>
    %dma_start3A_47 = tpu.memref_squeeze %dma_start3A_46 : memref<1x80x16xf32, #tpu.memory_space<vmem>> -> memref<80x16xf32, #tpu.memory_space<vmem>>
    %dma_start3A_48 = arith.constant 0 : i32
    %dma_start3A_49 = tpu.memref_slice %arg8[%dma_start3A_43, %dma_start3A_48] : memref<125x80xi32, #tpu.memory_space<vmem>> -> memref<1x80xi32, #tpu.memory_space<vmem>>
    %dma_start3A_50 = tpu.memref_squeeze %dma_start3A_49 : memref<1x80xi32, #tpu.memory_space<vmem>> -> memref<80xi32, #tpu.memory_space<vmem>>
    %dma_start3A_51 = arith.constant 0 : i32
    %dma_start3A_52 = arith.constant 0 : i32
    %dma_start3A_53 = tpu.memref_slice %arg11[%dma_start3A_51, %dma_start3A_52] : memref<10240x16xf32, #tpu.memory_space<vmem_shared>> -> memref<10240x16xf32, #tpu.memory_space<vmem_shared>>
    tpu.enqueue_indirect_dma source(%dma_start3A_47 : memref<80x16xf32, #tpu.memory_space<vmem>>) target(%dma_start3A_53 : memref<10240x16xf32, #tpu.memory_space<vmem_shared>>) offsets(%dma_start3A_50 : memref<80xi32, #tpu.memory_space<vmem>>) semaphore(%arg16 : memref<!tpu.dma_semaphore, #tpu.memory_space<semaphore_mem>>) {add = true}
    %dma_wait3A_54 = arith.constant 2 : i32
    %dma_wait3A_55 = arith.constant 122 : i32
    %dma_wait3A_56 = arith.constant 0 : i32
    %dma_wait3A_57 = arith.constant 0 : i32
    %dma_wait3A_58 = tpu.memref_slice %arg9[%dma_wait3A_54, %dma_wait3A_56, %dma_wait3A_57] : memref<4x80x16xf32, #tpu.memory_space<vmem>> -> memref<1x80x16xf32, #tpu.memory_space<vmem>>
    %dma_wait3A_59 = tpu.memref_squeeze %dma_wait3A_58 : memref<1x80x16xf32, #tpu.memory_space<vmem>> -> memref<80x16xf32, #tpu.memory_space<vmem>>
    %dma_wait3A_60 = arith.constant 0 : i32
    %dma_wait3A_61 = tpu.memref_slice %arg8[%dma_wait3A_55, %dma_wait3A_60] : memref<125x80xi32, #tpu.memory_space<vmem>> -> memref<1x80xi32, #tpu.memory_space<vmem>>
    %dma_wait3A_62 = tpu.memref_squeeze %dma_wait3A_61 : memref<1x80xi32, #tpu.memory_space<vmem>> -> memref<80xi32, #tpu.memory_space<vmem>>
    %dma_wait3A_63 = arith.constant 0 : i32
    %dma_wait3A_64 = arith.constant 0 : i32
    %dma_wait3A_65 = tpu.memref_slice %arg11[%dma_wait3A_63, %dma_wait3A_64] : memref<10240x16xf32, #tpu.memory_space<vmem_shared>> -> memref<10240x16xf32, #tpu.memory_space<vmem_shared>>
    tpu.wait_indirect_dma semaphore(%arg18 : memref<!tpu.dma_semaphore, #tpu.memory_space<semaphore_mem>>) src(%dma_wait3A_59 : memref<80x16xf32, #tpu.memory_space<vmem>>) dst(%dma_wait3A_65 : memref<10240x16xf32, #tpu.memory_space<vmem_shared>>)
    %dma_wait3A_66 = arith.constant 3 : i32
    %dma_wait3A_67 = arith.constant 123 : i32
    %dma_wait3A_68 = arith.constant 0 : i32
    %dma_wait3A_69 = arith.constant 0 : i32
    %dma_wait3A_70 = tpu.memref_slice %arg9[%dma_wait3A_66, %dma_wait3A_68, %dma_wait3A_69] : memref<4x80x16xf32, #tpu.memory_space<vmem>> -> memref<1x80x16xf32, #tpu.memory_space<vmem>>
    %dma_wait3A_71 = tpu.memref_squeeze %dma_wait3A_70 : memref<1x80x16xf32, #tpu.memory_space<vmem>> -> memref<80x16xf32, #tpu.memory_space<vmem>>
    %dma_wait3A_72 = arith.constant 0 : i32
    %dma_wait3A_73 = tpu.memref_slice %arg8[%dma_wait3A_67, %dma_wait3A_72] : memref<125x80xi32, #tpu.memory_space<vmem>> -> memref<1x80xi32, #tpu.memory_space<vmem>>
    %dma_wait3A_74 = tpu.memref_squeeze %dma_wait3A_73 : memref<1x80xi32, #tpu.memory_space<vmem>> -> memref<80xi32, #tpu.memory_space<vmem>>
    %dma_wait3A_75 = arith.constant 0 : i32
    %dma_wait3A_76 = arith.constant 0 : i32
    %dma_wait3A_77 = tpu.memref_slice %arg11[%dma_wait3A_75, %dma_wait3A_76] : memref<10240x16xf32, #tpu.memory_space<vmem_shared>> -> memref<10240x16xf32, #tpu.memory_space<vmem_shared>>
    tpu.wait_indirect_dma semaphore(%arg19 : memref<!tpu.dma_semaphore, #tpu.memory_space<semaphore_mem>>) src(%dma_wait3A_71 : memref<80x16xf32, #tpu.memory_space<vmem>>) dst(%dma_wait3A_77 : memref<10240x16xf32, #tpu.memory_space<vmem_shared>>)
    %dma_wait3A_78 = arith.constant 0 : i32
    %dma_wait3A_79 = arith.constant 124 : i32
    %dma_wait3A_80 = arith.constant 0 : i32
    %dma_wait3A_81 = arith.constant 0 : i32
    %dma_wait3A_82 = tpu.memref_slice %arg9[%dma_wait3A_78, %dma_wait3A_80, %dma_wait3A_81] : memref<4x80x16xf32, #tpu.memory_space<vmem>> -> memref<1x80x16xf32, #tpu.memory_space<vmem>>
    %dma_wait3A_83 = tpu.memref_squeeze %dma_wait3A_82 : memref<1x80x16xf32, #tpu.memory_space<vmem>> -> memref<80x16xf32, #tpu.memory_space<vmem>>
    %dma_wait3A_84 = arith.constant 0 : i32
    %dma_wait3A_85 = tpu.memref_slice %arg8[%dma_wait3A_79, %dma_wait3A_84] : memref<125x80xi32, #tpu.memory_space<vmem>> -> memref<1x80xi32, #tpu.memory_space<vmem>>
    %dma_wait3A_86 = tpu.memref_squeeze %dma_wait3A_85 : memref<1x80xi32, #tpu.memory_space<vmem>> -> memref<80xi32, #tpu.memory_space<vmem>>
    %dma_wait3A_87 = arith.constant 0 : i32
    %dma_wait3A_88 = arith.constant 0 : i32
    %dma_wait3A_89 = tpu.memref_slice %arg11[%dma_wait3A_87, %dma_wait3A_88] : memref<10240x16xf32, #tpu.memory_space<vmem_shared>> -> memref<10240x16xf32, #tpu.memory_space<vmem_shared>>
    tpu.wait_indirect_dma semaphore(%arg16 : memref<!tpu.dma_semaphore, #tpu.memory_space<semaphore_mem>>) src(%dma_wait3A_83 : memref<80x16xf32, #tpu.memory_space<vmem>>) dst(%dma_wait3A_89 : memref<10240x16xf32, #tpu.memory_space<vmem_shared>>)
    %barrier3A_90 = arith.constant 0 : index
    tpu.barrier barrier_id(%barrier3A_90)
    "tpu.region"() ({
      %run_scoped3A = tpu.sem_alloc : memref<!tpu.dma_semaphore, #tpu.memory_space<semaphore_mem>>
      %dma_start3A_91 = arith.constant 0 : i32
      %dma_start3A_92 = tpu.memref_slice %arg6[%arg0, %mul3A_2, %dma_start3A_91] : memref<2x10240x16xf32, #tpu.memory_space<hbm>> -> memref<1x640x16xf32, #tpu.memory_space<hbm>>
      %dma_start3A_93 = tpu.memref_squeeze %dma_start3A_92 : memref<1x640x16xf32, #tpu.memory_space<hbm>> -> memref<640x16xf32, #tpu.memory_space<hbm>>
      %dma_start3A_94 = arith.constant 0 : i32
      %dma_start3A_95 = tpu.memref_slice %arg11[%mul3A_2, %dma_start3A_94] : memref<10240x16xf32, #tpu.memory_space<vmem_shared>> -> memref<640x16xf32, #tpu.memory_space<vmem_shared>>
      tpu.enqueue_dma source(%dma_start3A_95 : memref<640x16xf32, #tpu.memory_space<vmem_shared>>) target(%dma_start3A_93 : memref<640x16xf32, #tpu.memory_space<hbm>>) target_semaphore(%run_scoped3A : memref<!tpu.dma_semaphore, #tpu.memory_space<semaphore_mem>>)
      %dma_wait3A_96 = arith.constant 0 : i32
      %dma_wait3A_97 = tpu.memref_slice %arg6[%arg0, %mul3A_2, %dma_wait3A_96] : memref<2x10240x16xf32, #tpu.memory_space<hbm>> -> memref<1x640x16xf32, #tpu.memory_space<hbm>>
      %dma_wait3A_98 = tpu.memref_squeeze %dma_wait3A_97 : memref<1x640x16xf32, #tpu.memory_space<hbm>> -> memref<640x16xf32, #tpu.memory_space<hbm>>
      %dma_wait3A_99 = arith.constant 0 : i32
      %dma_wait3A_100 = tpu.memref_slice %arg11[%mul3A_2, %dma_wait3A_99] : memref<10240x16xf32, #tpu.memory_space<vmem_shared>> -> memref<640x16xf32, #tpu.memory_space<vmem_shared>>
      tpu.wait_dma2 semaphore(%run_scoped3A : memref<!tpu.dma_semaphore, #tpu.memory_space<semaphore_mem>>) src(%dma_wait3A_100 : memref<640x16xf32, #tpu.memory_space<vmem_shared>>) dst(%dma_wait3A_98 : memref<640x16xf32, #tpu.memory_space<hbm>>)
      tpu.yield
    }) : () -> ()
    return
  }
}

#map = affine_map<(d0, d1) -> (0, 0, 0)>
#map1 = affine_map<(d0, d1) -> (0)>
#map2 = affine_map<(d0, d1) -> (0, 0)>
module attributes {stable_mosaic.version = 14 : i64} {
  func.func @deg(%arg0: i32, %arg1: i32, %arg2: memref<32x125x80xi32, #tpu.memory_space<hbm>>, %arg3: memref<640xf32, #tpu.memory_space<hbm>>, %arg4: memref<2x10240xf32, #tpu.memory_space<hbm>>, %arg5: memref<125x80xi32, #tpu.memory_space<vmem>>, %arg6: memref<80xf32, #tpu.memory_space<vmem>>, %arg7: memref<10240xf32, #tpu.memory_space<vmem_shared>>) attributes {dimension_semantics = [#tpu.dimension_semantics<core_parallel>, #tpu.dimension_semantics<subcore_parallel>], iteration_bounds = array<i64: 2, 16>, scalar_prefetch = 0 : i64, scratch_operands = 3 : i64, tpu.core_type = #tpu.core_type<sc_vector_subcore>, window_params = [{transform_indices = #map}, {transform_indices = #map1}, {transform_indices = #map2}]} {
    %mul3A = arith.constant 16 : i32
    %mul3A_0 = arith.muli %arg0, %mul3A : i32
    %add3A = arith.addi %mul3A_0, %arg1 : i32
    %mul3A_1 = arith.constant 640 : i32
    %mul3A_2 = arith.muli %arg1, %mul3A_1 : i32
    "tpu.region"() ({
      %run_scoped3A = tpu.sem_alloc : memref<!tpu.dma_semaphore, #tpu.memory_space<semaphore_mem>>
      %dma_start3A = arith.constant 0 : i32
      %dma_start3A_37 = arith.constant 0 : i32
      %dma_start3A_38 = tpu.memref_slice %arg2[%add3A, %dma_start3A, %dma_start3A_37] : memref<32x125x80xi32, #tpu.memory_space<hbm>> -> memref<1x125x80xi32, #tpu.memory_space<hbm>>
      %dma_start3A_39 = tpu.memref_squeeze %dma_start3A_38 : memref<1x125x80xi32, #tpu.memory_space<hbm>> -> memref<125x80xi32, #tpu.memory_space<hbm>>
      %dma_start3A_40 = arith.constant 0 : i32
      %dma_start3A_41 = arith.constant 0 : i32
      %dma_start3A_42 = tpu.memref_slice %arg2[%add3A, %dma_start3A_40, %dma_start3A_41] : memref<32x125x80xi32, #tpu.memory_space<hbm>> -> memref<1x125x80xi32, #tpu.memory_space<hbm>>
      %dma_start3A_43 = tpu.memref_squeeze %dma_start3A_42 : memref<1x125x80xi32, #tpu.memory_space<hbm>> -> memref<125x80xi32, #tpu.memory_space<hbm>>
      tpu.enqueue_dma source(%dma_start3A_43 : memref<125x80xi32, #tpu.memory_space<hbm>>) target(%arg5 : memref<125x80xi32, #tpu.memory_space<vmem>>) target_semaphore(%run_scoped3A : memref<!tpu.dma_semaphore, #tpu.memory_space<semaphore_mem>>)
      %dma_wait3A = arith.constant 0 : i32
      %dma_wait3A_44 = arith.constant 0 : i32
      %dma_wait3A_45 = tpu.memref_slice %arg2[%add3A, %dma_wait3A, %dma_wait3A_44] : memref<32x125x80xi32, #tpu.memory_space<hbm>> -> memref<1x125x80xi32, #tpu.memory_space<hbm>>
      %dma_wait3A_46 = tpu.memref_squeeze %dma_wait3A_45 : memref<1x125x80xi32, #tpu.memory_space<hbm>> -> memref<125x80xi32, #tpu.memory_space<hbm>>
      %dma_wait3A_47 = arith.constant 0 : i32
      %dma_wait3A_48 = arith.constant 0 : i32
      %dma_wait3A_49 = tpu.memref_slice %arg2[%add3A, %dma_wait3A_47, %dma_wait3A_48] : memref<32x125x80xi32, #tpu.memory_space<hbm>> -> memref<1x125x80xi32, #tpu.memory_space<hbm>>
      %dma_wait3A_50 = tpu.memref_squeeze %dma_wait3A_49 : memref<1x125x80xi32, #tpu.memory_space<hbm>> -> memref<125x80xi32, #tpu.memory_space<hbm>>
      tpu.wait_dma2 semaphore(%run_scoped3A : memref<!tpu.dma_semaphore, #tpu.memory_space<semaphore_mem>>) src(%dma_wait3A_50 : memref<125x80xi32, #tpu.memory_space<hbm>>) dst(%arg5 : memref<125x80xi32, #tpu.memory_space<vmem>>)
      tpu.yield
    }) : () -> ()
    %broadcast_in_dim3A = arith.constant 1.000000e+00 : f32
    %broadcast_in_dim3A_3 = vector.broadcast %broadcast_in_dim3A : f32 to vector<16xf32>
    %swap3A = arith.constant 0 : index
    %swap3A_4 = tpu.vector_load %arg6[%swap3A] {strides = array<i32>} : memref<80xf32, #tpu.memory_space<vmem>>, vector<16xf32>,
    %swap3A_5 = vector.shape_cast %swap3A_4 : vector<16xf32> to vector<16xf32>
    %swap3A_6 = vector.shape_cast %broadcast_in_dim3A_3 : vector<16xf32> to vector<16xf32>
    tpu.vector_store %arg6[%swap3A], %swap3A_6 {strides = array<i32>} : memref<80xf32, #tpu.memory_space<vmem>>, vector<16xf32>,
    %broadcast_in_dim3A_7 = arith.constant 1.000000e+00 : f32
    %broadcast_in_dim3A_8 = vector.broadcast %broadcast_in_dim3A_7 : f32 to vector<16xf32>
    %swap3A_9 = arith.constant 16 : index
    %swap3A_10 = tpu.vector_load %arg6[%swap3A_9] {strides = array<i32>} : memref<80xf32, #tpu.memory_space<vmem>>, vector<16xf32>,
    %swap3A_11 = vector.shape_cast %swap3A_10 : vector<16xf32> to vector<16xf32>
    %swap3A_12 = vector.shape_cast %broadcast_in_dim3A_8 : vector<16xf32> to vector<16xf32>
    tpu.vector_store %arg6[%swap3A_9], %swap3A_12 {strides = array<i32>} : memref<80xf32, #tpu.memory_space<vmem>>, vector<16xf32>,
    %broadcast_in_dim3A_13 = arith.constant 1.000000e+00 : f32
    %broadcast_in_dim3A_14 = vector.broadcast %broadcast_in_dim3A_13 : f32 to vector<16xf32>
    %swap3A_15 = arith.constant 32 : index
    %swap3A_16 = tpu.vector_load %arg6[%swap3A_15] {strides = array<i32>} : memref<80xf32, #tpu.memory_space<vmem>>, vector<16xf32>,
    %swap3A_17 = vector.shape_cast %swap3A_16 : vector<16xf32> to vector<16xf32>
    %swap3A_18 = vector.shape_cast %broadcast_in_dim3A_14 : vector<16xf32> to vector<16xf32>
    tpu.vector_store %arg6[%swap3A_15], %swap3A_18 {strides = array<i32>} : memref<80xf32, #tpu.memory_space<vmem>>, vector<16xf32>,
    %broadcast_in_dim3A_19 = arith.constant 1.000000e+00 : f32
    %broadcast_in_dim3A_20 = vector.broadcast %broadcast_in_dim3A_19 : f32 to vector<16xf32>
    %swap3A_21 = arith.constant 48 : index
    %swap3A_22 = tpu.vector_load %arg6[%swap3A_21] {strides = array<i32>} : memref<80xf32, #tpu.memory_space<vmem>>, vector<16xf32>,
    %swap3A_23 = vector.shape_cast %swap3A_22 : vector<16xf32> to vector<16xf32>
    %swap3A_24 = vector.shape_cast %broadcast_in_dim3A_20 : vector<16xf32> to vector<16xf32>
    tpu.vector_store %arg6[%swap3A_21], %swap3A_24 {strides = array<i32>} : memref<80xf32, #tpu.memory_space<vmem>>, vector<16xf32>,
    %broadcast_in_dim3A_25 = arith.constant 1.000000e+00 : f32
    %broadcast_in_dim3A_26 = vector.broadcast %broadcast_in_dim3A_25 : f32 to vector<16xf32>
    %swap3A_27 = arith.constant 64 : index
    %swap3A_28 = tpu.vector_load %arg6[%swap3A_27] {strides = array<i32>} : memref<80xf32, #tpu.memory_space<vmem>>, vector<16xf32>,
    %swap3A_29 = vector.shape_cast %swap3A_28 : vector<16xf32> to vector<16xf32>
    %swap3A_30 = vector.shape_cast %broadcast_in_dim3A_26 : vector<16xf32> to vector<16xf32>
    tpu.vector_store %arg6[%swap3A_27], %swap3A_30 {strides = array<i32>} : memref<80xf32, #tpu.memory_space<vmem>>, vector<16xf32>,
    "tpu.region"() ({
      %run_scoped3A = tpu.sem_alloc : memref<!tpu.dma_semaphore, #tpu.memory_space<semaphore_mem>>
      %dma_start3A = tpu.memref_slice %arg7[%mul3A_2] : memref<10240xf32, #tpu.memory_space<vmem_shared>> -> memref<640xf32, #tpu.memory_space<vmem_shared>>
      tpu.enqueue_dma source(%arg3 : memref<640xf32, #tpu.memory_space<hbm>>) target(%dma_start3A : memref<640xf32, #tpu.memory_space<vmem_shared>>) target_semaphore(%run_scoped3A : memref<!tpu.dma_semaphore, #tpu.memory_space<semaphore_mem>>)
      %dma_wait3A = tpu.memref_slice %arg7[%mul3A_2] : memref<10240xf32, #tpu.memory_space<vmem_shared>> -> memref<640xf32, #tpu.memory_space<vmem_shared>>
      tpu.wait_dma2 semaphore(%run_scoped3A : memref<!tpu.dma_semaphore, #tpu.memory_space<semaphore_mem>>) src(%arg3 : memref<640xf32, #tpu.memory_space<hbm>>) dst(%dma_wait3A : memref<640xf32, #tpu.memory_space<vmem_shared>>)
      tpu.yield
    }) : () -> ()
    %barrier3A = arith.constant 0 : index
    tpu.barrier barrier_id(%barrier3A)
    %scan3A = arith.constant 0 : i32
    %scan3A_31 = arith.constant 0 : i32
    %scan3A_32 = arith.constant 125 : i32
    %scan3A_33 = arith.addi %scan3A_31, %scan3A_32 : i32
    %scan3A_34 = arith.constant 1 : i32
    scf.for %scan3A_37 = %scan3A_31 to %scan3A_33 step %scan3A_34  : i32 {
      "tpu.region"() ({
        %run_scoped3A = tpu.sem_alloc : memref<!tpu.dma_semaphore, #tpu.memory_space<semaphore_mem>>
        %dma_start3A = arith.constant 0 : i32
        %dma_start3A_38 = tpu.memref_slice %arg5[%scan3A_37, %dma_start3A] : memref<125x80xi32, #tpu.memory_space<vmem>> -> memref<1x80xi32, #tpu.memory_space<vmem>>
        %dma_start3A_39 = tpu.memref_squeeze %dma_start3A_38 : memref<1x80xi32, #tpu.memory_space<vmem>> -> memref<80xi32, #tpu.memory_space<vmem>>
        %dma_start3A_40 = arith.constant 0 : i32
        %dma_start3A_41 = tpu.memref_slice %arg7[%dma_start3A_40] : memref<10240xf32, #tpu.memory_space<vmem_shared>> -> memref<10240xf32, #tpu.memory_space<vmem_shared>>
        tpu.enqueue_indirect_dma source(%arg6 : memref<80xf32, #tpu.memory_space<vmem>>) target(%dma_start3A_41 : memref<10240xf32, #tpu.memory_space<vmem_shared>>) offsets(%dma_start3A_39 : memref<80xi32, #tpu.memory_space<vmem>>) semaphore(%run_scoped3A : memref<!tpu.dma_semaphore, #tpu.memory_space<semaphore_mem>>) {add = true}
        %dma_wait3A = arith.constant 0 : i32
        %dma_wait3A_42 = tpu.memref_slice %arg5[%scan3A_37, %dma_wait3A] : memref<125x80xi32, #tpu.memory_space<vmem>> -> memref<1x80xi32, #tpu.memory_space<vmem>>
        %dma_wait3A_43 = tpu.memref_squeeze %dma_wait3A_42 : memref<1x80xi32, #tpu.memory_space<vmem>> -> memref<80xi32, #tpu.memory_space<vmem>>
        %dma_wait3A_44 = arith.constant 0 : i32
        %dma_wait3A_45 = tpu.memref_slice %arg7[%dma_wait3A_44] : memref<10240xf32, #tpu.memory_space<vmem_shared>> -> memref<10240xf32, #tpu.memory_space<vmem_shared>>
        tpu.wait_indirect_dma semaphore(%run_scoped3A : memref<!tpu.dma_semaphore, #tpu.memory_space<semaphore_mem>>) src(%arg6 : memref<80xf32, #tpu.memory_space<vmem>>) dst(%dma_wait3A_45 : memref<10240xf32, #tpu.memory_space<vmem_shared>>)
        tpu.yield
      }) : () -> ()
    }
    %scan3A_35 = arith.constant 125 : i32
    %barrier3A_36 = arith.constant 0 : index
    tpu.barrier barrier_id(%barrier3A_36)
    "tpu.region"() ({
      %run_scoped3A = tpu.sem_alloc : memref<!tpu.dma_semaphore, #tpu.memory_space<semaphore_mem>>
      %dma_start3A = tpu.memref_slice %arg4[%arg0, %mul3A_2] : memref<2x10240xf32, #tpu.memory_space<hbm>> -> memref<1x640xf32, #tpu.memory_space<hbm>>
      %dma_start3A_37 = tpu.memref_squeeze %dma_start3A : memref<1x640xf32, #tpu.memory_space<hbm>> -> memref<640xf32, #tpu.memory_space<hbm>>
      %dma_start3A_38 = tpu.memref_slice %arg7[%mul3A_2] : memref<10240xf32, #tpu.memory_space<vmem_shared>> -> memref<640xf32, #tpu.memory_space<vmem_shared>>
      tpu.enqueue_dma source(%dma_start3A_38 : memref<640xf32, #tpu.memory_space<vmem_shared>>) target(%dma_start3A_37 : memref<640xf32, #tpu.memory_space<hbm>>) target_semaphore(%run_scoped3A : memref<!tpu.dma_semaphore, #tpu.memory_space<semaphore_mem>>)
      %dma_wait3A = tpu.memref_slice %arg4[%arg0, %mul3A_2] : memref<2x10240xf32, #tpu.memory_space<hbm>> -> memref<1x640xf32, #tpu.memory_space<hbm>>
      %dma_wait3A_39 = tpu.memref_squeeze %dma_wait3A : memref<1x640xf32, #tpu.memory_space<hbm>> -> memref<640xf32, #tpu.memory_space<hbm>>
      %dma_wait3A_40 = tpu.memref_slice %arg7[%mul3A_2] : memref<10240xf32, #tpu.memory_space<vmem_shared>> -> memref<640xf32, #tpu.memory_space<vmem_shared>>
      tpu.wait_dma2 semaphore(%run_scoped3A : memref<!tpu.dma_semaphore, #tpu.memory_space<semaphore_mem>>) src(%dma_wait3A_40 : memref<640xf32, #tpu.memory_space<vmem_shared>>) dst(%dma_wait3A_39 : memref<640xf32, #tpu.memory_space<hbm>>)
      tpu.yield
    }) : () -> ()
    return
  }
}

module attributes {stable_mosaic.version = 14 : i64} {
  func.func @_tc_a_body(%arg0: memref<10000x128xf32, #tpu.memory_space<vmem>>, %arg1: memref<128x64xf32, #tpu.memory_space<vmem>>, %arg2: memref<10240x2xf32, #tpu.memory_space<vmem>>, %arg3: memref<10240x64xf32, #tpu.memory_space<vmem>>, %arg4: memref<10000x1xf32, #tpu.memory_space<vmem>>) attributes {dimension_semantics = [], scalar_prefetch = 0 : i64, scratch_operands = 0 : i64, tpu.core_type = #tpu.core_type<tc>} {
    %get3A = arith.constant 0 : index
    %get3A_0 = arith.constant 0 : index
    %get3A_1 = vector.load %arg2[%get3A, %get3A_0] : memref<10240x2xf32, #tpu.memory_space<vmem>>, vector<10000x1xf32>
    %get3A_2 = arith.constant 0 : index
    %get3A_3 = arith.constant 1 : index
    %get3A_4 = vector.load %arg2[%get3A_2, %get3A_3] : memref<10240x2xf32, #tpu.memory_space<vmem>>, vector<10000x1xf32>
    %add3A = arith.addf %get3A_1, %get3A_4 : vector<10000x1xf32>
    %add3A_5 = arith.constant 1.000000e+00 : f32
    %add3A_6 = vector.broadcast %add3A_5 : f32 to vector<10000x1xf32>
    %add3A_7 = arith.addf %add3A, %add3A_6 : vector<10000x1xf32>
    %rsqrt3A = math.rsqrt %add3A_7 : vector<10000x1xf32>
    %swap3A = arith.constant 0 : index
    %swap3A_8 = arith.constant 0 : index
    %swap3A_9 = vector.load %arg4[%swap3A, %swap3A_8] : memref<10000x1xf32, #tpu.memory_space<vmem>>, vector<10000x1xf32>
    tpu.vector_store %arg4[%swap3A, %swap3A_8], %rsqrt3A {strides = array<i32>} : memref<10000x1xf32, #tpu.memory_space<vmem>>, vector<10000x1xf32>,
    %get3A_10 = arith.constant 0 : index
    %get3A_11 = arith.constant 0 : index
    %get3A_12 = vector.load %arg0[%get3A_10, %get3A_11] : memref<10000x128xf32, #tpu.memory_space<vmem>>, vector<10000x128xf32>
    %get3A_13 = arith.constant 0 : index
    %get3A_14 = arith.constant 0 : index
    %get3A_15 = vector.load %arg1[%get3A_13, %get3A_14] : memref<128x64xf32, #tpu.memory_space<vmem>>, vector<128x64xf32>
    %dot_general3A = arith.constant dense<0.000000e+00> : vector<10000x64xf32>
    %dot_general3A_16 = tpu.matmul %get3A_12, %get3A_15, %dot_general3A {dimension_numbers = #tpu.dot_dimension_numbers<[1], [0], [0], [1], [0, 0, 1, 1], [], []>, transpose_lhs_hint = false} : vector<10000x128xf32>, vector<128x64xf32>, vector<10000x64xf32> -> vector<10000x64xf32>
    %mul3A = vector.broadcast %rsqrt3A : vector<10000x1xf32> to vector<10000x64xf32>
    %mul3A_17 = arith.mulf %dot_general3A_16, %mul3A : vector<10000x64xf32>
    %swap3A_18 = arith.constant 0 : index
    %swap3A_19 = arith.constant 0 : index
    %swap3A_20 = vector.load %arg3[%swap3A_18, %swap3A_19] : memref<10240x64xf32, #tpu.memory_space<vmem>>, vector<10000x64xf32>
    tpu.vector_store %arg3[%swap3A_18, %swap3A_19], %mul3A_17 {strides = array<i32>} : memref<10240x64xf32, #tpu.memory_space<vmem>>, vector<10000x64xf32>,
    %broadcast_in_dim3A = arith.constant 0.000000e+00 : f32
    %broadcast_in_dim3A_21 = vector.broadcast %broadcast_in_dim3A : f32 to vector<240x64xf32>
    %swap3A_22 = arith.constant 10000 : index
    %swap3A_23 = arith.constant 0 : index
    %swap3A_24 = vector.load %arg3[%swap3A_22, %swap3A_23] : memref<10240x64xf32, #tpu.memory_space<vmem>>, vector<240x64xf32>
    tpu.vector_store %arg3[%swap3A_22, %swap3A_23], %broadcast_in_dim3A_21 {strides = array<i32>} : memref<10240x64xf32, #tpu.memory_space<vmem>>, vector<240x64xf32>,
    return
  }
}

module attributes {stable_mosaic.version = 14 : i64} {
  func.func @body(%arg0: memref<2x10240x64xf32, #tpu.memory_space<vmem>>, %arg1: memref<10240x64xf32, #tpu.memory_space<vmem>>, %arg2: memref<10000x1xf32, #tpu.memory_space<vmem>>, %arg3: memref<1x64xf32, #tpu.memory_space<vmem>>, %arg4: memref<64x64xf32, #tpu.memory_space<vmem>>, %arg5: memref<10240x64xf32, #tpu.memory_space<vmem>>) attributes {dimension_semantics = [], scalar_prefetch = 0 : i64, scratch_operands = 0 : i64, tpu.core_type = #tpu.core_type<tc>} {
    %get3A = arith.constant 0 : index
    %get3A_0 = arith.constant 0 : index
    %get3A_1 = vector.load %arg2[%get3A, %get3A_0] : memref<10000x1xf32, #tpu.memory_space<vmem>>, vector<10000x1xf32>
    %get3A_2 = arith.constant 0 : index
    %get3A_3 = arith.constant 0 : index
    %get3A_4 = arith.constant 0 : index
    %get3A_5 = vector.load %arg0[%get3A_2, %get3A_3, %get3A_4] : memref<2x10240x64xf32, #tpu.memory_space<vmem>>, vector<1x10000x64xf32>
    %get3A_6 = vector.shape_cast %get3A_5 : vector<1x10000x64xf32> to vector<10000x64xf32>
    %get3A_7 = arith.constant 1 : index
    %get3A_8 = arith.constant 0 : index
    %get3A_9 = arith.constant 0 : index
    %get3A_10 = vector.load %arg0[%get3A_7, %get3A_8, %get3A_9] : memref<2x10240x64xf32, #tpu.memory_space<vmem>>, vector<1x10000x64xf32>
    %get3A_11 = vector.shape_cast %get3A_10 : vector<1x10000x64xf32> to vector<10000x64xf32>
    %add3A = arith.addf %get3A_6, %get3A_11 : vector<10000x64xf32>
    %get3A_12 = arith.constant 0 : index
    %get3A_13 = arith.constant 0 : index
    %get3A_14 = vector.load %arg1[%get3A_12, %get3A_13] : memref<10240x64xf32, #tpu.memory_space<vmem>>, vector<10000x64xf32>
    %add3A_15 = arith.addf %add3A, %get3A_14 : vector<10000x64xf32>
    %mul3A = vector.broadcast %get3A_1 : vector<10000x1xf32> to vector<10000x64xf32>
    %mul3A_16 = arith.mulf %mul3A, %add3A_15 : vector<10000x64xf32>
    %get3A_17 = arith.constant 0 : index
    %get3A_18 = arith.constant 0 : index
    %get3A_19 = vector.load %arg3[%get3A_17, %get3A_18] : memref<1x64xf32, #tpu.memory_space<vmem>>, vector<1x64xf32>
    %add3A_20 = vector.broadcast %get3A_19 : vector<1x64xf32> to vector<10000x64xf32>
    %add3A_21 = arith.addf %mul3A_16, %add3A_20 : vector<10000x64xf32>
    %max3A = arith.constant 0.000000e+00 : f32
    %max3A_22 = vector.broadcast %max3A : f32 to vector<10000x64xf32>
    %max3A_23 = arith.maximumf %add3A_21, %max3A_22 : vector<10000x64xf32>
    %get3A_24 = arith.constant 0 : index
    %get3A_25 = arith.constant 0 : index
    %get3A_26 = vector.load %arg4[%get3A_24, %get3A_25] : memref<64x64xf32, #tpu.memory_space<vmem>>, vector<64x64xf32>
    %dot_general3A = arith.constant dense<0.000000e+00> : vector<10000x64xf32>
    %dot_general3A_27 = tpu.matmul %max3A_23, %get3A_26, %dot_general3A {dimension_numbers = #tpu.dot_dimension_numbers<[1], [0], [0], [1], [0, 0, 1, 1], [], []>, transpose_lhs_hint = false} : vector<10000x64xf32>, vector<64x64xf32>, vector<10000x64xf32> -> vector<10000x64xf32>
    %mul3A_28 = vector.broadcast %get3A_1 : vector<10000x1xf32> to vector<10000x64xf32>
    %mul3A_29 = arith.mulf %dot_general3A_27, %mul3A_28 : vector<10000x64xf32>
    %swap3A = arith.constant 0 : index
    %swap3A_30 = arith.constant 0 : index
    %swap3A_31 = vector.load %arg5[%swap3A, %swap3A_30] : memref<10240x64xf32, #tpu.memory_space<vmem>>, vector<10000x64xf32>
    tpu.vector_store %arg5[%swap3A, %swap3A_30], %mul3A_29 {strides = array<i32>} : memref<10240x64xf32, #tpu.memory_space<vmem>>, vector<10000x64xf32>,
    %broadcast_in_dim3A = arith.constant 0.000000e+00 : f32
    %broadcast_in_dim3A_32 = vector.broadcast %broadcast_in_dim3A : f32 to vector<240x64xf32>
    %swap3A_33 = arith.constant 10000 : index
    %swap3A_34 = arith.constant 0 : index
    %swap3A_35 = vector.load %arg5[%swap3A_33, %swap3A_34] : memref<10240x64xf32, #tpu.memory_space<vmem>>, vector<240x64xf32>
    tpu.vector_store %arg5[%swap3A_33, %swap3A_34], %broadcast_in_dim3A_32 {strides = array<i32>} : memref<10240x64xf32, #tpu.memory_space<vmem>>, vector<240x64xf32>,
    return
  }
}

module attributes {stable_mosaic.version = 14 : i64} {
  func.func @body(%arg0: memref<2x10240x64xf32, #tpu.memory_space<vmem>>, %arg1: memref<10240x64xf32, #tpu.memory_space<vmem>>, %arg2: memref<10000x1xf32, #tpu.memory_space<vmem>>, %arg3: memref<1x64xf32, #tpu.memory_space<vmem>>, %arg4: memref<64x4xf32, #tpu.memory_space<vmem>>, %arg5: memref<10240x16xf32, #tpu.memory_space<vmem>>) attributes {dimension_semantics = [], scalar_prefetch = 0 : i64, scratch_operands = 0 : i64, tpu.core_type = #tpu.core_type<tc>} {
    %get3A = arith.constant 0 : index
    %get3A_0 = arith.constant 0 : index
    %get3A_1 = vector.load %arg2[%get3A, %get3A_0] : memref<10000x1xf32, #tpu.memory_space<vmem>>, vector<10000x1xf32>
    %get3A_2 = arith.constant 0 : index
    %get3A_3 = arith.constant 0 : index
    %get3A_4 = arith.constant 0 : index
    %get3A_5 = vector.load %arg0[%get3A_2, %get3A_3, %get3A_4] : memref<2x10240x64xf32, #tpu.memory_space<vmem>>, vector<1x10000x64xf32>
    %get3A_6 = vector.shape_cast %get3A_5 : vector<1x10000x64xf32> to vector<10000x64xf32>
    %get3A_7 = arith.constant 1 : index
    %get3A_8 = arith.constant 0 : index
    %get3A_9 = arith.constant 0 : index
    %get3A_10 = vector.load %arg0[%get3A_7, %get3A_8, %get3A_9] : memref<2x10240x64xf32, #tpu.memory_space<vmem>>, vector<1x10000x64xf32>
    %get3A_11 = vector.shape_cast %get3A_10 : vector<1x10000x64xf32> to vector<10000x64xf32>
    %add3A = arith.addf %get3A_6, %get3A_11 : vector<10000x64xf32>
    %get3A_12 = arith.constant 0 : index
    %get3A_13 = arith.constant 0 : index
    %get3A_14 = vector.load %arg1[%get3A_12, %get3A_13] : memref<10240x64xf32, #tpu.memory_space<vmem>>, vector<10000x64xf32>
    %add3A_15 = arith.addf %add3A, %get3A_14 : vector<10000x64xf32>
    %mul3A = vector.broadcast %get3A_1 : vector<10000x1xf32> to vector<10000x64xf32>
    %mul3A_16 = arith.mulf %mul3A, %add3A_15 : vector<10000x64xf32>
    %get3A_17 = arith.constant 0 : index
    %get3A_18 = arith.constant 0 : index
    %get3A_19 = vector.load %arg3[%get3A_17, %get3A_18] : memref<1x64xf32, #tpu.memory_space<vmem>>, vector<1x64xf32>
    %add3A_20 = vector.broadcast %get3A_19 : vector<1x64xf32> to vector<10000x64xf32>
    %add3A_21 = arith.addf %mul3A_16, %add3A_20 : vector<10000x64xf32>
    %get3A_22 = arith.constant 0 : index
    %get3A_23 = arith.constant 0 : index
    %get3A_24 = vector.load %arg4[%get3A_22, %get3A_23] : memref<64x4xf32, #tpu.memory_space<vmem>>, vector<64x4xf32>
    %dot_general3A = arith.constant dense<0.000000e+00> : vector<10000x4xf32>
    %dot_general3A_25 = tpu.matmul %add3A_21, %get3A_24, %dot_general3A {dimension_numbers = #tpu.dot_dimension_numbers<[1], [0], [0], [1], [0, 0, 1, 1], [], []>, transpose_lhs_hint = false} : vector<10000x64xf32>, vector<64x4xf32>, vector<10000x4xf32> -> vector<10000x4xf32>
    %mul3A_26 = vector.broadcast %get3A_1 : vector<10000x1xf32> to vector<10000x4xf32>
    %mul3A_27 = arith.mulf %dot_general3A_25, %mul3A_26 : vector<10000x4xf32>
    %swap3A = arith.constant 0 : index
    %swap3A_28 = arith.constant 0 : index
    %swap3A_29 = vector.load %arg5[%swap3A, %swap3A_28] : memref<10240x16xf32, #tpu.memory_space<vmem>>, vector<10000x4xf32>
    tpu.vector_store %arg5[%swap3A, %swap3A_28], %mul3A_27 {strides = array<i32>} : memref<10240x16xf32, #tpu.memory_space<vmem>>, vector<10000x4xf32>,
    %broadcast_in_dim3A = arith.constant 0.000000e+00 : f32
    %broadcast_in_dim3A_30 = vector.broadcast %broadcast_in_dim3A : f32 to vector<10000x12xf32>
    %swap3A_31 = arith.constant 0 : index
    %swap3A_32 = arith.constant 4 : index
    %swap3A_33 = vector.load %arg5[%swap3A_31, %swap3A_32] : memref<10240x16xf32, #tpu.memory_space<vmem>>, vector<10000x12xf32>
    tpu.vector_store %arg5[%swap3A_31, %swap3A_32], %broadcast_in_dim3A_30 {strides = array<i32>} : memref<10240x16xf32, #tpu.memory_space<vmem>>, vector<10000x12xf32>,
    %broadcast_in_dim3A_34 = arith.constant 0.000000e+00 : f32
    %broadcast_in_dim3A_35 = vector.broadcast %broadcast_in_dim3A_34 : f32 to vector<240x16xf32>
    %swap3A_36 = arith.constant 10000 : index
    %swap3A_37 = arith.constant 0 : index
    %swap3A_38 = vector.load %arg5[%swap3A_36, %swap3A_37] : memref<10240x16xf32, #tpu.memory_space<vmem>>, vector<240x16xf32>
    tpu.vector_store %arg5[%swap3A_36, %swap3A_37], %broadcast_in_dim3A_35 {strides = array<i32>} : memref<10240x16xf32, #tpu.memory_space<vmem>>, vector<240x16xf32>,
    return
  }
}

module attributes {stable_mosaic.version = 14 : i64} {
  func.func @_tc_final_body(%arg0: memref<2x10240x16xf32, #tpu.memory_space<vmem>>, %arg1: memref<10240x16xf32, #tpu.memory_space<vmem>>, %arg2: memref<10000x1xf32, #tpu.memory_space<vmem>>, %arg3: memref<1x4xf32, #tpu.memory_space<vmem>>, %arg4: memref<10000x4xf32, #tpu.memory_space<vmem>>) attributes {dimension_semantics = [], scalar_prefetch = 0 : i64, scratch_operands = 0 : i64, tpu.core_type = #tpu.core_type<tc>} {
    %get3A = arith.constant 0 : index
    %get3A_0 = arith.constant 0 : index
    %get3A_1 = vector.load %arg2[%get3A, %get3A_0] : memref<10000x1xf32, #tpu.memory_space<vmem>>, vector<10000x1xf32>
    %get3A_2 = arith.constant 0 : index
    %get3A_3 = arith.constant 0 : index
    %get3A_4 = arith.constant 0 : index
    %get3A_5 = vector.load %arg0[%get3A_2, %get3A_3, %get3A_4] : memref<2x10240x16xf32, #tpu.memory_space<vmem>>, vector<1x10000x4xf32>
    %get3A_6 = vector.shape_cast %get3A_5 : vector<1x10000x4xf32> to vector<10000x4xf32>
    %get3A_7 = arith.constant 1 : index
    %get3A_8 = arith.constant 0 : index
    %get3A_9 = arith.constant 0 : index
    %get3A_10 = vector.load %arg0[%get3A_7, %get3A_8, %get3A_9] : memref<2x10240x16xf32, #tpu.memory_space<vmem>>, vector<1x10000x4xf32>
    %get3A_11 = vector.shape_cast %get3A_10 : vector<1x10000x4xf32> to vector<10000x4xf32>
    %add3A = arith.addf %get3A_6, %get3A_11 : vector<10000x4xf32>
    %get3A_12 = arith.constant 0 : index
    %get3A_13 = arith.constant 0 : index
    %get3A_14 = vector.load %arg1[%get3A_12, %get3A_13] : memref<10240x16xf32, #tpu.memory_space<vmem>>, vector<10000x4xf32>
    %add3A_15 = arith.addf %add3A, %get3A_14 : vector<10000x4xf32>
    %mul3A = vector.broadcast %get3A_1 : vector<10000x1xf32> to vector<10000x4xf32>
    %mul3A_16 = arith.mulf %mul3A, %add3A_15 : vector<10000x4xf32>
    %get3A_17 = arith.constant 0 : index
    %get3A_18 = arith.constant 0 : index
    %get3A_19 = vector.load %arg3[%get3A_17, %get3A_18] : memref<1x4xf32, #tpu.memory_space<vmem>>, vector<1x4xf32>
    %add3A_20 = vector.broadcast %get3A_19 : vector<1x4xf32> to vector<10000x4xf32>
    %add3A_21 = arith.addf %mul3A_16, %add3A_20 : vector<10000x4xf32>
    %swap3A = arith.constant 0 : index
    %swap3A_22 = arith.constant 0 : index
    %swap3A_23 = vector.load %arg4[%swap3A, %swap3A_22] : memref<10000x4xf32, #tpu.memory_space<vmem>>, vector<10000x4xf32>
    tpu.vector_store %arg4[%swap3A, %swap3A_22], %add3A_21 {strides = array<i32>} : memref<10000x4xf32, #tpu.memory_space<vmem>>, vector<10000x4xf32>,
    return
  }
}

</mosaic_0001>

<sc_bundles>
// kernel: kernel.10.cloned.1.call-start
scs
__scs_entry_jumppad:
0x0: {  	(pc) =	sbr.rel $0x88, $3  }
0x1: {  	(tag) =	ssettag $0x0;
	lr =	simm.s32 $0x1  }
0x2: {  	[smem:$0x3F99] =	sst lr;
	_ =	strace $0xD0000000  }
0x3: {  	_ = 	snop  }
0x4: {  	_ = 	snop  }
0x5: {  	_ = 	snop  }
0x6: {  	_ = 	snop  }
0x7: {  	_ = 	snop  }
__scs_overlays_trampoline_lowered:
0x8: {  	[smem:$0x3FA8] =	sst s0  }
0x9: {  	[smem:$0x3FA9] =	sst s1  }
0xa: {  	[smem:$0x3FAA] =	sst s2  }
0xb: {  	[smem:$0x3FAB] =	sst s3  }
0xc: {  	[smem:$0x3FAC] =	sst s4  }
0xd: {  	[smem:$0x3FAD] =	sst s5  }
0xe: {  	[smem:$0x3FAE] =	sst s6  }
0xf: {  	[smem:$0x3FAF] =	sst s7  }
0x10: {  	[smem:$0x3FB0] =	sst s8  }
0x11: {  	[smem:$0x3FB1] =	sst s9;
	s0 =	simm.s32 @!p0 $0x0  }
0x12: {  	s1 =	sld [smem:$0x3F97];
	s0 =	simm.s32 @p0 $0x1  }
0x13: {  	[smem:$0x3FB2] =	sst s0;
	s0 =	simm.s32 @!p1 $0x0  }
0x14: {  	s2 =	sld [smem:$0x3F96];
	s0 =	simm.s32 @p1 $0x1  }
0x15: {  	[smem:$0x3FB3] =	sst s0;
	s0 =	simm.s32 @!p2 $0x0  }
0x16: {  	s3 =	sld [smem:$0x3FDB];
	s0 =	simm.s32 @p2 $0x1  }
0x17: {  	s4 =	simm.s32 $0x1BF5;
	[smem:$0x3FB5] =	sst s0  }
0x18: {  	s0 =	sld [smem:$0x3F98];
	_ =	swait.ge [sflag:s4], $0x0  }
0x19: {  	s7 =	sld [smem:$0x3F99]  }
0x1a: {  	s8 =	sadd.s32 $0xFFFFE003, lr  }
0x1b: {  	s9 =	sadd.s32 $0xFFFFFEF7, lr;
	s5 =	simm.s32 $0xFFFFFFFF;
	p2 =	slt.u32 s8, $0xFFFFF086  }
0x1c: {  	p1 =	slt.u32 s9, $0xF7A;
	s5 =	simm.s32 @!p2 $0x0  }
0x1d: {  	s5 =	simm.s32 @p1 $0x1;
	p0 =	seq.s32 s7, s2  }
0x1e: {  	s7 =	smul.u32 @!p0 $0xF7A, s2;
	p2 =	seq.s32 @!p0 s5, $0x0  }
0x1f: {  	s9 =	smul.u32 $0xF7A, s1;
	s8 =	simm.s32 @!p0 $0x1BF5;
	p2 =	por !p2, p0  }
0x20: {  	[sflag:s8] =	ssyncset.s32 @!p0 $0xFFFFF086;
	s6 =	sadd.s32 @!p0 s3, s7;
	s7 =	simm.s32 @!p0 $0x108  }
0x21: {  	s3 =	sadd.s32 s3, s9;
	s6 =	sadd.s32 @!p0 $0x88, s6;
	s7 =	simm.s32 @p2 $0x1082  }
0x22: {  	[simem:s7], [sflag:s8] =	dma.local @!p0 [hbm:s6], $0xF7A  }
0x23: {  	s9 =	sor.u32 $0xD0000000, s2;
	s6 =	simm.s32 $0x108;
	_ =	swait.ge @!p0 [sflag:s8], $0x0  }
0x24: {  	s3 =	sadd.s32 $0x88, s3;
	s6 =	simm.s32 @!p1 $0x1082;
	[sflag:s4] =	ssyncset.s32 $0xFFFFF086  }
0x25: {  	[simem:s6], [sflag:s4] =	dma.local [hbm:s3], $0xF7A  }
0x26: {  	[smem:$0x3F99] =	sst s1;
	(tag) =	ssettag s2;
	_ =	strace s9  }
0x27: {  	s1 =	sld [smem:$0x3FA9]  }
0x28: {  	s2 =	sld [smem:$0x3FAA]  }
0x29: {  	s4 =	sld [smem:$0x3FAC]  }
0x2a: {  	p0 =	seq.s32 s5, $0x0;
	s5 =	sld [smem:$0x3FAD]  }
0x2b: {  	s6 =	sld [smem:$0x3FAE]  }
0x2c: {  	s7 =	sld [smem:$0x3FAF]  }
0x2d: {  	s3 =	simm.s32 $0x108;
	s8 =	sld [smem:$0x3FB0]  }
0x2e: {  	s3 =	simm.s32 @!p0 $0x1082;
	s9 =	sld [smem:$0x3FB1]  }
0x2f: {  	lr =	sadd.s32 s0, s3;
	s0 =	sld [smem:$0x3FA8]  }
0x30: {  	s3 =	sld [smem:$0x3FAB]  }
0x31: {  	[smem:$0x3FB4] =	sst s10  }
0x32: {  	s10 =	sld [smem:$0x3FB2];
	_ =	sdelay $0x3  }
0x33: {  	p0 =	seq.s32 s10, $0x1;
	s10 =	sld [smem:$0x3FB4];
	_ =	sdelay $0x3  }
0x34: {  	[smem:$0x3FB4] =	sst s10  }
0x35: {  	s10 =	sld [smem:$0x3FB3];
	_ =	sdelay $0x3  }
0x36: {  	p1 =	seq.s32 s10, $0x1;
	s10 =	sld [smem:$0x3FB4];
	_ =	sdelay $0x3  }
0x37: {  	[smem:$0x3FB4] =	sst s10  }
0x38: {  	s10 =	sld [smem:$0x3FB5]  }
0x39: {  	_ = 	snop;
	(pc) =	sbr.ind lr, $3  }
0x3a: {  	_ = 	snop  }
0x3b: {  	_ = 	snop  }
0x3c: {  	p2 =	seq.s32 s10, $0x1;
	s10 =	sld [smem:$0x3FB4]  }
0x3d: {  	_ =	shalt  }
0x3e: {  	_ =	shalt  }
0x3f: {  	_ =	shalt  }
0x40: {  	_ =	shalt  }
0x41: {  	_ =	shalt  }
0x42: {  	_ =	shalt  }
0x43: {  	_ =	shalt  }
0x44: {  	_ =	shalt  }
0x45: {  	_ =	shalt  }
0x46: {  	_ =	shalt  }
0x47: {  	_ =	shalt  }
0x48: {  	_ =	shalt  }
0x49: {  	_ =	shalt  }
0x4a: {  	_ =	shalt  }
0x4b: {  	_ =	shalt  }
0x4c: {  	_ =	shalt  }
0x4d: {  	_ =	shalt  }
0x4e: {  	_ =	shalt  }
0x4f: {  	_ =	shalt  }
0x50: {  	_ =	shalt  }
0x51: {  	_ =	shalt  }
0x52: {  	_ =	shalt  }
0x53: {  	_ =	shalt  }
0x54: {  	_ =	shalt  }
0x55: {  	_ =	shalt  }
0x56: {  	_ =	shalt  }
0x57: {  	_ =	shalt  }
0x58: {  	_ =	shalt  }
0x59: {  	_ =	shalt  }
0x5a: {  	_ =	shalt  }
0x5b: {  	_ =	shalt  }
0x5c: {  	_ =	shalt  }
0x5d: {  	_ =	shalt  }
0x5e: {  	_ =	shalt  }
0x5f: {  	_ =	shalt  }
0x60: {  	_ =	shalt  }
0x61: {  	_ =	shalt  }
0x62: {  	_ =	shalt  }
0x63: {  	_ =	shalt  }
0x64: {  	_ =	shalt  }
0x65: {  	_ =	shalt  }
0x66: {  	_ =	shalt  }
0x67: {  	_ =	shalt  }
0x68: {  	_ =	shalt  }
0x69: {  	_ =	shalt  }
0x6a: {  	_ =	shalt  }
0x6b: {  	_ =	shalt  }
0x6c: {  	_ =	shalt  }
0x6d: {  	_ =	shalt  }
0x6e: {  	_ =	shalt  }
0x6f: {  	_ =	shalt  }
0x70: {  	_ =	shalt  }
0x71: {  	_ =	shalt  }
0x72: {  	_ =	shalt  }
0x73: {  	_ =	shalt  }
0x74: {  	_ =	shalt  }
0x75: {  	_ =	shalt  }
0x76: {  	_ =	shalt  }
0x77: {  	_ =	shalt  }
0x78: {  	_ =	shalt  }
0x79: {  	_ =	shalt  }
0x7a: {  	_ =	shalt  }
0x7b: {  	_ =	shalt  }
0x7c: {  	_ =	shalt  }
0x7d: {  	_ =	shalt  }
0x7e: {  	_ =	shalt  }
0x7f: {  	_ =	shalt  }
0x80: {  	_ =	shalt  }
0x81: {  	_ =	shalt  }
0x82: {  	_ =	shalt  }
0x83: {  	_ =	shalt  }
0x84: {  	_ =	shalt  }
0x85: {  	_ =	shalt  }
0x86: {  	_ =	shalt  }
0x87: {  	_ =	shalt  }
.Lfunc_end0:
.L_simem_size_0:
called_computation_lowered:
.L_overlay_start_0:
0x88: {  	s2 =	sld [smem:$0x3FD9]  }
0x89: {  	s3 =	sld [smem:$0x3FFE];
	_ =	sdelay $0x1  }
0x8a: {  	s1 =	srdreg.scid  }
0x8b: {  	s0 =	sand.u32 $0x1, s1  }
0x8c: {  	s17 =	sshll.u32 s0, $0xA;
	s2 =	sadd.s32 s3, s2  }
0x8d: {  	s2 =	sadd.s32 s2, s17  }
0x8e: {  	[smem:$0x3FC0] =	sst s2  }
0x8f: {  	_ = 	snop  }
0x90: {  	s2 =	sld [smem:$0x3FD0];
	(tm) =	ssettm $0x1  }
0x91: {  	s18 =	sld [smem:$0x3FFB];
	_ =	sdelay $0x3  }
0x92: {  	_ =	strace s18  }
0x93: {  	s3 =	sld [smem:$0x3FFC];
	_ =	sdelay $0x3  }
0x94: {  	_ =	strace s3  }
0x95: {  	s3 =	sld [smem:$0x3FFD];
	_ =	sdelay $0x3  }
0x96: {  	_ =	strace s3  }
0x97: {  	_ =	strace $0x8FFFFFFF  }
0x98: {  	s19 =	sld [smem:$0x3FDB];
	_ =	sdelay $0x1  }
0x99: {  	s4 =	simm.s32 $_scs_section_size  }
0x9a: {  	s5 =	simm.s32 $_size__tile_overlayer_lowered;
	s6 =	simm.s32 $_tile_overlayer_lowered  }
0x9b: {  	s22 =	simm.s32 $0x1BFF;
	s21 =	sshll.u32 s6, $0x1;
	s3 =	sadd.s32 s4, s19  }
0x9c: {  	s7 =	simm.s32 $0x0;
	s20 =	sshll.u32 s5, $0x1;
	s5 =	sadd.s32 s21, s3  }
0x9d: {  	[timem:s7], [sflag:s22] =	dma.local [hbm:s5], s20  }
0x9e: {  	_ =	swait.ge [sflag:s22], s20  }
0x9f: {  	s4 =	ssub.s32 $0x0, s20;
	[sflag:s22] =	ssyncset.done $0x0  }
0xa0: {  	[sflag:s22] =	ssyncadd.s32 s4;
	_ =	sdelay $0x1  }
0xa1: {  	s23 =	simm.s32 $0x1B8B  }
0xa2: {  	_ =	swait.ge [sflag:s23], $0x1  }
0xa3: {  	[sflag:s23] =	ssyncset.done $0x0  }
0xa4: {  	s25 =	simm.s32 $0x1B8E;
	s24 =	sld [smem:$0x3FFE];
	[sflag:s23] =	ssyncadd.s32 $0xFFFFFFFF  }
0xa5: {  	s26 =	simm.s32 $execute0_lowered;
	[smem:$0x3FD2] =	sst s25  }
0xa6: {  	s5 =	sshll.u32 s26, $0x1;
	_ =	strace $0x80000046;
	[dreg:$0x1] =	wrdreg $0xFFFFFFFF  }
0xa7: {  	s28 =	simm.s32 $_size_execute0_lowered;
	s3 =	sadd.s32 s3, s5;
	[dreg:$0x0] =	wrdreg $0x0  }
0xa8: {  	s5 =	sshll.u32 s28, $0x1;
	[dreg:$0x2] =	wrdreg s3  }
0xa9: {  	[dreg:$0x3] =	wrdreg s5  }
0xaa: {  	[dreg:$0x4] =	wrdreg $0xC0  }
0xab: {  	_ =	task [dreg:s7], $0x5FFFF  }
0xac: {  	[dreg:$0x1] =	wrdreg $0xFFFFFFFF  }
0xad: {  	[dreg:$0x0] =	wrdreg $0x60  }
0xae: {  	[dreg:$0x2] =	wrdreg s24  }
0xaf: {  	[dreg:$0x3] =	wrdreg s2  }
0xb0: {  	[dreg:$0x4] =	wrdreg $0x27600  }
0xb1: {  	[dreg:$0x5] =	wrdreg $0x9  }
0xb2: {  	_ =	task.clear_ibuf [dreg:s7], $0x6FFFF;
	_ =	strace $0x90000046  }
0xb3: {  	s29 =	simm.s32 $0x9;
	_ =	strace $0x80000048  }
0xb4: {  	_ =	swait.ge [sflag:s29], $0x1  }
0xb5: {  	[sflag:s29] =	ssyncadd.s32 $0xFFFFFFFF  }
0xb6: {  	_ =	strace $0x90000048  }
0xb7: {  	_ =	sfence  }
0xb8: {  	s30 =	sld [smem:$0x0];
	_ =	sdelay $0x2  }
0xb9: {  	s31 =	sshll.u32 s1, $0xD;
	s1 =	sshrl.u32 s1, $0x2  }
0xba: {  	s3 =	sand.u32 $0x4000, s31;
	s1 =	sadd.s32 s1, s30  }
0xbb: {  	s0 =	sor.u32 s3, s0;
	s1 =	sshll.u32 s1, $0x11  }
0xbc: {  	s0 =	sor.u32 s1, s0  }
0xbd: {  	s0 =	sadd.s32 $0x8F2B, s0  }
0xbe: {  	[sflag:s0] =	ssyncadd.remote.s32 $0x1  }
0xbf: {  	_ =	sfence.sel $0xFFFF  }
0xc0: {  	[dreg:$0x0] =	wrdreg $0xFFFFFFFF;
	(pc) =	sbr.abs _section_cstart, $3  }
0xc1: {  	[dreg:$0x1] =	wrdreg $0xFFFFFFFF  }
0xc2: {  	_ =	task.clear_ibuf [dreg:s7], $0x2FFFF;
	_ =	strace $0x9FFFFFFF  }
0xc3: {  	(tm) =	ssettm $0x7FFFFFFF  }
tec
execute0_lowered:
.L_overlay_start_1:
0x0: {  	(tag) =	ssettag $0x1  }
0x1: {  	s5 =	rddreg [dreg:$0x0]  }
0x2: {  	s0 =	srdreg.scid;
	s6 =	rddreg [dreg:$0x1]  }
0x3: {  	s2 =	rddreg [dreg:$0x2];
	s3 =	simm.s32 $0x0;
	s12 =	simm.s32 $0x2710  }
0x4: {  	s13 =	simm.s32 $0x0;
	s4 =	sand.u32 $0x1, s0;
	s0 =	stileid.u32  }
0x5: {  	[smem:$0x7FF] =	sst s3;
	s1 =	sshll.u32 s4, $0x4;
	s8 =	smul.u32 $0x280, s0  }
0x6: {  	s9 =	ssub.s32 $0x2, s4;
	s10 =	smul.u32 $0x2800, s4;
	s4 =	sadd.s32 $0xC200, s5  }
0x7: {  	s31 =	sshll.u32 s0, $0x6;
	s1 =	sor.u32 s0, s1;
	s11 =	sshrl.u32 s9, $0x1  }
0x8: {  	s7 =	smul.u32 $0x4E2, s1;
	s1 =	rddreg [dreg:$0x3];
	_ =	strace $0x80000047  }
0x9: {  	s9 =	ssub.s32 s9, s11;
	s10 =	sadd.s32 s8, s10;
	s29 =	sadd.s32 s8, s2  }
0xa: {  	s8 =	simm.s32 $0x1;
	s11 =	simm.s32 $0x50;
	s30 =	sshrl.u32 s10, $0x3  }
0xb: {  	s10 =	sshrl.u32 s29, $0x3;
	s7 =	sadd.s32 s7, s5;
	s6 =	sadd.s32 s6, s30  }
0xc: {  	v0 =	vimm.f32 $1.000000000e+00;
	s5 =	sadd.s32 $0x2400, s7;
	s7 =	smax.u32 s9, $0x1;
	s9 =	sor.u32 $0x1C01, s31  }
.LBB2_1:
0xd: {  	[tilespmem:s3], [sflag:$0x1] =	stream.linear.gather [hbm4b:s5+s3], $0x2710, $0x38;
	[tilespmem:$0x29E0] =	vst v63  }
0xe: {  	_ =	swait.ge [sflag:s8], $0x2710  }
0xf: {  	[sflag:s8] =	ssyncset.done $0x0  }
0x10: {  	[sflag:s8] =	ssyncadd.s32 $0xFFFFD8F0  }
0x11: {  	[tilespmem:$0x2710] =	vst v0  }
0x12: {  	[tilespmem:$0x2720] =	vst v0  }
0x13: {  	[tilespmem:$0x2730] =	vst v0  }
0x14: {  	[tilespmem:$0x2740] =	vst v0  }
0x15: {  	[tilespmem:$0x2750] =	vst v0  }
0x16: {  	[spmem:s10], [sflag:s9] =	dma.local [hbm:s4], $0x50  }
0x17: {  	_ =	swait.ge [sflag:s8], $0x50  }
0x18: {  	[sflag:s8] =	ssyncset.done $0x0  }
0x19: {  	[sflag:s8] =	ssyncadd.s32 $0xFFFFFFB0  }
0x1a: {  	s14 =	simm.s32 $0x0;
	[bflag:$0x0] =	sbarrier.arrive $0xFFFF  }
0x1b: {  	[spmem:s2] =	stream.indirect.scatter.add.f32 [tilespmem:s12], [sflag:$0x1], $0x1, s14, s11, $0xb8;
	[tilespmem:$0x29E0] =	vst v63  }
0x1c: {  	_ =	swait.ge [sflag:s8], $0x50  }
0x1d: {  	s14 =	simm.s32 $0x140;
	[sflag:s8] =	ssyncset.done $0x0  }
.LBB2_2:
0x1e: {  	s15 =	sshra.s32 s14, $0x2;
	[sflag:s8] =	ssyncadd.s32 $0xFFFFFFB0;
	p0 =	sne.s32 s14, $0x9B00  }
0x1f: {  	[spmem:s2] =	stream.indirect.scatter.add.f32 [tilespmem:s12], [sflag:$0x1], $0x1, s15, s11, $0xb8;
	[tilespmem:$0x29E0] =	vst v63  }
.Ltmp0:
0x20: {  	_ = 	snop;
	(pc) =	sbr.rel @p0 .LBB2_2-.Ltmp0, $4  }
0x21: {  	_ = 	snop  }
0x22: {  	s14 =	sadd.s32 $0x140, s14  }
0x23: {  	_ =	swait.ge [sflag:s8], $0x50  }
0x24: {  	[sflag:s8] =	ssyncset.done $0x0  }
0x25: {  	s13 =	sadd.s32 $0x1, s13  }
0x26: {  	[sflag:s8] =	ssyncadd.s32 $0xFFFFFFB0;
	p0 =	sne.s32 s13, s7  }
.Ltmp1:
0x27: {  	[bflag:$0x0] =	sbarrier.arrive $0xFFFF;
	(pc) =	sbr.rel @p0 .LBB2_1-.Ltmp1, $4  }
0x28: {  	[hbm:s6], [sflag:s9] =	dma.local [spmem:s10], $0x50  }
0x29: {  	_ =	swait.ge [sflag:s8], $0x50  }
0x2a: {  	[sflag:s8] =	ssyncset.done $0x0  }
0x2b: {  	[sflag:s8] =	ssyncadd.s32 $0xFFFFFFB0  }
0x2c: {  	_ =	sfence.sel $0x180000  }
0x2d: {  	[bflag:$0x0] =	sbarrier.arrive $0xFFFF  }
0x2e: {  	p0 =	sne.s32 s0, $0x0;
	_ =	strace $0x90000047  }
0x2f: {  	s0 =	sadd.s32 @!p0 $0x100000, s1;
	[bflag:$0x2] =	sbarrier.arrive $0xFFFF  }
0x30: {  	[sflag:s0] =	ssyncadd.tile.s32 @!p0 $0x1;
	_ =	shalt  }
.Lfunc_end2:
_tile_overlayer_lowered:
.L_overlay_start_2:
0x31: {  	(tag) =	ssettag $0x2  }
0x32: {  	s0 =	rddreg [dreg:$0x0];
	s2 =	stileid.u32  }
0x33: {  	s1 =	rddreg [dreg:$0x1];
	p0 =	sne.s32 s2, $0x0  }
0x34: {  	s3 =	rddreg [dreg:$0x2];
	[bflag:$0x3] =	sbarrier.arrive $0xFFFF;
	s2 =	simm.s32 @!p0 $0x1C01  }
0x35: {  	[timem:s3], [sflag:s2] =	dma.local @!p0 [hbm:s0], s1  }
0x36: {  	s0 =	simm.s32 @!p0 $0x1  }
0x37: {  	_ =	swait.ge @!p0 [sflag:s0], s1  }
0x38: {  	s1 =	ssub.s32 @!p0 $0x0, s1;
	[sflag:s0] =	ssyncset.done @!p0 $0x0  }
0x39: {  	[sflag:s0] =	ssyncadd.s32 @!p0 s1  }
0x3a: {  	[bflag:$0x3] =	sbarrier.arrive $0xFFFF  }
0x3b: {  	_ =	shalt  }

// kernel: kernel.13.cloned.1.call-start
scs
__scs_entry_jumppad:
0x0: {  	(pc) =	sbr.rel $0x88, $3  }
0x1: {  	(tag) =	ssettag $0x0;
	lr =	simm.s32 $0x1  }
0x2: {  	[smem:$0x3F99] =	sst lr;
	_ =	strace $0xD0000000  }
0x3: {  	_ = 	snop  }
0x4: {  	_ = 	snop  }
0x5: {  	_ = 	snop  }
0x6: {  	_ = 	snop  }
0x7: {  	_ = 	snop  }
__scs_overlays_trampoline_lowered:
0x8: {  	[smem:$0x3FA8] =	sst s0  }
0x9: {  	[smem:$0x3FA9] =	sst s1  }
0xa: {  	[smem:$0x3FAA] =	sst s2  }
0xb: {  	[smem:$0x3FAB] =	sst s3  }
0xc: {  	[smem:$0x3FAC] =	sst s4  }
0xd: {  	[smem:$0x3FAD] =	sst s5  }
0xe: {  	[smem:$0x3FAE] =	sst s6  }
0xf: {  	[smem:$0x3FAF] =	sst s7  }
0x10: {  	[smem:$0x3FB0] =	sst s8  }
0x11: {  	[smem:$0x3FB1] =	sst s9;
	s0 =	simm.s32 @!p0 $0x0  }
0x12: {  	s1 =	sld [smem:$0x3F97];
	s0 =	simm.s32 @p0 $0x1  }
0x13: {  	[smem:$0x3FB2] =	sst s0;
	s0 =	simm.s32 @!p1 $0x0  }
0x14: {  	s2 =	sld [smem:$0x3F96];
	s0 =	simm.s32 @p1 $0x1  }
0x15: {  	[smem:$0x3FB3] =	sst s0;
	s0 =	simm.s32 @!p2 $0x0  }
0x16: {  	s3 =	sld [smem:$0x3FDB];
	s0 =	simm.s32 @p2 $0x1  }
0x17: {  	s4 =	simm.s32 $0x1BF5;
	[smem:$0x3FB5] =	sst s0  }
0x18: {  	s0 =	sld [smem:$0x3F98];
	_ =	swait.ge [sflag:s4], $0x0  }
0x19: {  	s7 =	sld [smem:$0x3F99]  }
0x1a: {  	s8 =	sadd.s32 $0xFFFFE003, lr  }
0x1b: {  	s9 =	sadd.s32 $0xFFFFFEF7, lr;
	s5 =	simm.s32 $0xFFFFFFFF;
	p2 =	slt.u32 s8, $0xFFFFF086  }
0x1c: {  	p1 =	slt.u32 s9, $0xF7A;
	s5 =	simm.s32 @!p2 $0x0  }
0x1d: {  	s5 =	simm.s32 @p1 $0x1;
	p0 =	seq.s32 s7, s2  }
0x1e: {  	s7 =	smul.u32 @!p0 $0xF7A, s2;
	p2 =	seq.s32 @!p0 s5, $0x0  }
0x1f: {  	s9 =	smul.u32 $0xF7A, s1;
	s8 =	simm.s32 @!p0 $0x1BF5;
	p2 =	por !p2, p0  }
0x20: {  	[sflag:s8] =	ssyncset.s32 @!p0 $0xFFFFF086;
	s6 =	sadd.s32 @!p0 s3, s7;
	s7 =	simm.s32 @!p0 $0x108  }
0x21: {  	s3 =	sadd.s32 s3, s9;
	s6 =	sadd.s32 @!p0 $0x88, s6;
	s7 =	simm.s32 @p2 $0x1082  }
0x22: {  	[simem:s7], [sflag:s8] =	dma.local @!p0 [hbm:s6], $0xF7A  }
0x23: {  	s9 =	sor.u32 $0xD0000000, s2;
	s6 =	simm.s32 $0x108;
	_ =	swait.ge @!p0 [sflag:s8], $0x0  }
0x24: {  	s3 =	sadd.s32 $0x88, s3;
	s6 =	simm.s32 @!p1 $0x1082;
	[sflag:s4] =	ssyncset.s32 $0xFFFFF086  }
0x25: {  	[simem:s6], [sflag:s4] =	dma.local [hbm:s3], $0xF7A  }
0x26: {  	[smem:$0x3F99] =	sst s1;
	(tag) =	ssettag s2;
	_ =	strace s9  }
0x27: {  	s1 =	sld [smem:$0x3FA9]  }
0x28: {  	s2 =	sld [smem:$0x3FAA]  }
0x29: {  	s4 =	sld [smem:$0x3FAC]  }
0x2a: {  	p0 =	seq.s32 s5, $0x0;
	s5 =	sld [smem:$0x3FAD]  }
0x2b: {  	s6 =	sld [smem:$0x3FAE]  }
0x2c: {  	s7 =	sld [smem:$0x3FAF]  }
0x2d: {  	s3 =	simm.s32 $0x108;
	s8 =	sld [smem:$0x3FB0]  }
0x2e: {  	s3 =	simm.s32 @!p0 $0x1082;
	s9 =	sld [smem:$0x3FB1]  }
0x2f: {  	lr =	sadd.s32 s0, s3;
	s0 =	sld [smem:$0x3FA8]  }
0x30: {  	s3 =	sld [smem:$0x3FAB]  }
0x31: {  	[smem:$0x3FB4] =	sst s10  }
0x32: {  	s10 =	sld [smem:$0x3FB2];
	_ =	sdelay $0x3  }
0x33: {  	p0 =	seq.s32 s10, $0x1;
	s10 =	sld [smem:$0x3FB4];
	_ =	sdelay $0x3  }
0x34: {  	[smem:$0x3FB4] =	sst s10  }
0x35: {  	s10 =	sld [smem:$0x3FB3];
	_ =	sdelay $0x3  }
0x36: {  	p1 =	seq.s32 s10, $0x1;
	s10 =	sld [smem:$0x3FB4];
	_ =	sdelay $0x3  }
0x37: {  	[smem:$0x3FB4] =	sst s10  }
0x38: {  	s10 =	sld [smem:$0x3FB5]  }
0x39: {  	_ = 	snop;
	(pc) =	sbr.ind lr, $3  }
0x3a: {  	_ = 	snop  }
0x3b: {  	_ = 	snop  }
0x3c: {  	p2 =	seq.s32 s10, $0x1;
	s10 =	sld [smem:$0x3FB4]  }
0x3d: {  	_ =	shalt  }
0x3e: {  	_ =	shalt  }
0x3f: {  	_ =	shalt  }
0x40: {  	_ =	shalt  }
0x41: {  	_ =	shalt  }
0x42: {  	_ =	shalt  }
0x43: {  	_ =	shalt  }
0x44: {  	_ =	shalt  }
0x45: {  	_ =	shalt  }
0x46: {  	_ =	shalt  }
0x47: {  	_ =	shalt  }
0x48: {  	_ =	shalt  }
0x49: {  	_ =	shalt  }
0x4a: {  	_ =	shalt  }
0x4b: {  	_ =	shalt  }
0x4c: {  	_ =	shalt  }
0x4d: {  	_ =	shalt  }
0x4e: {  	_ =	shalt  }
0x4f: {  	_ =	shalt  }
0x50: {  	_ =	shalt  }
0x51: {  	_ =	shalt  }
0x52: {  	_ =	shalt  }
0x53: {  	_ =	shalt  }
0x54: {  	_ =	shalt  }
0x55: {  	_ =	shalt  }
0x56: {  	_ =	shalt  }
0x57: {  	_ =	shalt  }
0x58: {  	_ =	shalt  }
0x59: {  	_ =	shalt  }
0x5a: {  	_ =	shalt  }
0x5b: {  	_ =	shalt  }
0x5c: {  	_ =	shalt  }
0x5d: {  	_ =	shalt  }
0x5e: {  	_ =	shalt  }
0x5f: {  	_ =	shalt  }
0x60: {  	_ =	shalt  }
0x61: {  	_ =	shalt  }
0x62: {  	_ =	shalt  }
0x63: {  	_ =	shalt  }
0x64: {  	_ =	shalt  }
0x65: {  	_ =	shalt  }
0x66: {  	_ =	shalt  }
0x67: {  	_ =	shalt  }
0x68: {  	_ =	shalt  }
0x69: {  	_ =	shalt  }
0x6a: {  	_ =	shalt  }
0x6b: {  	_ =	shalt  }
0x6c: {  	_ =	shalt  }
0x6d: {  	_ =	shalt  }
0x6e: {  	_ =	shalt  }
0x6f: {  	_ =	shalt  }
0x70: {  	_ =	shalt  }
0x71: {  	_ =	shalt  }
0x72: {  	_ =	shalt  }
0x73: {  	_ =	shalt  }
0x74: {  	_ =	shalt  }
0x75: {  	_ =	shalt  }
0x76: {  	_ =	shalt  }
0x77: {  	_ =	shalt  }
0x78: {  	_ =	shalt  }
0x79: {  	_ =	shalt  }
0x7a: {  	_ =	shalt  }
0x7b: {  	_ =	shalt  }
0x7c: {  	_ =	shalt  }
0x7d: {  	_ =	shalt  }
0x7e: {  	_ =	shalt  }
0x7f: {  	_ =	shalt  }
0x80: {  	_ =	shalt  }
0x81: {  	_ =	shalt  }
0x82: {  	_ =	shalt  }
0x83: {  	_ =	shalt  }
0x84: {  	_ =	shalt  }
0x85: {  	_ =	shalt  }
0x86: {  	_ =	shalt  }
0x87: {  	_ =	shalt  }
.Lfunc_end0:
.L_simem_size_0:
called_computation.1_lowered:
.L_overlay_start_0:
0x88: {  	s2 =	sld [smem:$0x3FD9]  }
0x89: {  	s3 =	sld [smem:$0x3FFE];
	_ =	sdelay $0x1  }
0x8a: {  	s1 =	srdreg.scid  }
0x8b: {  	s0 =	sand.u32 $0x1, s1  }
0x8c: {  	s16 =	sshll.u32 s0, $0xA;
	s2 =	sadd.s32 s3, s2  }
0x8d: {  	s2 =	sadd.s32 s2, s16  }
0x8e: {  	[smem:$0x3FC0] =	sst s2  }
0x8f: {  	_ = 	snop  }
0x90: {  	(tm) =	ssettm $0x1  }
0x91: {  	s17 =	sld [smem:$0x3FFB];
	_ =	sdelay $0x3  }
0x92: {  	_ =	strace s17  }
0x93: {  	s2 =	sld [smem:$0x3FFC];
	_ =	sdelay $0x3  }
0x94: {  	_ =	strace s2  }
0x95: {  	s2 =	sld [smem:$0x3FFD];
	_ =	sdelay $0x3  }
0x96: {  	_ =	strace s2  }
0x97: {  	_ =	strace $0x8FFFFFFF  }
0x98: {  	s18 =	sld [smem:$0x3FDB];
	_ =	sdelay $0x1  }
0x99: {  	s19 =	simm.s32 $_scs_section_size  }
0x9a: {  	s4 =	simm.s32 $_size__tile_overlayer_lowered;
	s5 =	simm.s32 $_tile_overlayer_lowered  }
0x9b: {  	s22 =	simm.s32 $0x1BFF;
	s21 =	sshll.u32 s5, $0x1;
	s2 =	sadd.s32 s19, s18  }
0x9c: {  	s6 =	simm.s32 $0x0;
	s20 =	sshll.u32 s4, $0x1;
	s4 =	sadd.s32 s21, s2  }
0x9d: {  	[timem:s6], [sflag:s22] =	dma.local [hbm:s4], s20  }
0x9e: {  	_ =	swait.ge [sflag:s22], s20  }
0x9f: {  	s3 =	ssub.s32 $0x0, s20;
	[sflag:s22] =	ssyncset.done $0x0  }
0xa0: {  	[sflag:s22] =	ssyncadd.s32 s3;
	_ =	sdelay $0x1  }
0xa1: {  	s23 =	simm.s32 $0x1B8B  }
0xa2: {  	_ =	swait.ge [sflag:s23], $0x1  }
0xa3: {  	[sflag:s23] =	ssyncset.done $0x0  }
0xa4: {  	s25 =	simm.s32 $0x1B8E;
	s24 =	sld [smem:$0x3FFE];
	[sflag:s23] =	ssyncadd.s32 $0xFFFFFFFF  }
0xa5: {  	s26 =	simm.s32 $execute0_lowered;
	[smem:$0x3FD2] =	sst s25  }
0xa6: {  	s4 =	sshll.u32 s26, $0x1;
	_ =	strace $0x80000049;
	[dreg:$0x1] =	wrdreg $0xFFFFFFFF  }
0xa7: {  	s28 =	simm.s32 $_size_execute0_lowered;
	s2 =	sadd.s32 s2, s4;
	[dreg:$0x0] =	wrdreg $0x0  }
0xa8: {  	s4 =	sshll.u32 s28, $0x1;
	[dreg:$0x2] =	wrdreg s2  }
0xa9: {  	[dreg:$0x3] =	wrdreg s4  }
0xaa: {  	[dreg:$0x4] =	wrdreg $0xC0  }
0xab: {  	_ =	task [dreg:s6], $0x5FFFF  }
0xac: {  	[dreg:$0x1] =	wrdreg $0xFFFFFFFF  }
0xad: {  	[dreg:$0x0] =	wrdreg $0x60  }
0xae: {  	[dreg:$0x2] =	wrdreg s24  }
0xaf: {  	[dreg:$0x3] =	wrdreg $0x9E200  }
0xb0: {  	[dreg:$0x4] =	wrdreg $0x13E200  }
0xb1: {  	[dreg:$0x5] =	wrdreg $0x9  }
0xb2: {  	_ =	task.clear_ibuf [dreg:s6], $0x6FFFF;
	_ =	strace $0x90000049  }
0xb3: {  	s29 =	simm.s32 $0x9;
	_ =	strace $0x8000004B  }
0xb4: {  	_ =	swait.ge [sflag:s29], $0x1  }
0xb5: {  	[sflag:s29] =	ssyncadd.s32 $0xFFFFFFFF  }
0xb6: {  	_ =	strace $0x9000004B  }
0xb7: {  	_ =	sfence  }
0xb8: {  	s30 =	sld [smem:$0x0];
	_ =	sdelay $0x2  }
0xb9: {  	s31 =	sshll.u32 s1, $0xD;
	s1 =	sshrl.u32 s1, $0x2  }
0xba: {  	s3 =	sand.u32 $0x4000, s31;
	s1 =	sadd.s32 s1, s30  }
0xbb: {  	s0 =	sor.u32 s3, s0;
	s1 =	sshll.u32 s1, $0x11  }
0xbc: {  	s0 =	sor.u32 s1, s0  }
0xbd: {  	s0 =	sadd.s32 $0x8F2B, s0  }
0xbe: {  	[sflag:s0] =	ssyncadd.remote.s32 $0x1  }
0xbf: {  	_ =	sfence.sel $0xFFFF  }
0xc0: {  	[dreg:$0x0] =	wrdreg $0xFFFFFFFF;
	(pc) =	sbr.abs _section_cstart, $3  }
0xc1: {  	[dreg:$0x1] =	wrdreg $0xFFFFFFFF  }
0xc2: {  	_ =	task.clear_ibuf [dreg:s6], $0x2FFFF;
	_ =	strace $0x9FFFFFFF  }
0xc3: {  	(tm) =	ssettm $0x7FFFFFFF  }
tec
execute0_lowered:
.L_overlay_start_1:
0x0: {  	(tag) =	ssettag $0x1  }
0x1: {  	s0 =	rddreg [dreg:$0x0]  }
0x2: {  	s2 =	rddreg [dreg:$0x1]  }
0x3: {  	s1 =	srdreg.scid;
	s3 =	rddreg [dreg:$0x2]  }
0x4: {  	s11 =	stileid.u32;
	s4 =	simm.s32 $0x0;
	s12 =	simm.s32 $0x2710  }
0x5: {  	s16 =	simm.s32 $0x50;
	s17 =	simm.s32 $0x4E20;
	s18 =	simm.s32 $0x6220  }
0x6: {  	s19 =	simm.s32 $0x1;
	s21 =	simm.s32 $0x7620;
	s22 =	simm.s32 $0x2  }
0x7: {  	s29 =	simm.s32 $0x5;
	s31 =	simm.s32 $0x4;
	s23 =	simm.s32 $0x7  }
0x8: {  	s24 =	simm.s32 $0x8;
	s30 =	simm.s32 $0x0;
	s1 =	sand.u32 $0x1, s1  }
0x9: {  	s9 =	smul.u32 $0xA000, s11;
	[smem:$0x7FF] =	sst s4;
	s28 =	sshll.u32 s11, $0x6  }
0xa: {  	s5 =	sshll.u32 s1, $0x4;
	s6 =	smul.u32 $0xA0000, s1;
	_ =	strace $0x8000004A  }
0xb: {  	s1 =	ssub.s32 $0x2, s1;
	s13 =	sor.u32 $0x1C09, s28;
	s5 =	sor.u32 s11, s5  }
0xc: {  	s7 =	sshrl.u32 s9, $0x3;
	s26 =	sshrl.u32 s1, $0x1;
	s14 =	sadd.s32 s9, s2  }
0xd: {  	s15 =	sadd.s32 s9, s3;
	s11 =	simm.s32 $0x9;
	s5 =	smul.u32 $0x4E2, s5  }
0xe: {  	s8 =	sadd.s32 s7, s0;
	s6 =	sadd.s32 s9, s6;
	s1 =	ssub.s32 s1, s26  }
.Ltmp0:
0xf: {  	s14 =	sshrl.u32 s14, $0x3;
	s15 =	sshrl.u32 s15, $0x3;
	(pc) =	sbr.rel .LBB2_1-.Ltmp0, $4  }
0x10: {  	s26 =	simm.s32 $0x3;
	s6 =	sshrl.u32 s6, $0x3;
	s8 =	sadd.s32 $0x16200, s8  }
0x11: {  	s10 =	smax.u32 s1, $0x1;
	s1 =	simm.s32 $0x6;
	s25 =	sadd.s32 s5, s0  }
0x12: {  	s5 =	sadd.s32 $0x2A200, s0;
	s0 =	sadd.s32 s6, s0;
	s6 =	sadd.s32 $0xC400, s25  }
0x13: {  	s7 =	sadd.s32 $0x2400, s25;
	s9 =	sadd.s32 $0x2B600, s0;
	s25 =	simm.s32 $0x8A20  }
.LBB2_4:
0x14: {  	_ =	swait.ge [sflag:s19], $0x1400  }
0x15: {  	[sflag:s19] =	ssyncset.done $0x0  }
0x16: {  	s0 =	simm.s32 $0x4DD0;
	[sflag:s19] =	ssyncadd.s32 $0xFFFFEC00  }
0x17: {  	[spmem:s3] =	stream.indirect.scatter.add.f32 [tilespmem:s17], [sflag:$0x5], $0x40, s0, s16, $0xb8;
	[tilespmem:$0x1DE20] =	vst v63  }
0x18: {  	_ =	swait.ge [sflag:s23], $0x1400  }
0x19: {  	[sflag:s23] =	ssyncset.done $0x0  }
0x1a: {  	[sflag:s23] =	ssyncadd.s32 $0xFFFFEC00  }
0x1b: {  	_ =	swait.ge [sflag:s24], $0x1400  }
0x1c: {  	[sflag:s24] =	ssyncset.done $0x0  }
0x1d: {  	[sflag:s24] =	ssyncadd.s32 $0xFFFFEC00  }
0x1e: {  	_ =	swait.ge [sflag:s29], $0x1400  }
0x1f: {  	s30 =	sadd.s32 $0x1, s30;
	[sflag:s29] =	ssyncset.done $0x0  }
0x20: {  	p0 =	sne.s32 s30, s10;
	[sflag:s29] =	ssyncadd.s32 $0xFFFFEC00  }
.Ltmp1:
0x21: {  	[bflag:$0x0] =	sbarrier.arrive $0xFFFF;
	(pc) =	sbr.rel @!p0 .LBB2_5-.Ltmp1, $4  }
0x22: {  	[hbm:s9], [sflag:s13] =	dma.local [spmem:s15], $0x1400  }
0x23: {  	_ =	swait.ge [sflag:s11], $0x1400  }
0x24: {  	[sflag:s11] =	ssyncset.done $0x0  }
0x25: {  	[sflag:s11] =	ssyncadd.s32 $0xFFFFEC00  }
.LBB2_1:
0x26: {  	[tilespmem:s4], [sflag:$0x9] =	stream.linear.gather [hbm4b:s6+s4], $0x2710, $0x38;
	[tilespmem:$0x1DE20] =	vst v63  }
0x27: {  	_ =	swait.ge [sflag:s11], $0x2710  }
0x28: {  	[sflag:s11] =	ssyncset.done $0x0  }
0x29: {  	[sflag:s11] =	ssyncadd.s32 $0xFFFFD8F0  }
0x2a: {  	[tilespmem:s12], [sflag:$0x9] =	stream.linear.gather [hbm4b:s7+s4], $0x2710, $0x38;
	[tilespmem:$0x1DE20] =	vst v63  }
0x2b: {  	_ =	swait.ge [sflag:s11], $0x2710  }
0x2c: {  	[sflag:s11] =	ssyncset.done $0x0  }
0x2d: {  	[sflag:s11] =	ssyncadd.s32 $0xFFFFD8F0  }
0x2e: {  	[spmem:s14], [sflag:s13] =	dma.local [hbm:s8], $0x1400  }
0x2f: {  	_ =	swait.ge [sflag:s11], $0x1400  }
0x30: {  	[sflag:s11] =	ssyncset.done $0x0  }
0x31: {  	[sflag:s11] =	ssyncadd.s32 $0xFFFFEC00  }
0x32: {  	[spmem:s15], [sflag:s13] =	dma.local [hbm:s5], $0x1400  }
0x33: {  	_ =	swait.ge [sflag:s11], $0x1400  }
0x34: {  	[sflag:s11] =	ssyncset.done $0x0  }
0x35: {  	[sflag:s11] =	ssyncadd.s32 $0xFFFFEC00  }
0x36: {  	[bflag:$0x0] =	sbarrier.arrive $0xFFFF  }
0x37: {  	[tilespmem:s17], [sflag:$0x1] =	stream.indirect.gather [spmem:s2], $0x40, s4, s16, $0xb8;
	[tilespmem:$0x1DE20] =	vst v63  }
0x38: {  	_ = 	snop  }
0x39: {  	[tilespmem:s18], [sflag:$0x2] =	stream.indirect.gather [spmem:s2], $0x40, s16, s16, $0xb8;
	[tilespmem:$0x1DE20] =	vst v63  }
0x3a: {  	_ =	swait.ge [sflag:s19], $0x1400  }
0x3b: {  	[sflag:s19] =	ssyncset.done $0x0  }
0x3c: {  	[sflag:s19] =	ssyncadd.s32 $0xFFFFEC00  }
0x3d: {  	[spmem:s3] =	stream.indirect.scatter.add.f32 [tilespmem:s17], [sflag:$0x5], $0x40, s12, s16, $0xb8;
	[tilespmem:$0x1DE20] =	vst v63  }
0x3e: {  	s0 =	simm.s32 $0xA0  }
0x3f: {  	[tilespmem:s21], [sflag:$0x3] =	stream.indirect.gather [spmem:s2], $0x40, s0, s16, $0xb8;
	[tilespmem:$0x1DE20] =	vst v63  }
0x40: {  	_ =	swait.ge [sflag:s22], $0x1400  }
0x41: {  	[sflag:s22] =	ssyncset.done $0x0  }
0x42: {  	s20 =	simm.s32 $0x2760;
	[sflag:s22] =	ssyncadd.s32 $0xFFFFEC00  }
0x43: {  	[spmem:s3] =	stream.indirect.scatter.add.f32 [tilespmem:s18], [sflag:$0x6], $0x40, s20, s16, $0xb8;
	[tilespmem:$0x1DE20] =	vst v63  }
0x44: {  	s28 =	simm.s32 $0xF0  }
0x45: {  	[tilespmem:s25], [sflag:$0x4] =	stream.indirect.gather [spmem:s2], $0x40, s28, s16, $0xb8;
	[tilespmem:$0x1DE20] =	vst v63  }
0x46: {  	_ =	swait.ge [sflag:s26], $0x1400  }
0x47: {  	[sflag:s26] =	ssyncset.done $0x0  }
0x48: {  	s20 =	simm.s32 $0x27B0;
	[sflag:s26] =	ssyncadd.s32 $0xFFFFEC00  }
0x49: {  	[spmem:s3] =	stream.indirect.scatter.add.f32 [tilespmem:s21], [sflag:$0x7], $0x40, s20, s16, $0xb8;
	[tilespmem:$0x1DE20] =	vst v63  }
0x4a: {  	_ =	swait.ge [sflag:s29], $0x1400  }
0x4b: {  	[sflag:s29] =	ssyncset.done $0x0  }
0x4c: {  	s28 =	simm.s32 $0x140;
	[sflag:s29] =	ssyncadd.s32 $0xFFFFEC00  }
0x4d: {  	[tilespmem:s17], [sflag:$0x1] =	stream.indirect.gather [spmem:s2], $0x40, s28, s16, $0xb8;
	[tilespmem:$0x1DE20] =	vst v63  }
0x4e: {  	_ =	swait.ge [sflag:s31], $0x1400  }
0x4f: {  	[sflag:s31] =	ssyncset.done $0x0  }
0x50: {  	s20 =	simm.s32 $0x2800;
	[sflag:s31] =	ssyncadd.s32 $0xFFFFEC00  }
0x51: {  	[spmem:s3] =	stream.indirect.scatter.add.f32 [tilespmem:s25], [sflag:$0x8], $0x40, s20, s16, $0xb8;
	[tilespmem:$0x1DE20] =	vst v63  }
0x52: {  	_ =	swait.ge [sflag:s1], $0x1400  }
0x53: {  	[sflag:s1] =	ssyncset.done $0x0  }
0x54: {  	s0 =	simm.s32 $0x0;
	s28 =	simm.s32 $0x190;
	[sflag:s1] =	ssyncadd.s32 $0xFFFFEC00  }
0x55: {  	[tilespmem:s18], [sflag:$0x2] =	stream.indirect.gather [spmem:s2], $0x40, s28, s16, $0xb8;
	[tilespmem:$0x1DE20] =	vst v63  }
.LBB2_2:
0x56: {  	_ =	swait.ge [sflag:s19], $0x1400  }
0x57: {  	s20 =	sshra.s32 s0, $0x2;
	[sflag:s19] =	ssyncset.done $0x0  }
0x58: {  	s28 =	sadd.s32 $0x2850, s20;
	[sflag:s19] =	ssyncadd.s32 $0xFFFFEC00  }
0x59: {  	[spmem:s3] =	stream.indirect.scatter.add.f32 [tilespmem:s17], [sflag:$0x5], $0x40, s28, s16, $0xb8;
	[tilespmem:$0x1DE20] =	vst v63  }
0x5a: {  	_ =	swait.ge [sflag:s23], $0x1400  }
0x5b: {  	[sflag:s23] =	ssyncset.done $0x0  }
0x5c: {  	s28 =	sadd.s32 $0x1E0, s20;
	[sflag:s23] =	ssyncadd.s32 $0xFFFFEC00  }
0x5d: {  	[tilespmem:s21], [sflag:$0x3] =	stream.indirect.gather [spmem:s2], $0x40, s28, s16, $0xb8;
	[tilespmem:$0x1DE20] =	vst v63  }
0x5e: {  	_ =	swait.ge [sflag:s22], $0x1400  }
0x5f: {  	[sflag:s22] =	ssyncset.done $0x0  }
0x60: {  	s28 =	sadd.s32 $0x28A0, s20;
	[sflag:s22] =	ssyncadd.s32 $0xFFFFEC00  }
0x61: {  	[spmem:s3] =	stream.indirect.scatter.add.f32 [tilespmem:s18], [sflag:$0x6], $0x40, s28, s16, $0xb8;
	[tilespmem:$0x1DE20] =	vst v63  }
0x62: {  	_ =	swait.ge [sflag:s24], $0x1400  }
0x63: {  	[sflag:s24] =	ssyncset.done $0x0  }
0x64: {  	s28 =	sadd.s32 $0x230, s20;
	[sflag:s24] =	ssyncadd.s32 $0xFFFFEC00  }
0x65: {  	[tilespmem:s25], [sflag:$0x4] =	stream.indirect.gather [spmem:s2], $0x40, s28, s16, $0xb8;
	[tilespmem:$0x1DE20] =	vst v63  }
0x66: {  	_ =	swait.ge [sflag:s26], $0x1400  }
0x67: {  	[sflag:s26] =	ssyncset.done $0x0  }
0x68: {  	s28 =	sadd.s32 $0x28F0, s20;
	[sflag:s26] =	ssyncadd.s32 $0xFFFFEC00  }
0x69: {  	[spmem:s3] =	stream.indirect.scatter.add.f32 [tilespmem:s21], [sflag:$0x7], $0x40, s28, s16, $0xb8;
	[tilespmem:$0x1DE20] =	vst v63  }
0x6a: {  	_ =	swait.ge [sflag:s29], $0x1400  }
0x6b: {  	[sflag:s29] =	ssyncset.done $0x0  }
0x6c: {  	s28 =	sadd.s32 $0x280, s20;
	[sflag:s29] =	ssyncadd.s32 $0xFFFFEC00  }
0x6d: {  	[tilespmem:s17], [sflag:$0x1] =	stream.indirect.gather [spmem:s2], $0x40, s28, s16, $0xb8;
	[tilespmem:$0x1DE20] =	vst v63  }
0x6e: {  	_ =	swait.ge [sflag:s31], $0x1400  }
0x6f: {  	p0 =	seq.s32 s0, $0x9100;
	[sflag:s31] =	ssyncset.done $0x0  }
.Ltmp2:
0x70: {  	s28 =	sadd.s32 $0x2940, s20;
	[sflag:s31] =	ssyncadd.s32 $0xFFFFEC00;
	(pc) =	sbr.rel @p0 .LBB2_4-.Ltmp2, $4  }
0x71: {  	[spmem:s3] =	stream.indirect.scatter.add.f32 [tilespmem:s25], [sflag:$0x8], $0x40, s28, s16, $0xb8;
	[tilespmem:$0x1DE20] =	vst v63  }
0x72: {  	_ =	swait.ge [sflag:s1], $0x1400  }
0x73: {  	[sflag:s1] =	ssyncset.done $0x0  }
0x74: {  	[sflag:s1] =	ssyncadd.s32 $0xFFFFEC00  }
.Ltmp3:
0x75: {  	(pc) =	sbr.rel .LBB2_2-.Ltmp3, $3  }
0x76: {  	_ =	sdelay $0x1  }
0x77: {  	s20 =	sadd.s32 $0x2D0, s20;
	s0 =	sadd.s32 $0x500, s0  }
0x78: {  	[tilespmem:s18], [sflag:$0x2] =	stream.indirect.gather [spmem:s2], $0x40, s20, s16, $0xb8;
	[tilespmem:$0x1DE20] =	vst v63  }
.LBB2_5:
0x79: {  	_ =	sfence.sel $0x180000  }
0x7a: {  	[bflag:$0x0] =	sbarrier.arrive $0xFFFF  }
0x7b: {  	_ =	strace $0x9000004A  }
0x7c: {  	s0 =	stileid.u32;
	[bflag:$0x2] =	sbarrier.arrive $0xFFFF  }
0x7d: {  	p0 =	sne.s32 s0, $0x0;
	s0 =	rddreg [dreg:$0x3]  }
0x7e: {  	s0 =	sadd.s32 @!p0 $0x100000, s0  }
0x7f: {  	[sflag:s0] =	ssyncadd.tile.s32 @!p0 $0x1;
	_ =	shalt  }
.Lfunc_end2:
_tile_overlayer_lowered:
.L_overlay_start_2:
0x80: {  	(tag) =	ssettag $0x2  }
0x81: {  	s0 =	rddreg [dreg:$0x0];
	s2 =	stileid.u32  }
0x82: {  	s1 =	rddreg [dreg:$0x1];
	p0 =	sne.s32 s2, $0x0  }
0x83: {  	s3 =	rddreg [dreg:$0x2];
	[bflag:$0x3] =	sbarrier.arrive $0xFFFF;
	s2 =	simm.s32 @!p0 $0x1C09  }
0x84: {  	[timem:s3], [sflag:s2] =	dma.local @!p0 [hbm:s0], s1  }
0x85: {  	s0 =	simm.s32 @!p0 $0x9  }
0x86: {  	_ =	swait.ge @!p0 [sflag:s0], s1  }
0x87: {  	s1 =	ssub.s32 @!p0 $0x0, s1;
	[sflag:s0] =	ssyncset.done @!p0 $0x0  }
0x88: {  	[sflag:s0] =	ssyncadd.s32 @!p0 s1  }
0x89: {  	[bflag:$0x3] =	sbarrier.arrive $0xFFFF  }
0x8a: {  	_ =	shalt  }

// kernel: kernel.16.cloned.1.call-start
scs
__scs_entry_jumppad:
0x0: {  	(pc) =	sbr.rel $0x88, $3  }
0x1: {  	(tag) =	ssettag $0x0;
	lr =	simm.s32 $0x1  }
0x2: {  	[smem:$0x3F99] =	sst lr;
	_ =	strace $0xD0000000  }
0x3: {  	_ = 	snop  }
0x4: {  	_ = 	snop  }
0x5: {  	_ = 	snop  }
0x6: {  	_ = 	snop  }
0x7: {  	_ = 	snop  }
__scs_overlays_trampoline_lowered:
0x8: {  	[smem:$0x3FA8] =	sst s0  }
0x9: {  	[smem:$0x3FA9] =	sst s1  }
0xa: {  	[smem:$0x3FAA] =	sst s2  }
0xb: {  	[smem:$0x3FAB] =	sst s3  }
0xc: {  	[smem:$0x3FAC] =	sst s4  }
0xd: {  	[smem:$0x3FAD] =	sst s5  }
0xe: {  	[smem:$0x3FAE] =	sst s6  }
0xf: {  	[smem:$0x3FAF] =	sst s7  }
0x10: {  	[smem:$0x3FB0] =	sst s8  }
0x11: {  	[smem:$0x3FB1] =	sst s9;
	s0 =	simm.s32 @!p0 $0x0  }
0x12: {  	s1 =	sld [smem:$0x3F97];
	s0 =	simm.s32 @p0 $0x1  }
0x13: {  	[smem:$0x3FB2] =	sst s0;
	s0 =	simm.s32 @!p1 $0x0  }
0x14: {  	s2 =	sld [smem:$0x3F96];
	s0 =	simm.s32 @p1 $0x1  }
0x15: {  	[smem:$0x3FB3] =	sst s0;
	s0 =	simm.s32 @!p2 $0x0  }
0x16: {  	s3 =	sld [smem:$0x3FDB];
	s0 =	simm.s32 @p2 $0x1  }
0x17: {  	s4 =	simm.s32 $0x1BF5;
	[smem:$0x3FB5] =	sst s0  }
0x18: {  	s0 =	sld [smem:$0x3F98];
	_ =	swait.ge [sflag:s4], $0x0  }
0x19: {  	s7 =	sld [smem:$0x3F99]  }
0x1a: {  	s8 =	sadd.s32 $0xFFFFE003, lr  }
0x1b: {  	s9 =	sadd.s32 $0xFFFFFEF7, lr;
	s5 =	simm.s32 $0xFFFFFFFF;
	p2 =	slt.u32 s8, $0xFFFFF086  }
0x1c: {  	p1 =	slt.u32 s9, $0xF7A;
	s5 =	simm.s32 @!p2 $0x0  }
0x1d: {  	s5 =	simm.s32 @p1 $0x1;
	p0 =	seq.s32 s7, s2  }
0x1e: {  	s7 =	smul.u32 @!p0 $0xF7A, s2;
	p2 =	seq.s32 @!p0 s5, $0x0  }
0x1f: {  	s9 =	smul.u32 $0xF7A, s1;
	s8 =	simm.s32 @!p0 $0x1BF5;
	p2 =	por !p2, p0  }
0x20: {  	[sflag:s8] =	ssyncset.s32 @!p0 $0xFFFFF086;
	s6 =	sadd.s32 @!p0 s3, s7;
	s7 =	simm.s32 @!p0 $0x108  }
0x21: {  	s3 =	sadd.s32 s3, s9;
	s6 =	sadd.s32 @!p0 $0x88, s6;
	s7 =	simm.s32 @p2 $0x1082  }
0x22: {  	[simem:s7], [sflag:s8] =	dma.local @!p0 [hbm:s6], $0xF7A  }
0x23: {  	s9 =	sor.u32 $0xD0000000, s2;
	s6 =	simm.s32 $0x108;
	_ =	swait.ge @!p0 [sflag:s8], $0x0  }
0x24: {  	s3 =	sadd.s32 $0x88, s3;
	s6 =	simm.s32 @!p1 $0x1082;
	[sflag:s4] =	ssyncset.s32 $0xFFFFF086  }
0x25: {  	[simem:s6], [sflag:s4] =	dma.local [hbm:s3], $0xF7A  }
0x26: {  	[smem:$0x3F99] =	sst s1;
	(tag) =	ssettag s2;
	_ =	strace s9  }
0x27: {  	s1 =	sld [smem:$0x3FA9]  }
0x28: {  	s2 =	sld [smem:$0x3FAA]  }
0x29: {  	s4 =	sld [smem:$0x3FAC]  }
0x2a: {  	p0 =	seq.s32 s5, $0x0;
	s5 =	sld [smem:$0x3FAD]  }
0x2b: {  	s6 =	sld [smem:$0x3FAE]  }
0x2c: {  	s7 =	sld [smem:$0x3FAF]  }
0x2d: {  	s3 =	simm.s32 $0x108;
	s8 =	sld [smem:$0x3FB0]  }
0x2e: {  	s3 =	simm.s32 @!p0 $0x1082;
	s9 =	sld [smem:$0x3FB1]  }
0x2f: {  	lr =	sadd.s32 s0, s3;
	s0 =	sld [smem:$0x3FA8]  }
0x30: {  	s3 =	sld [smem:$0x3FAB]  }
0x31: {  	[smem:$0x3FB4] =	sst s10  }
0x32: {  	s10 =	sld [smem:$0x3FB2];
	_ =	sdelay $0x3  }
0x33: {  	p0 =	seq.s32 s10, $0x1;
	s10 =	sld [smem:$0x3FB4];
	_ =	sdelay $0x3  }
0x34: {  	[smem:$0x3FB4] =	sst s10  }
0x35: {  	s10 =	sld [smem:$0x3FB3];
	_ =	sdelay $0x3  }
0x36: {  	p1 =	seq.s32 s10, $0x1;
	s10 =	sld [smem:$0x3FB4];
	_ =	sdelay $0x3  }
0x37: {  	[smem:$0x3FB4] =	sst s10  }
0x38: {  	s10 =	sld [smem:$0x3FB5]  }
0x39: {  	_ = 	snop;
	(pc) =	sbr.ind lr, $3  }
0x3a: {  	_ = 	snop  }
0x3b: {  	_ = 	snop  }
0x3c: {  	p2 =	seq.s32 s10, $0x1;
	s10 =	sld [smem:$0x3FB4]  }
0x3d: {  	_ =	shalt  }
0x3e: {  	_ =	shalt  }
0x3f: {  	_ =	shalt  }
0x40: {  	_ =	shalt  }
0x41: {  	_ =	shalt  }
0x42: {  	_ =	shalt  }
0x43: {  	_ =	shalt  }
0x44: {  	_ =	shalt  }
0x45: {  	_ =	shalt  }
0x46: {  	_ =	shalt  }
0x47: {  	_ =	shalt  }
0x48: {  	_ =	shalt  }
0x49: {  	_ =	shalt  }
0x4a: {  	_ =	shalt  }
0x4b: {  	_ =	shalt  }
0x4c: {  	_ =	shalt  }
0x4d: {  	_ =	shalt  }
0x4e: {  	_ =	shalt  }
0x4f: {  	_ =	shalt  }
0x50: {  	_ =	shalt  }
0x51: {  	_ =	shalt  }
0x52: {  	_ =	shalt  }
0x53: {  	_ =	shalt  }
0x54: {  	_ =	shalt  }
0x55: {  	_ =	shalt  }
0x56: {  	_ =	shalt  }
0x57: {  	_ =	shalt  }
0x58: {  	_ =	shalt  }
0x59: {  	_ =	shalt  }
0x5a: {  	_ =	shalt  }
0x5b: {  	_ =	shalt  }
0x5c: {  	_ =	shalt  }
0x5d: {  	_ =	shalt  }
0x5e: {  	_ =	shalt  }
0x5f: {  	_ =	shalt  }
0x60: {  	_ =	shalt  }
0x61: {  	_ =	shalt  }
0x62: {  	_ =	shalt  }
0x63: {  	_ =	shalt  }
0x64: {  	_ =	shalt  }
0x65: {  	_ =	shalt  }
0x66: {  	_ =	shalt  }
0x67: {  	_ =	shalt  }
0x68: {  	_ =	shalt  }
0x69: {  	_ =	shalt  }
0x6a: {  	_ =	shalt  }
0x6b: {  	_ =	shalt  }
0x6c: {  	_ =	shalt  }
0x6d: {  	_ =	shalt  }
0x6e: {  	_ =	shalt  }
0x6f: {  	_ =	shalt  }
0x70: {  	_ =	shalt  }
0x71: {  	_ =	shalt  }
0x72: {  	_ =	shalt  }
0x73: {  	_ =	shalt  }
0x74: {  	_ =	shalt  }
0x75: {  	_ =	shalt  }
0x76: {  	_ =	shalt  }
0x77: {  	_ =	shalt  }
0x78: {  	_ =	shalt  }
0x79: {  	_ =	shalt  }
0x7a: {  	_ =	shalt  }
0x7b: {  	_ =	shalt  }
0x7c: {  	_ =	shalt  }
0x7d: {  	_ =	shalt  }
0x7e: {  	_ =	shalt  }
0x7f: {  	_ =	shalt  }
0x80: {  	_ =	shalt  }
0x81: {  	_ =	shalt  }
0x82: {  	_ =	shalt  }
0x83: {  	_ =	shalt  }
0x84: {  	_ =	shalt  }
0x85: {  	_ =	shalt  }
0x86: {  	_ =	shalt  }
0x87: {  	_ =	shalt  }
.Lfunc_end0:
.L_simem_size_0:
called_computation.2_lowered:
.L_overlay_start_0:
0x88: {  	s2 =	sld [smem:$0x3FD9]  }
0x89: {  	s3 =	sld [smem:$0x3FFE];
	_ =	sdelay $0x1  }
0x8a: {  	s1 =	srdreg.scid  }
0x8b: {  	s0 =	sand.u32 $0x1, s1  }
0x8c: {  	s16 =	sshll.u32 s0, $0xA;
	s2 =	sadd.s32 s3, s2  }
0x8d: {  	s2 =	sadd.s32 s2, s16  }
0x8e: {  	[smem:$0x3FC0] =	sst s2  }
0x8f: {  	_ = 	snop  }
0x90: {  	(tm) =	ssettm $0x1  }
0x91: {  	s17 =	sld [smem:$0x3FFB];
	_ =	sdelay $0x3  }
0x92: {  	_ =	strace s17  }
0x93: {  	s2 =	sld [smem:$0x3FFC];
	_ =	sdelay $0x3  }
0x94: {  	_ =	strace s2  }
0x95: {  	s2 =	sld [smem:$0x3FFD];
	_ =	sdelay $0x3  }
0x96: {  	_ =	strace s2  }
0x97: {  	_ =	strace $0x8FFFFFFF  }
0x98: {  	s18 =	sld [smem:$0x3FDB];
	_ =	sdelay $0x1  }
0x99: {  	s19 =	simm.s32 $_scs_section_size  }
0x9a: {  	s4 =	simm.s32 $_size__tile_overlayer_lowered;
	s5 =	simm.s32 $_tile_overlayer_lowered  }
0x9b: {  	s22 =	simm.s32 $0x1BFF;
	s21 =	sshll.u32 s5, $0x1;
	s2 =	sadd.s32 s19, s18  }
0x9c: {  	s6 =	simm.s32 $0x0;
	s20 =	sshll.u32 s4, $0x1;
	s4 =	sadd.s32 s21, s2  }
0x9d: {  	[timem:s6], [sflag:s22] =	dma.local [hbm:s4], s20  }
0x9e: {  	_ =	swait.ge [sflag:s22], s20  }
0x9f: {  	s3 =	ssub.s32 $0x0, s20;
	[sflag:s22] =	ssyncset.done $0x0  }
0xa0: {  	[sflag:s22] =	ssyncadd.s32 s3;
	_ =	sdelay $0x1  }
0xa1: {  	s23 =	simm.s32 $0x1B8B  }
0xa2: {  	_ =	swait.ge [sflag:s23], $0x1  }
0xa3: {  	[sflag:s23] =	ssyncset.done $0x0  }
0xa4: {  	s25 =	simm.s32 $0x1B8E;
	s24 =	sld [smem:$0x3FFE];
	[sflag:s23] =	ssyncadd.s32 $0xFFFFFFFF  }
0xa5: {  	s26 =	simm.s32 $execute0_lowered;
	[smem:$0x3FD2] =	sst s25  }
0xa6: {  	s4 =	sshll.u32 s26, $0x1;
	_ =	strace $0x8000004C;
	[dreg:$0x1] =	wrdreg $0xFFFFFFFF  }
0xa7: {  	s28 =	simm.s32 $_size_execute0_lowered;
	s2 =	sadd.s32 s2, s4;
	[dreg:$0x0] =	wrdreg $0x0  }
0xa8: {  	s4 =	sshll.u32 s28, $0x1;
	[dreg:$0x2] =	wrdreg s2  }
0xa9: {  	[dreg:$0x3] =	wrdreg s4  }
0xaa: {  	[dreg:$0x4] =	wrdreg $0xC0  }
0xab: {  	_ =	task [dreg:s6], $0x5FFFF  }
0xac: {  	[dreg:$0x1] =	wrdreg $0xFFFFFFFF  }
0xad: {  	[dreg:$0x0] =	wrdreg $0x60  }
0xae: {  	[dreg:$0x2] =	wrdreg s24  }
0xaf: {  	[dreg:$0x3] =	wrdreg $0x9E200  }
0xb0: {  	[dreg:$0x4] =	wrdreg $0x13E200  }
0xb1: {  	[dreg:$0x5] =	wrdreg $0x9  }
0xb2: {  	_ =	task.clear_ibuf [dreg:s6], $0x6FFFF;
	_ =	strace $0x9000004C  }
0xb3: {  	s29 =	simm.s32 $0x9;
	_ =	strace $0x8000004E  }
0xb4: {  	_ =	swait.ge [sflag:s29], $0x1  }
0xb5: {  	[sflag:s29] =	ssyncadd.s32 $0xFFFFFFFF  }
0xb6: {  	_ =	strace $0x9000004E  }
0xb7: {  	_ =	sfence  }
0xb8: {  	s30 =	sld [smem:$0x0];
	_ =	sdelay $0x2  }
0xb9: {  	s31 =	sshll.u32 s1, $0xD;
	s1 =	sshrl.u32 s1, $0x2  }
0xba: {  	s3 =	sand.u32 $0x4000, s31;
	s1 =	sadd.s32 s1, s30  }
0xbb: {  	s0 =	sor.u32 s3, s0;
	s1 =	sshll.u32 s1, $0x11  }
0xbc: {  	s0 =	sor.u32 s1, s0  }
0xbd: {  	s0 =	sadd.s32 $0x8F2B, s0  }
0xbe: {  	[sflag:s0] =	ssyncadd.remote.s32 $0x1  }
0xbf: {  	_ =	sfence.sel $0xFFFF  }
0xc0: {  	[dreg:$0x0] =	wrdreg $0xFFFFFFFF;
	(pc) =	sbr.abs _section_cstart, $3  }
0xc1: {  	[dreg:$0x1] =	wrdreg $0xFFFFFFFF  }
0xc2: {  	_ =	task.clear_ibuf [dreg:s6], $0x2FFFF;
	_ =	strace $0x9FFFFFFF  }
0xc3: {  	(tm) =	ssettm $0x7FFFFFFF  }
tec
execute0_lowered:
.L_overlay_start_1:
0x0: {  	(tag) =	ssettag $0x1  }
0x1: {  	s0 =	rddreg [dreg:$0x0]  }
0x2: {  	s2 =	rddreg [dreg:$0x1]  }
0x3: {  	s1 =	srdreg.scid;
	s3 =	rddreg [dreg:$0x2]  }
0x4: {  	s11 =	stileid.u32;
	s4 =	simm.s32 $0x0;
	s12 =	simm.s32 $0x2710  }
0x5: {  	s16 =	simm.s32 $0x50;
	s17 =	simm.s32 $0x4E20;
	s18 =	simm.s32 $0x6220  }
0x6: {  	s19 =	simm.s32 $0x1;
	s21 =	simm.s32 $0x7620;
	s22 =	simm.s32 $0x2  }
0x7: {  	s29 =	simm.s32 $0x5;
	s31 =	simm.s32 $0x4;
	s23 =	simm.s32 $0x7  }
0x8: {  	s24 =	simm.s32 $0x8;
	s30 =	simm.s32 $0x0;
	s1 =	sand.u32 $0x1, s1  }
0x9: {  	s9 =	smul.u32 $0xA000, s11;
	[smem:$0x7FF] =	sst s4;
	s28 =	sshll.u32 s11, $0x6  }
0xa: {  	s5 =	sshll.u32 s1, $0x4;
	s6 =	smul.u32 $0xA0000, s1;
	_ =	strace $0x8000004D  }
0xb: {  	s1 =	ssub.s32 $0x2, s1;
	s13 =	sor.u32 $0x1C09, s28;
	s5 =	sor.u32 s11, s5  }
0xc: {  	s7 =	sshrl.u32 s9, $0x3;
	s26 =	sshrl.u32 s1, $0x1;
	s14 =	sadd.s32 s9, s2  }
0xd: {  	s15 =	sadd.s32 s9, s3;
	s11 =	simm.s32 $0x9;
	s5 =	smul.u32 $0x4E2, s5  }
0xe: {  	s8 =	sadd.s32 s7, s0;
	s6 =	sadd.s32 s9, s6;
	s1 =	ssub.s32 s1, s26  }
.Ltmp0:
0xf: {  	s14 =	sshrl.u32 s14, $0x3;
	s15 =	sshrl.u32 s15, $0x3;
	(pc) =	sbr.rel .LBB2_1-.Ltmp0, $4  }
0x10: {  	s26 =	simm.s32 $0x3;
	s6 =	sshrl.u32 s6, $0x3;
	s8 =	sadd.s32 $0x16200, s8  }
0x11: {  	s10 =	smax.u32 s1, $0x1;
	s1 =	simm.s32 $0x6;
	s25 =	sadd.s32 s5, s0  }
0x12: {  	s5 =	sadd.s32 $0x2A200, s0;
	s0 =	sadd.s32 s6, s0;
	s6 =	sadd.s32 $0xC400, s25  }
0x13: {  	s7 =	sadd.s32 $0x2400, s25;
	s9 =	sadd.s32 $0x2B600, s0;
	s25 =	simm.s32 $0x8A20  }
.LBB2_4:
0x14: {  	_ =	swait.ge [sflag:s19], $0x1400  }
0x15: {  	[sflag:s19] =	ssyncset.done $0x0  }
0x16: {  	s0 =	simm.s32 $0x4DD0;
	[sflag:s19] =	ssyncadd.s32 $0xFFFFEC00  }
0x17: {  	[spmem:s3] =	stream.indirect.scatter.add.f32 [tilespmem:s17], [sflag:$0x5], $0x40, s0, s16, $0xb8;
	[tilespmem:$0x1DE20] =	vst v63  }
0x18: {  	_ =	swait.ge [sflag:s23], $0x1400  }
0x19: {  	[sflag:s23] =	ssyncset.done $0x0  }
0x1a: {  	[sflag:s23] =	ssyncadd.s32 $0xFFFFEC00  }
0x1b: {  	_ =	swait.ge [sflag:s24], $0x1400  }
0x1c: {  	[sflag:s24] =	ssyncset.done $0x0  }
0x1d: {  	[sflag:s24] =	ssyncadd.s32 $0xFFFFEC00  }
0x1e: {  	_ =	swait.ge [sflag:s29], $0x1400  }
0x1f: {  	s30 =	sadd.s32 $0x1, s30;
	[sflag:s29] =	ssyncset.done $0x0  }
0x20: {  	p0 =	sne.s32 s30, s10;
	[sflag:s29] =	ssyncadd.s32 $0xFFFFEC00  }
.Ltmp1:
0x21: {  	[bflag:$0x0] =	sbarrier.arrive $0xFFFF;
	(pc) =	sbr.rel @!p0 .LBB2_5-.Ltmp1, $4  }
0x22: {  	[hbm:s9], [sflag:s13] =	dma.local [spmem:s15], $0x1400  }
0x23: {  	_ =	swait.ge [sflag:s11], $0x1400  }
0x24: {  	[sflag:s11] =	ssyncset.done $0x0  }
0x25: {  	[sflag:s11] =	ssyncadd.s32 $0xFFFFEC00  }
.LBB2_1:
0x26: {  	[tilespmem:s4], [sflag:$0x9] =	stream.linear.gather [hbm4b:s6+s4], $0x2710, $0x38;
	[tilespmem:$0x1DE20] =	vst v63  }
0x27: {  	_ =	swait.ge [sflag:s11], $0x2710  }
0x28: {  	[sflag:s11] =	ssyncset.done $0x0  }
0x29: {  	[sflag:s11] =	ssyncadd.s32 $0xFFFFD8F0  }
0x2a: {  	[tilespmem:s12], [sflag:$0x9] =	stream.linear.gather [hbm4b:s7+s4], $0x2710, $0x38;
	[tilespmem:$0x1DE20] =	vst v63  }
0x2b: {  	_ =	swait.ge [sflag:s11], $0x2710  }
0x2c: {  	[sflag:s11] =	ssyncset.done $0x0  }
0x2d: {  	[sflag:s11] =	ssyncadd.s32 $0xFFFFD8F0  }
0x2e: {  	[spmem:s14], [sflag:s13] =	dma.local [hbm:s8], $0x1400  }
0x2f: {  	_ =	swait.ge [sflag:s11], $0x1400  }
0x30: {  	[sflag:s11] =	ssyncset.done $0x0  }
0x31: {  	[sflag:s11] =	ssyncadd.s32 $0xFFFFEC00  }
0x32: {  	[spmem:s15], [sflag:s13] =	dma.local [hbm:s5], $0x1400  }
0x33: {  	_ =	swait.ge [sflag:s11], $0x1400  }
0x34: {  	[sflag:s11] =	ssyncset.done $0x0  }
0x35: {  	[sflag:s11] =	ssyncadd.s32 $0xFFFFEC00  }
0x36: {  	[bflag:$0x0] =	sbarrier.arrive $0xFFFF  }
0x37: {  	[tilespmem:s17], [sflag:$0x1] =	stream.indirect.gather [spmem:s2], $0x40, s4, s16, $0xb8;
	[tilespmem:$0x1DE20] =	vst v63  }
0x38: {  	_ = 	snop  }
0x39: {  	[tilespmem:s18], [sflag:$0x2] =	stream.indirect.gather [spmem:s2], $0x40, s16, s16, $0xb8;
	[tilespmem:$0x1DE20] =	vst v63  }
0x3a: {  	_ =	swait.ge [sflag:s19], $0x1400  }
0x3b: {  	[sflag:s19] =	ssyncset.done $0x0  }
0x3c: {  	[sflag:s19] =	ssyncadd.s32 $0xFFFFEC00  }
0x3d: {  	[spmem:s3] =	stream.indirect.scatter.add.f32 [tilespmem:s17], [sflag:$0x5], $0x40, s12, s16, $0xb8;
	[tilespmem:$0x1DE20] =	vst v63  }
0x3e: {  	s0 =	simm.s32 $0xA0  }
0x3f: {  	[tilespmem:s21], [sflag:$0x3] =	stream.indirect.gather [spmem:s2], $0x40, s0, s16, $0xb8;
	[tilespmem:$0x1DE20] =	vst v63  }
0x40: {  	_ =	swait.ge [sflag:s22], $0x1400  }
0x41: {  	[sflag:s22] =	ssyncset.done $0x0  }
0x42: {  	s20 =	simm.s32 $0x2760;
	[sflag:s22] =	ssyncadd.s32 $0xFFFFEC00  }
0x43: {  	[spmem:s3] =	stream.indirect.scatter.add.f32 [tilespmem:s18], [sflag:$0x6], $0x40, s20, s16, $0xb8;
	[tilespmem:$0x1DE20] =	vst v63  }
0x44: {  	s28 =	simm.s32 $0xF0  }
0x45: {  	[tilespmem:s25], [sflag:$0x4] =	stream.indirect.gather [spmem:s2], $0x40, s28, s16, $0xb8;
	[tilespmem:$0x1DE20] =	vst v63  }
0x46: {  	_ =	swait.ge [sflag:s26], $0x1400  }
0x47: {  	[sflag:s26] =	ssyncset.done $0x0  }
0x48: {  	s20 =	simm.s32 $0x27B0;
	[sflag:s26] =	ssyncadd.s32 $0xFFFFEC00  }
0x49: {  	[spmem:s3] =	stream.indirect.scatter.add.f32 [tilespmem:s21], [sflag:$0x7], $0x40, s20, s16, $0xb8;
	[tilespmem:$0x1DE20] =	vst v63  }
0x4a: {  	_ =	swait.ge [sflag:s29], $0x1400  }
0x4b: {  	[sflag:s29] =	ssyncset.done $0x0  }
0x4c: {  	s28 =	simm.s32 $0x140;
	[sflag:s29] =	ssyncadd.s32 $0xFFFFEC00  }
0x4d: {  	[tilespmem:s17], [sflag:$0x1] =	stream.indirect.gather [spmem:s2], $0x40, s28, s16, $0xb8;
	[tilespmem:$0x1DE20] =	vst v63  }
0x4e: {  	_ =	swait.ge [sflag:s31], $0x1400  }
0x4f: {  	[sflag:s31] =	ssyncset.done $0x0  }
0x50: {  	s20 =	simm.s32 $0x2800;
	[sflag:s31] =	ssyncadd.s32 $0xFFFFEC00  }
0x51: {  	[spmem:s3] =	stream.indirect.scatter.add.f32 [tilespmem:s25], [sflag:$0x8], $0x40, s20, s16, $0xb8;
	[tilespmem:$0x1DE20] =	vst v63  }
0x52: {  	_ =	swait.ge [sflag:s1], $0x1400  }
0x53: {  	[sflag:s1] =	ssyncset.done $0x0  }
0x54: {  	s0 =	simm.s32 $0x0;
	s28 =	simm.s32 $0x190;
	[sflag:s1] =	ssyncadd.s32 $0xFFFFEC00  }
0x55: {  	[tilespmem:s18], [sflag:$0x2] =	stream.indirect.gather [spmem:s2], $0x40, s28, s16, $0xb8;
	[tilespmem:$0x1DE20] =	vst v63  }
.LBB2_2:
0x56: {  	_ =	swait.ge [sflag:s19], $0x1400  }
0x57: {  	s20 =	sshra.s32 s0, $0x2;
	[sflag:s19] =	ssyncset.done $0x0  }
0x58: {  	s28 =	sadd.s32 $0x2850, s20;
	[sflag:s19] =	ssyncadd.s32 $0xFFFFEC00  }
0x59: {  	[spmem:s3] =	stream.indirect.scatter.add.f32 [tilespmem:s17], [sflag:$0x5], $0x40, s28, s16, $0xb8;
	[tilespmem:$0x1DE20] =	vst v63  }
0x5a: {  	_ =	swait.ge [sflag:s23], $0x1400  }
0x5b: {  	[sflag:s23] =	ssyncset.done $0x0  }
0x5c: {  	s28 =	sadd.s32 $0x1E0, s20;
	[sflag:s23] =	ssyncadd.s32 $0xFFFFEC00  }
0x5d: {  	[tilespmem:s21], [sflag:$0x3] =	stream.indirect.gather [spmem:s2], $0x40, s28, s16, $0xb8;
	[tilespmem:$0x1DE20] =	vst v63  }
0x5e: {  	_ =	swait.ge [sflag:s22], $0x1400  }
0x5f: {  	[sflag:s22] =	ssyncset.done $0x0  }
0x60: {  	s28 =	sadd.s32 $0x28A0, s20;
	[sflag:s22] =	ssyncadd.s32 $0xFFFFEC00  }
0x61: {  	[spmem:s3] =	stream.indirect.scatter.add.f32 [tilespmem:s18], [sflag:$0x6], $0x40, s28, s16, $0xb8;
	[tilespmem:$0x1DE20] =	vst v63  }
0x62: {  	_ =	swait.ge [sflag:s24], $0x1400  }
0x63: {  	[sflag:s24] =	ssyncset.done $0x0  }
0x64: {  	s28 =	sadd.s32 $0x230, s20;
	[sflag:s24] =	ssyncadd.s32 $0xFFFFEC00  }
0x65: {  	[tilespmem:s25], [sflag:$0x4] =	stream.indirect.gather [spmem:s2], $0x40, s28, s16, $0xb8;
	[tilespmem:$0x1DE20] =	vst v63  }
0x66: {  	_ =	swait.ge [sflag:s26], $0x1400  }
0x67: {  	[sflag:s26] =	ssyncset.done $0x0  }
0x68: {  	s28 =	sadd.s32 $0x28F0, s20;
	[sflag:s26] =	ssyncadd.s32 $0xFFFFEC00  }
0x69: {  	[spmem:s3] =	stream.indirect.scatter.add.f32 [tilespmem:s21], [sflag:$0x7], $0x40, s28, s16, $0xb8;
	[tilespmem:$0x1DE20] =	vst v63  }
0x6a: {  	_ =	swait.ge [sflag:s29], $0x1400  }
0x6b: {  	[sflag:s29] =	ssyncset.done $0x0  }
0x6c: {  	s28 =	sadd.s32 $0x280, s20;
	[sflag:s29] =	ssyncadd.s32 $0xFFFFEC00  }
0x6d: {  	[tilespmem:s17], [sflag:$0x1] =	stream.indirect.gather [spmem:s2], $0x40, s28, s16, $0xb8;
	[tilespmem:$0x1DE20] =	vst v63  }
0x6e: {  	_ =	swait.ge [sflag:s31], $0x1400  }
0x6f: {  	p0 =	seq.s32 s0, $0x9100;
	[sflag:s31] =	ssyncset.done $0x0  }
.Ltmp2:
0x70: {  	s28 =	sadd.s32 $0x2940, s20;
	[sflag:s31] =	ssyncadd.s32 $0xFFFFEC00;
	(pc) =	sbr.rel @p0 .LBB2_4-.Ltmp2, $4  }
0x71: {  	[spmem:s3] =	stream.indirect.scatter.add.f32 [tilespmem:s25], [sflag:$0x8], $0x40, s28, s16, $0xb8;
	[tilespmem:$0x1DE20] =	vst v63  }
0x72: {  	_ =	swait.ge [sflag:s1], $0x1400  }
0x73: {  	[sflag:s1] =	ssyncset.done $0x0  }
0x74: {  	[sflag:s1] =	ssyncadd.s32 $0xFFFFEC00  }
.Ltmp3:
0x75: {  	(pc) =	sbr.rel .LBB2_2-.Ltmp3, $3  }
0x76: {  	_ =	sdelay $0x1  }
0x77: {  	s20 =	sadd.s32 $0x2D0, s20;
	s0 =	sadd.s32 $0x500, s0  }
0x78: {  	[tilespmem:s18], [sflag:$0x2] =	stream.indirect.gather [spmem:s2], $0x40, s20, s16, $0xb8;
	[tilespmem:$0x1DE20] =	vst v63  }
.LBB2_5:
0x79: {  	_ =	sfence.sel $0x180000  }
0x7a: {  	[bflag:$0x0] =	sbarrier.arrive $0xFFFF  }
0x7b: {  	_ =	strace $0x9000004D  }
0x7c: {  	s0 =	stileid.u32;
	[bflag:$0x2] =	sbarrier.arrive $0xFFFF  }
0x7d: {  	p0 =	sne.s32 s0, $0x0;
	s0 =	rddreg [dreg:$0x3]  }
0x7e: {  	s0 =	sadd.s32 @!p0 $0x100000, s0  }
0x7f: {  	[sflag:s0] =	ssyncadd.tile.s32 @!p0 $0x1;
	_ =	shalt  }
.Lfunc_end2:
_tile_overlayer_lowered:
.L_overlay_start_2:
0x80: {  	(tag) =	ssettag $0x2  }
0x81: {  	s0 =	rddreg [dreg:$0x0];
	s2 =	stileid.u32  }
0x82: {  	s1 =	rddreg [dreg:$0x1];
	p0 =	sne.s32 s2, $0x0  }
0x83: {  	s3 =	rddreg [dreg:$0x2];
	[bflag:$0x3] =	sbarrier.arrive $0xFFFF;
	s2 =	simm.s32 @!p0 $0x1C09  }
0x84: {  	[timem:s3], [sflag:s2] =	dma.local @!p0 [hbm:s0], s1  }
0x85: {  	s0 =	simm.s32 @!p0 $0x9  }
0x86: {  	_ =	swait.ge @!p0 [sflag:s0], s1  }
0x87: {  	s1 =	ssub.s32 @!p0 $0x0, s1;
	[sflag:s0] =	ssyncset.done @!p0 $0x0  }
0x88: {  	[sflag:s0] =	ssyncadd.s32 @!p0 s1  }
0x89: {  	[bflag:$0x3] =	sbarrier.arrive $0xFFFF  }
0x8a: {  	_ =	shalt  }

// kernel: kernel.19.cloned.1.call-start
scs
__scs_entry_jumppad:
0x0: {  	(pc) =	sbr.rel $0x88, $3  }
0x1: {  	(tag) =	ssettag $0x0;
	lr =	simm.s32 $0x1  }
0x2: {  	[smem:$0x3F99] =	sst lr;
	_ =	strace $0xD0000000  }
0x3: {  	_ = 	snop  }
0x4: {  	_ = 	snop  }
0x5: {  	_ = 	snop  }
0x6: {  	_ = 	snop  }
0x7: {  	_ = 	snop  }
__scs_overlays_trampoline_lowered:
0x8: {  	[smem:$0x3FA8] =	sst s0  }
0x9: {  	[smem:$0x3FA9] =	sst s1  }
0xa: {  	[smem:$0x3FAA] =	sst s2  }
0xb: {  	[smem:$0x3FAB] =	sst s3  }
0xc: {  	[smem:$0x3FAC] =	sst s4  }
0xd: {  	[smem:$0x3FAD] =	sst s5  }
0xe: {  	[smem:$0x3FAE] =	sst s6  }
0xf: {  	[smem:$0x3FAF] =	sst s7  }
0x10: {  	[smem:$0x3FB0] =	sst s8  }
0x11: {  	[smem:$0x3FB1] =	sst s9;
	s0 =	simm.s32 @!p0 $0x0  }
0x12: {  	s1 =	sld [smem:$0x3F97];
	s0 =	simm.s32 @p0 $0x1  }
0x13: {  	[smem:$0x3FB2] =	sst s0;
	s0 =	simm.s32 @!p1 $0x0  }
0x14: {  	s2 =	sld [smem:$0x3F96];
	s0 =	simm.s32 @p1 $0x1  }
0x15: {  	[smem:$0x3FB3] =	sst s0;
	s0 =	simm.s32 @!p2 $0x0  }
0x16: {  	s3 =	sld [smem:$0x3FDB];
	s0 =	simm.s32 @p2 $0x1  }
0x17: {  	s4 =	simm.s32 $0x1BF5;
	[smem:$0x3FB5] =	sst s0  }
0x18: {  	s0 =	sld [smem:$0x3F98];
	_ =	swait.ge [sflag:s4], $0x0  }
0x19: {  	s7 =	sld [smem:$0x3F99]  }
0x1a: {  	s8 =	sadd.s32 $0xFFFFE003, lr  }
0x1b: {  	s9 =	sadd.s32 $0xFFFFFEF7, lr;
	s5 =	simm.s32 $0xFFFFFFFF;
	p2 =	slt.u32 s8, $0xFFFFF086  }
0x1c: {  	p1 =	slt.u32 s9, $0xF7A;
	s5 =	simm.s32 @!p2 $0x0  }
0x1d: {  	s5 =	simm.s32 @p1 $0x1;
	p0 =	seq.s32 s7, s2  }
0x1e: {  	s7 =	smul.u32 @!p0 $0xF7A, s2;
	p2 =	seq.s32 @!p0 s5, $0x0  }
0x1f: {  	s9 =	smul.u32 $0xF7A, s1;
	s8 =	simm.s32 @!p0 $0x1BF5;
	p2 =	por !p2, p0  }
0x20: {  	[sflag:s8] =	ssyncset.s32 @!p0 $0xFFFFF086;
	s6 =	sadd.s32 @!p0 s3, s7;
	s7 =	simm.s32 @!p0 $0x108  }
0x21: {  	s3 =	sadd.s32 s3, s9;
	s6 =	sadd.s32 @!p0 $0x88, s6;
	s7 =	simm.s32 @p2 $0x1082  }
0x22: {  	[simem:s7], [sflag:s8] =	dma.local @!p0 [hbm:s6], $0xF7A  }
0x23: {  	s9 =	sor.u32 $0xD0000000, s2;
	s6 =	simm.s32 $0x108;
	_ =	swait.ge @!p0 [sflag:s8], $0x0  }
0x24: {  	s3 =	sadd.s32 $0x88, s3;
	s6 =	simm.s32 @!p1 $0x1082;
	[sflag:s4] =	ssyncset.s32 $0xFFFFF086  }
0x25: {  	[simem:s6], [sflag:s4] =	dma.local [hbm:s3], $0xF7A  }
0x26: {  	[smem:$0x3F99] =	sst s1;
	(tag) =	ssettag s2;
	_ =	strace s9  }
0x27: {  	s1 =	sld [smem:$0x3FA9]  }
0x28: {  	s2 =	sld [smem:$0x3FAA]  }
0x29: {  	s4 =	sld [smem:$0x3FAC]  }
0x2a: {  	p0 =	seq.s32 s5, $0x0;
	s5 =	sld [smem:$0x3FAD]  }
0x2b: {  	s6 =	sld [smem:$0x3FAE]  }
0x2c: {  	s7 =	sld [smem:$0x3FAF]  }
0x2d: {  	s3 =	simm.s32 $0x108;
	s8 =	sld [smem:$0x3FB0]  }
0x2e: {  	s3 =	simm.s32 @!p0 $0x1082;
	s9 =	sld [smem:$0x3FB1]  }
0x2f: {  	lr =	sadd.s32 s0, s3;
	s0 =	sld [smem:$0x3FA8]  }
0x30: {  	s3 =	sld [smem:$0x3FAB]  }
0x31: {  	[smem:$0x3FB4] =	sst s10  }
0x32: {  	s10 =	sld [smem:$0x3FB2];
	_ =	sdelay $0x3  }
0x33: {  	p0 =	seq.s32 s10, $0x1;
	s10 =	sld [smem:$0x3FB4];
	_ =	sdelay $0x3  }
0x34: {  	[smem:$0x3FB4] =	sst s10  }
0x35: {  	s10 =	sld [smem:$0x3FB3];
	_ =	sdelay $0x3  }
0x36: {  	p1 =	seq.s32 s10, $0x1;
	s10 =	sld [smem:$0x3FB4];
	_ =	sdelay $0x3  }
0x37: {  	[smem:$0x3FB4] =	sst s10  }
0x38: {  	s10 =	sld [smem:$0x3FB5]  }
0x39: {  	_ = 	snop;
	(pc) =	sbr.ind lr, $3  }
0x3a: {  	_ = 	snop  }
0x3b: {  	_ = 	snop  }
0x3c: {  	p2 =	seq.s32 s10, $0x1;
	s10 =	sld [smem:$0x3FB4]  }
0x3d: {  	_ =	shalt  }
0x3e: {  	_ =	shalt  }
0x3f: {  	_ =	shalt  }
0x40: {  	_ =	shalt  }
0x41: {  	_ =	shalt  }
0x42: {  	_ =	shalt  }
0x43: {  	_ =	shalt  }
0x44: {  	_ =	shalt  }
0x45: {  	_ =	shalt  }
0x46: {  	_ =	shalt  }
0x47: {  	_ =	shalt  }
0x48: {  	_ =	shalt  }
0x49: {  	_ =	shalt  }
0x4a: {  	_ =	shalt  }
0x4b: {  	_ =	shalt  }
0x4c: {  	_ =	shalt  }
0x4d: {  	_ =	shalt  }
0x4e: {  	_ =	shalt  }
0x4f: {  	_ =	shalt  }
0x50: {  	_ =	shalt  }
0x51: {  	_ =	shalt  }
0x52: {  	_ =	shalt  }
0x53: {  	_ =	shalt  }
0x54: {  	_ =	shalt  }
0x55: {  	_ =	shalt  }
0x56: {  	_ =	shalt  }
0x57: {  	_ =	shalt  }
0x58: {  	_ =	shalt  }
0x59: {  	_ =	shalt  }
0x5a: {  	_ =	shalt  }
0x5b: {  	_ =	shalt  }
0x5c: {  	_ =	shalt  }
0x5d: {  	_ =	shalt  }
0x5e: {  	_ =	shalt  }
0x5f: {  	_ =	shalt  }
0x60: {  	_ =	shalt  }
0x61: {  	_ =	shalt  }
0x62: {  	_ =	shalt  }
0x63: {  	_ =	shalt  }
0x64: {  	_ =	shalt  }
0x65: {  	_ =	shalt  }
0x66: {  	_ =	shalt  }
0x67: {  	_ =	shalt  }
0x68: {  	_ =	shalt  }
0x69: {  	_ =	shalt  }
0x6a: {  	_ =	shalt  }
0x6b: {  	_ =	shalt  }
0x6c: {  	_ =	shalt  }
0x6d: {  	_ =	shalt  }
0x6e: {  	_ =	shalt  }
0x6f: {  	_ =	shalt  }
0x70: {  	_ =	shalt  }
0x71: {  	_ =	shalt  }
0x72: {  	_ =	shalt  }
0x73: {  	_ =	shalt  }
0x74: {  	_ =	shalt  }
0x75: {  	_ =	shalt  }
0x76: {  	_ =	shalt  }
0x77: {  	_ =	shalt  }
0x78: {  	_ =	shalt  }
0x79: {  	_ =	shalt  }
0x7a: {  	_ =	shalt  }
0x7b: {  	_ =	shalt  }
0x7c: {  	_ =	shalt  }
0x7d: {  	_ =	shalt  }
0x7e: {  	_ =	shalt  }
0x7f: {  	_ =	shalt  }
0x80: {  	_ =	shalt  }
0x81: {  	_ =	shalt  }
0x82: {  	_ =	shalt  }
0x83: {  	_ =	shalt  }
0x84: {  	_ =	shalt  }
0x85: {  	_ =	shalt  }
0x86: {  	_ =	shalt  }
0x87: {  	_ =	shalt  }
.Lfunc_end0:
.L_simem_size_0:
called_computation.3_lowered:
.L_overlay_start_0:
0x88: {  	s2 =	sld [smem:$0x3FD9]  }
0x89: {  	s3 =	sld [smem:$0x3FFE];
	_ =	sdelay $0x1  }
0x8a: {  	s1 =	srdreg.scid  }
0x8b: {  	s0 =	sand.u32 $0x1, s1  }
0x8c: {  	s17 =	sshll.u32 s0, $0xA;
	s2 =	sadd.s32 s3, s2  }
0x8d: {  	s2 =	sadd.s32 s2, s17  }
0x8e: {  	[smem:$0x3FC0] =	sst s2  }
0x8f: {  	_ = 	snop  }
0x90: {  	s2 =	sld [smem:$0x3FD0];
	(tm) =	ssettm $0x1  }
0x91: {  	s18 =	sld [smem:$0x3FFB];
	_ =	sdelay $0x3  }
0x92: {  	_ =	strace s18  }
0x93: {  	s3 =	sld [smem:$0x3FFC];
	_ =	sdelay $0x3  }
0x94: {  	_ =	strace s3  }
0x95: {  	s3 =	sld [smem:$0x3FFD];
	_ =	sdelay $0x3  }
0x96: {  	_ =	strace s3  }
0x97: {  	_ =	strace $0x8FFFFFFF  }
0x98: {  	s19 =	sld [smem:$0x3FDB];
	_ =	sdelay $0x1  }
0x99: {  	s4 =	simm.s32 $_scs_section_size  }
0x9a: {  	s5 =	simm.s32 $_size__tile_overlayer_lowered;
	s6 =	simm.s32 $_tile_overlayer_lowered  }
0x9b: {  	s22 =	simm.s32 $0x1BFF;
	s21 =	sshll.u32 s6, $0x1;
	s3 =	sadd.s32 s4, s19  }
0x9c: {  	s7 =	simm.s32 $0x0;
	s20 =	sshll.u32 s5, $0x1;
	s5 =	sadd.s32 s21, s3  }
0x9d: {  	[timem:s7], [sflag:s22] =	dma.local [hbm:s5], s20  }
0x9e: {  	_ =	swait.ge [sflag:s22], s20  }
0x9f: {  	s4 =	ssub.s32 $0x0, s20;
	[sflag:s22] =	ssyncset.done $0x0  }
0xa0: {  	[sflag:s22] =	ssyncadd.s32 s4;
	_ =	sdelay $0x1  }
0xa1: {  	s23 =	simm.s32 $0x1B8B  }
0xa2: {  	_ =	swait.ge [sflag:s23], $0x1  }
0xa3: {  	[sflag:s23] =	ssyncset.done $0x0  }
0xa4: {  	s25 =	simm.s32 $0x1B8E;
	s24 =	sld [smem:$0x3FFE];
	[sflag:s23] =	ssyncadd.s32 $0xFFFFFFFF  }
0xa5: {  	s26 =	simm.s32 $execute0_lowered;
	[smem:$0x3FD2] =	sst s25  }
0xa6: {  	s5 =	sshll.u32 s26, $0x1;
	_ =	strace $0x8000004F;
	[dreg:$0x1] =	wrdreg $0xFFFFFFFF  }
0xa7: {  	s28 =	simm.s32 $_size_execute0_lowered;
	s3 =	sadd.s32 s3, s5;
	[dreg:$0x0] =	wrdreg $0x0  }
0xa8: {  	s5 =	sshll.u32 s28, $0x1;
	[dreg:$0x2] =	wrdreg s3  }
0xa9: {  	[dreg:$0x3] =	wrdreg s5  }
0xaa: {  	[dreg:$0x4] =	wrdreg $0xC0  }
0xab: {  	_ =	task [dreg:s7], $0x5FFFF  }
0xac: {  	[dreg:$0x1] =	wrdreg $0xFFFFFFFF  }
0xad: {  	[dreg:$0x0] =	wrdreg $0x60  }
0xae: {  	[dreg:$0x2] =	wrdreg s24  }
0xaf: {  	[dreg:$0x3] =	wrdreg s2  }
0xb0: {  	[dreg:$0x4] =	wrdreg $0x62200  }
0xb1: {  	[dreg:$0x5] =	wrdreg $0x8A200  }
0xb2: {  	[dreg:$0x6] =	wrdreg $0x9  }
0xb3: {  	_ =	task.clear_ibuf [dreg:s7], $0x7FFFF;
	_ =	strace $0x9000004F  }
0xb4: {  	s29 =	simm.s32 $0x9;
	_ =	strace $0x80000051  }
0xb5: {  	_ =	swait.ge [sflag:s29], $0x1  }
0xb6: {  	[sflag:s29] =	ssyncadd.s32 $0xFFFFFFFF  }
0xb7: {  	_ =	strace $0x90000051  }
0xb8: {  	_ =	sfence  }
0xb9: {  	s30 =	sld [smem:$0x0];
	_ =	sdelay $0x2  }
0xba: {  	s31 =	sshll.u32 s1, $0xD;
	s1 =	sshrl.u32 s1, $0x2  }
0xbb: {  	s3 =	sand.u32 $0x4000, s31;
	s1 =	sadd.s32 s1, s30  }
0xbc: {  	s0 =	sor.u32 s3, s0;
	s1 =	sshll.u32 s1, $0x11  }
0xbd: {  	s0 =	sor.u32 s1, s0  }
0xbe: {  	s0 =	sadd.s32 $0x8F2B, s0  }
0xbf: {  	[sflag:s0] =	ssyncadd.remote.s32 $0x1  }
0xc0: {  	_ =	sfence.sel $0xFFFF  }
0xc1: {  	[dreg:$0x0] =	wrdreg $0xFFFFFFFF;
	(pc) =	sbr.abs _section_cstart, $3  }
0xc2: {  	[dreg:$0x1] =	wrdreg $0xFFFFFFFF  }
0xc3: {  	_ =	task.clear_ibuf [dreg:s7], $0x2FFFF;
	_ =	strace $0x9FFFFFFF  }
0xc4: {  	(tm) =	ssettm $0x7FFFFFFF  }
0xc5: {  	_ =	shalt  }
tec
execute0_lowered:
.L_overlay_start_1:
0x0: {  	(tag) =	ssettag $0x1  }
0x1: {  	s0 =	rddreg [dreg:$0x0]  }
0x2: {  	s3 =	rddreg [dreg:$0x2]  }
0x3: {  	s4 =	rddreg [dreg:$0x3];
	s11 =	stileid.u32  }
0x4: {  	s1 =	srdreg.scid;
	s5 =	simm.s32 $0x0;
	s12 =	simm.s32 $0x2710  }
0x5: {  	s16 =	simm.s32 $0x50;
	s17 =	simm.s32 $0x4E20;
	s18 =	simm.s32 $0x5320  }
0x6: {  	s19 =	simm.s32 $0x1;
	s21 =	simm.s32 $0x5820;
	s22 =	simm.s32 $0x2  }
0x7: {  	s25 =	simm.s32 $0x5D20;
	s29 =	simm.s32 $0x5;
	s31 =	simm.s32 $0x4  }
0x8: {  	s20 =	simm.s32 $0x7;
	s23 =	simm.s32 $0x8;
	s24 =	simm.s32 $0x4DD0  }
0x9: {  	s28 =	simm.s32 $0x0;
	s2 =	smul.u32 $0x2800, s11;
	s1 =	sand.u32 $0x1, s1  }
0xa: {  	[smem:$0x7FF] =	sst s5;
	s30 =	sshll.u32 s11, $0x6;
	s6 =	sshll.u32 s1, $0x4  }
0xb: {  	s7 =	smul.u32 $0x28000, s1;
	_ =	strace $0x80000050;
	s1 =	ssub.s32 $0x2, s1  }
0xc: {  	s13 =	sor.u32 $0x1C09, s30;
	s6 =	sor.u32 s11, s6;
	s8 =	sshrl.u32 s2, $0x3  }
0xd: {  	s26 =	sshrl.u32 s1, $0x1;
	s14 =	sadd.s32 s2, s3;
	s11 =	simm.s32 $0x9  }
0xe: {  	s6 =	smul.u32 $0x4E2, s6;
	s7 =	sadd.s32 s2, s7;
	s8 =	sadd.s32 s8, s0  }
.Ltmp0:
0xf: {  	s1 =	ssub.s32 s1, s26;
	s2 =	sadd.s32 s2, s4;
	(pc) =	sbr.rel .LBB2_1-.Ltmp0, $4  }
0x10: {  	s14 =	sshrl.u32 s14, $0x3;
	s26 =	simm.s32 $0x3;
	s7 =	sshrl.u32 s7, $0x3  }
0x11: {  	s8 =	sadd.s32 $0x16200, s8;
	s10 =	smax.u32 s1, $0x1;
	s15 =	sshrl.u32 s2, $0x3  }
0x12: {  	s1 =	simm.s32 $0x6;
	s9 =	sadd.s32 s6, s0;
	s0 =	sadd.s32 s7, s0  }
0x13: {  	s6 =	sadd.s32 $0xC400, s9;
	s7 =	sadd.s32 $0x2400, s9;
	s9 =	sadd.s32 $0x1B200, s0  }
.LBB2_4:
0x14: {  	_ =	swait.ge [sflag:s19], $0x500  }
0x15: {  	[sflag:s19] =	ssyncset.done $0x0  }
0x16: {  	[sflag:s19] =	ssyncadd.s32 $0xFFFFFB00  }
0x17: {  	[spmem:s4] =	stream.indirect.scatter.add.f32 [tilespmem:s17], [sflag:$0x5], $0x10, s24, s16, $0xb8;
	[tilespmem:$0xB220] =	vst v63  }
0x18: {  	_ =	swait.ge [sflag:s20], $0x500  }
0x19: {  	[sflag:s20] =	ssyncset.done $0x0  }
0x1a: {  	[sflag:s20] =	ssyncadd.s32 $0xFFFFFB00  }
0x1b: {  	_ =	swait.ge [sflag:s23], $0x500  }
0x1c: {  	[sflag:s23] =	ssyncset.done $0x0  }
0x1d: {  	[sflag:s23] =	ssyncadd.s32 $0xFFFFFB00  }
0x1e: {  	_ =	swait.ge [sflag:s29], $0x500  }
0x1f: {  	s28 =	sadd.s32 $0x1, s28;
	[sflag:s29] =	ssyncset.done $0x0  }
0x20: {  	p0 =	sne.s32 s28, s10;
	[sflag:s29] =	ssyncadd.s32 $0xFFFFFB00  }
.Ltmp1:
0x21: {  	[bflag:$0x0] =	sbarrier.arrive $0xFFFF;
	(pc) =	sbr.rel @!p0 .LBB2_5-.Ltmp1, $4  }
0x22: {  	[hbm:s9], [sflag:s13] =	dma.local [spmem:s15], $0x500  }
0x23: {  	_ =	swait.ge [sflag:s11], $0x500  }
0x24: {  	[sflag:s11] =	ssyncset.done $0x0  }
0x25: {  	[sflag:s11] =	ssyncadd.s32 $0xFFFFFB00  }
.LBB2_1:
0x26: {  	[tilespmem:s5], [sflag:$0x9] =	stream.linear.gather [hbm4b:s6+s5], $0x2710, $0x38;
	[tilespmem:$0xB220] =	vst v63  }
0x27: {  	_ =	swait.ge [sflag:s11], $0x2710  }
0x28: {  	[sflag:s11] =	ssyncset.done $0x0  }
0x29: {  	[sflag:s11] =	ssyncadd.s32 $0xFFFFD8F0  }
0x2a: {  	[tilespmem:s12], [sflag:$0x9] =	stream.linear.gather [hbm4b:s7+s5], $0x2710, $0x38;
	[tilespmem:$0xB220] =	vst v63  }
0x2b: {  	_ =	swait.ge [sflag:s11], $0x2710  }
0x2c: {  	[sflag:s11] =	ssyncset.done $0x0  }
0x2d: {  	[sflag:s11] =	ssyncadd.s32 $0xFFFFD8F0  }
0x2e: {  	[spmem:s14], [sflag:s13] =	dma.local [hbm:s8], $0x500  }
0x2f: {  	_ =	swait.ge [sflag:s11], $0x500  }
0x30: {  	[sflag:s11] =	ssyncset.done $0x0  }
0x31: {  	[sflag:s11] =	ssyncadd.s32 $0xFFFFFB00  }
0x32: {  	s0 =	rddreg [dreg:$0x1]  }
0x33: {  	[spmem:s15], [sflag:s13] =	dma.local [hbm:s0], $0x500  }
0x34: {  	_ =	swait.ge [sflag:s11], $0x500  }
0x35: {  	[sflag:s11] =	ssyncset.done $0x0  }
0x36: {  	[sflag:s11] =	ssyncadd.s32 $0xFFFFFB00  }
0x37: {  	[bflag:$0x0] =	sbarrier.arrive $0xFFFF  }
0x38: {  	[tilespmem:s17], [sflag:$0x1] =	stream.indirect.gather [spmem:s3], $0x10, s5, s16, $0xb8;
	[tilespmem:$0xB220] =	vst v63  }
0x39: {  	_ = 	snop  }
0x3a: {  	[tilespmem:s18], [sflag:$0x2] =	stream.indirect.gather [spmem:s3], $0x10, s16, s16, $0xb8;
	[tilespmem:$0xB220] =	vst v63  }
0x3b: {  	_ =	swait.ge [sflag:s19], $0x500  }
0x3c: {  	[sflag:s19] =	ssyncset.done $0x0  }
0x3d: {  	[sflag:s19] =	ssyncadd.s32 $0xFFFFFB00  }
0x3e: {  	[spmem:s4] =	stream.indirect.scatter.add.f32 [tilespmem:s17], [sflag:$0x5], $0x10, s12, s16, $0xb8;
	[tilespmem:$0xB220] =	vst v63  }
0x3f: {  	s2 =	simm.s32 $0xA0  }
0x40: {  	[tilespmem:s21], [sflag:$0x3] =	stream.indirect.gather [spmem:s3], $0x10, s2, s16, $0xb8;
	[tilespmem:$0xB220] =	vst v63  }
0x41: {  	_ =	swait.ge [sflag:s22], $0x500  }
0x42: {  	[sflag:s22] =	ssyncset.done $0x0  }
0x43: {  	s2 =	simm.s32 $0x2760;
	[sflag:s22] =	ssyncadd.s32 $0xFFFFFB00  }
0x44: {  	[spmem:s4] =	stream.indirect.scatter.add.f32 [tilespmem:s18], [sflag:$0x6], $0x10, s2, s16, $0xb8;
	[tilespmem:$0xB220] =	vst v63  }
0x45: {  	s2 =	simm.s32 $0xF0  }
0x46: {  	[tilespmem:s25], [sflag:$0x4] =	stream.indirect.gather [spmem:s3], $0x10, s2, s16, $0xb8;
	[tilespmem:$0xB220] =	vst v63  }
0x47: {  	_ =	swait.ge [sflag:s26], $0x500  }
0x48: {  	[sflag:s26] =	ssyncset.done $0x0  }
0x49: {  	s2 =	simm.s32 $0x27B0;
	[sflag:s26] =	ssyncadd.s32 $0xFFFFFB00  }
0x4a: {  	[spmem:s4] =	stream.indirect.scatter.add.f32 [tilespmem:s21], [sflag:$0x7], $0x10, s2, s16, $0xb8;
	[tilespmem:$0xB220] =	vst v63  }
0x4b: {  	_ =	swait.ge [sflag:s29], $0x500  }
0x4c: {  	[sflag:s29] =	ssyncset.done $0x0  }
0x4d: {  	s2 =	simm.s32 $0x140;
	[sflag:s29] =	ssyncadd.s32 $0xFFFFFB00  }
0x4e: {  	[tilespmem:s17], [sflag:$0x1] =	stream.indirect.gather [spmem:s3], $0x10, s2, s16, $0xb8;
	[tilespmem:$0xB220] =	vst v63  }
0x4f: {  	_ =	swait.ge [sflag:s31], $0x500  }
0x50: {  	[sflag:s31] =	ssyncset.done $0x0  }
0x51: {  	s2 =	simm.s32 $0x2800;
	[sflag:s31] =	ssyncadd.s32 $0xFFFFFB00  }
0x52: {  	[spmem:s4] =	stream.indirect.scatter.add.f32 [tilespmem:s25], [sflag:$0x8], $0x10, s2, s16, $0xb8;
	[tilespmem:$0xB220] =	vst v63  }
0x53: {  	_ =	swait.ge [sflag:s1], $0x500  }
0x54: {  	[sflag:s1] =	ssyncset.done $0x0  }
0x55: {  	s30 =	simm.s32 $0x0;
	s2 =	simm.s32 $0x190;
	[sflag:s1] =	ssyncadd.s32 $0xFFFFFB00  }
0x56: {  	[tilespmem:s18], [sflag:$0x2] =	stream.indirect.gather [spmem:s3], $0x10, s2, s16, $0xb8;
	[tilespmem:$0xB220] =	vst v63  }
.LBB2_2:
0x57: {  	_ =	swait.ge [sflag:s19], $0x500  }
0x58: {  	s0 =	sshra.s32 s30, $0x2;
	[sflag:s19] =	ssyncset.done $0x0  }
0x59: {  	s2 =	sadd.s32 $0x2850, s0;
	[sflag:s19] =	ssyncadd.s32 $0xFFFFFB00  }
0x5a: {  	[spmem:s4] =	stream.indirect.scatter.add.f32 [tilespmem:s17], [sflag:$0x5], $0x10, s2, s16, $0xb8;
	[tilespmem:$0xB220] =	vst v63  }
0x5b: {  	_ =	swait.ge [sflag:s20], $0x500  }
0x5c: {  	[sflag:s20] =	ssyncset.done $0x0  }
0x5d: {  	s2 =	sadd.s32 $0x1E0, s0;
	[sflag:s20] =	ssyncadd.s32 $0xFFFFFB00  }
0x5e: {  	[tilespmem:s21], [sflag:$0x3] =	stream.indirect.gather [spmem:s3], $0x10, s2, s16, $0xb8;
	[tilespmem:$0xB220] =	vst v63  }
0x5f: {  	_ =	swait.ge [sflag:s22], $0x500  }
0x60: {  	[sflag:s22] =	ssyncset.done $0x0  }
0x61: {  	s2 =	sadd.s32 $0x28A0, s0;
	[sflag:s22] =	ssyncadd.s32 $0xFFFFFB00  }
0x62: {  	[spmem:s4] =	stream.indirect.scatter.add.f32 [tilespmem:s18], [sflag:$0x6], $0x10, s2, s16, $0xb8;
	[tilespmem:$0xB220] =	vst v63  }
0x63: {  	_ =	swait.ge [sflag:s23], $0x500  }
0x64: {  	[sflag:s23] =	ssyncset.done $0x0  }
0x65: {  	s2 =	sadd.s32 $0x230, s0;
	[sflag:s23] =	ssyncadd.s32 $0xFFFFFB00  }
0x66: {  	[tilespmem:s25], [sflag:$0x4] =	stream.indirect.gather [spmem:s3], $0x10, s2, s16, $0xb8;
	[tilespmem:$0xB220] =	vst v63  }
0x67: {  	_ =	swait.ge [sflag:s26], $0x500  }
0x68: {  	[sflag:s26] =	ssyncset.done $0x0  }
0x69: {  	s2 =	sadd.s32 $0x28F0, s0;
	[sflag:s26] =	ssyncadd.s32 $0xFFFFFB00  }
0x6a: {  	[spmem:s4] =	stream.indirect.scatter.add.f32 [tilespmem:s21], [sflag:$0x7], $0x10, s2, s16, $0xb8;
	[tilespmem:$0xB220] =	vst v63  }
0x6b: {  	_ =	swait.ge [sflag:s29], $0x500  }
0x6c: {  	[sflag:s29] =	ssyncset.done $0x0  }
0x6d: {  	s2 =	sadd.s32 $0x280, s0;
	[sflag:s29] =	ssyncadd.s32 $0xFFFFFB00  }
0x6e: {  	[tilespmem:s17], [sflag:$0x1] =	stream.indirect.gather [spmem:s3], $0x10, s2, s16, $0xb8;
	[tilespmem:$0xB220] =	vst v63  }
0x6f: {  	_ =	swait.ge [sflag:s31], $0x500  }
0x70: {  	p0 =	seq.s32 s30, $0x9100;
	[sflag:s31] =	ssyncset.done $0x0  }
.Ltmp2:
0x71: {  	s2 =	sadd.s32 $0x2940, s0;
	[sflag:s31] =	ssyncadd.s32 $0xFFFFFB00;
	(pc) =	sbr.rel @p0 .LBB2_4-.Ltmp2, $4  }
0x72: {  	[spmem:s4] =	stream.indirect.scatter.add.f32 [tilespmem:s25], [sflag:$0x8], $0x10, s2, s16, $0xb8;
	[tilespmem:$0xB220] =	vst v63  }
0x73: {  	_ =	swait.ge [sflag:s1], $0x500  }
0x74: {  	[sflag:s1] =	ssyncset.done $0x0  }
0x75: {  	[sflag:s1] =	ssyncadd.s32 $0xFFFFFB00  }
.Ltmp3:
0x76: {  	(pc) =	sbr.rel .LBB2_2-.Ltmp3, $3  }
0x77: {  	_ =	sdelay $0x1  }
0x78: {  	s0 =	sadd.s32 $0x2D0, s0;
	s30 =	sadd.s32 $0x500, s30  }
0x79: {  	[tilespmem:s18], [sflag:$0x2] =	stream.indirect.gather [spmem:s3], $0x10, s0, s16, $0xb8;
	[tilespmem:$0xB220] =	vst v63  }
.LBB2_5:
0x7a: {  	_ =	sfence.sel $0x180000  }
0x7b: {  	[bflag:$0x0] =	sbarrier.arrive $0xFFFF  }
0x7c: {  	_ =	strace $0x90000050  }
0x7d: {  	s0 =	stileid.u32;
	[bflag:$0x2] =	sbarrier.arrive $0xFFFF  }
0x7e: {  	p0 =	sne.s32 s0, $0x0;
	s0 =	rddreg [dreg:$0x4]  }
0x7f: {  	s0 =	sadd.s32 @!p0 $0x100000, s0  }
0x80: {  	[sflag:s0] =	ssyncadd.tile.s32 @!p0 $0x1;
	_ =	shalt  }
.Lfunc_end2:
_tile_overlayer_lowered:
.L_overlay_start_2:
0x81: {  	(tag) =	ssettag $0x2  }
0x82: {  	s0 =	rddreg [dreg:$0x0];
	s2 =	stileid.u32  }
0x83: {  	s1 =	rddreg [dreg:$0x1];
	p0 =	sne.s32 s2, $0x0  }
0x84: {  	s3 =	rddreg [dreg:$0x2];
	[bflag:$0x3] =	sbarrier.arrive $0xFFFF;
	s2 =	simm.s32 @!p0 $0x1C09  }
0x85: {  	[timem:s3], [sflag:s2] =	dma.local @!p0 [hbm:s0], s1  }
0x86: {  	s0 =	simm.s32 @!p0 $0x9  }
0x87: {  	_ =	swait.ge @!p0 [sflag:s0], s1  }
0x88: {  	s1 =	ssub.s32 @!p0 $0x0, s1;
	[sflag:s0] =	ssyncset.done @!p0 $0x0  }
0x89: {  	[sflag:s0] =	ssyncadd.s32 @!p0 s1  }
0x8a: {  	[bflag:$0x3] =	sbarrier.arrive $0xFFFF  }
0x8b: {  	_ =	shalt  }

</sc_bundles>
